<compile_context>
chip_gen: v7x
topology: tpu7x:2x2x1
jax: 0.10.2.dev20260603
libtpu: 0.0.44.dev20260713+nightly
codegen_flags: <defaults>
</compile_context>

<pallas_src>
import functools

import jax
import jax.numpy as jnp
from jax import lax
from jax.experimental import pallas as pl
from jax.experimental.pallas import tpu as pltpu
from jax.experimental.pallas import tpu_sc as plsc

N = 10000
E = 320000
D = 128
D_OUT = 40

NTILE = 16
NCORE = 2
NW = NTILE * NCORE
NP = 10240
ROWS_PER_TILE = NP // NTILE
K = 128
NCHUNK = 80
EPW = NCHUNK * K
EP = NW * EPW

_mesh = plsc.VectorSubcoreMesh(core_axis_name="c", subcore_axis_name="s")



@functools.partial(
    pl.kernel,
    out_type=(
        jax.ShapeDtypeStruct((NW * NP,), jnp.float32),
        jax.ShapeDtypeStruct((NW * NP,), jnp.float32),
    ),
    mesh=_mesh,
    scratch_types=[
        pltpu.VMEM((EPW,), jnp.int32),
        pltpu.VMEM((EPW,), jnp.int32),
        pltpu.VMEM((NP,), jnp.float32),
        pltpu.VMEM((NP,), jnp.float32),
    ],
    compiler_params=pltpu.CompilerParams(needs_layout_passes=False),
)
def _sc_degrees(srcf, dstf, hs_out, hd_out,
                idxs, idxd, hist_s, hist_d):
    cid = lax.axis_index("c")
    sid = lax.axis_index("s")
    wid = cid * NTILE + sid
    ebase = wid * EPW

    pltpu.sync_copy(srcf.at[pl.ds(ebase, EPW)], idxs)
    pltpu.sync_copy(dstf.at[pl.ds(ebase, EPW)], idxd)

    def fillz(i, _):
        hist_s[pl.ds(i * 16, 16)] = jnp.zeros((16,), jnp.float32)
        hist_d[pl.ds(i * 16, 16)] = jnp.zeros((16,), jnp.float32)
        return 0
    lax.fori_loop(0, NP // 16, fillz, 0)

    ones16 = jnp.ones((16,), jnp.float32)

    def acc(i, _):
        i16 = idxs[pl.ds(i * 16, 16)]
        plsc.addupdate_scatter(hist_s, [i16], ones16)
        j16 = idxd[pl.ds(i * 16, 16)]
        plsc.addupdate_scatter(hist_d, [j16], ones16)
        return 0
    lax.fori_loop(0, EPW // 16, acc, 0)

    pltpu.sync_copy(hist_s, hs_out.at[pl.ds(wid * NP, NP)])
    pltpu.sync_copy(hist_d, hd_out.at[pl.ds(wid * NP, NP)])



@functools.partial(
    pl.kernel,
    out_type=jax.ShapeDtypeStruct((NCORE, NP, D), jnp.float32),
    mesh=_mesh,
    scratch_types=[
        pltpu.VMEM((EPW,), jnp.int32),
        pltpu.VMEM((K,), jnp.int32),
        pltpu.VMEM((K,), jnp.int32),
        pltpu.VMEM((K,), jnp.int32),
        pltpu.VMEM((K,), jnp.int32),
        pltpu.VMEM((K, D), jnp.float32),
        pltpu.VMEM((K, D), jnp.float32),
        pltpu.VMEM_SHARED((NP, D), jnp.float32),
        pltpu.SemaphoreType.DMA,
        pltpu.SemaphoreType.DMA,
        pltpu.SemaphoreType.DMA,
        pltpu.SemaphoreType.DMA,
        pltpu.SemaphoreType.DMA,
        pltpu.SemaphoreType.DMA,
    ],
)
def _sc_aggregate(xn, srcf, dstf, pout,
                  idxs, db0, db1, db2, db3, rows0, rows1, agg,
                  ds0, ds1, ds2, ds3, gs0, gs1):
    cid = lax.axis_index("c")
    sid = lax.axis_index("s")
    wid = cid * NTILE + sid
    dbufs = (db0, db1, db2, db3)
    dsems = (ds0, ds1, ds2, ds3)
    rows = (rows0, rows1)
    gsems = (gs0, gs1)

    def fill(i, _):
        r = i // (D // 16)
        c = (i % (D // 16)) * 16
        rows0[r, pl.ds(c, 16)] = jnp.zeros((16,), jnp.float32)
        return 0
    lax.fori_loop(0, K * (D // 16), fill, 0)

    base = sid * ROWS_PER_TILE
    for j in range(ROWS_PER_TILE // K):
        pltpu.sync_copy(rows0, agg.at[pl.ds(base + j * K, K)])
    plsc.subcore_barrier()

    ebase = wid * EPW
    pltpu.sync_copy(srcf.at[pl.ds(ebase, EPW)], idxs)
    for j in range(4):
        pltpu.async_copy(dstf.at[pl.ds(ebase + j * K, K)], dbufs[j], dsems[j])
    for j in range(2):
        pltpu.async_copy(xn.at[idxs.at[pl.ds(j * K, K)]], rows[j], gsems[j])

    def outer(g, _):
        for q in range(4):
            j = g * 4 + q
            b = q % 2
            pltpu.make_async_copy(
                xn.at[idxs.at[pl.ds(j * K, K)]], rows[b], gsems[b]).wait()
            pltpu.make_async_copy(
                dstf.at[pl.ds(ebase + j * K, K)], dbufs[q], dsems[q]).wait()
            pltpu.sync_copy(rows[b], agg.at[dbufs[q]], add=True)

            @pl.when(j + 4 < NCHUNK)
            def _():
                pltpu.async_copy(
                    dstf.at[pl.ds(ebase + (j + 4) * K, K)], dbufs[q], dsems[q])

            @pl.when(j + 2 < NCHUNK)
            def _():
                pltpu.async_copy(
                    xn.at[idxs.at[pl.ds((j + 2) * K, K)]], rows[b], gsems[b])
        return 0
    lax.fori_loop(0, NCHUNK // 4, outer, 0)
    plsc.subcore_barrier()

    for j in range(ROWS_PER_TILE // K):
        sl = pl.ds(base + j * K, K)
        pltpu.sync_copy(agg.at[sl], rows0)
        pltpu.sync_copy(rows0, pout.at[cid, sl])



BLK = 256


def _tc_norms_body(hs_ref, hd_ref, h_ref, xn_ref, nin_ref, nout_ref):
    i = pl.program_id(0)
    onesw = jnp.ones((NW, 1), jnp.float32)
    cdims = (((0,), (0,)), ((), ()))
    deg_out = lax.dot_general(hs_ref[...], onesw, cdims,
                              preferred_element_type=jnp.float32)
    deg_in = lax.dot_general(hd_ref[...], onesw, cdims,
                             preferred_element_type=jnp.float32)
    no = lax.rsqrt(jnp.maximum(deg_out, 1.0))
    ni = lax.rsqrt(jnp.maximum(deg_in, 1.0))
    row = i * BLK + lax.broadcasted_iota(jnp.int32, (BLK, 1), 0)
    valid = row < N
    no = jnp.where(valid, no, 0.0)
    ni = jnp.where(valid, ni, 0.0)
    nout_ref[...] = jnp.broadcast_to(no, (BLK, D))
    nin_ref[...] = jnp.broadcast_to(ni, (BLK, D))
    xn_ref[...] = h_ref[...] * no


def _tc_norms(hs, hd, h_pad):
    return pl.pallas_call(
        _tc_norms_body,
        grid=(NP // BLK,),
        in_specs=[
            pl.BlockSpec((NW, BLK), lambda i: (0, i)),
            pl.BlockSpec((NW, BLK), lambda i: (0, i)),
            pl.BlockSpec((BLK, D), lambda i: (i, 0)),
        ],
        out_specs=[
            pl.BlockSpec((BLK, D), lambda i: (i, 0)),
            pl.BlockSpec((BLK, D), lambda i: (i, 0)),
            pl.BlockSpec((BLK, D), lambda i: (i, 0)),
        ],
        out_shape=[
            jax.ShapeDtypeStruct((NP, D), jnp.float32),
            jax.ShapeDtypeStruct((NP, D), jnp.float32),
            jax.ShapeDtypeStruct((NP, D), jnp.float32),
        ],
    )(hs, hd, h_pad)


def _tc_layer1_body(p_ref, nin_ref, nout_ref, w_ref, b_ref, o_ref):
    acc = (p_ref[0] + p_ref[1]) * nin_ref[...]
    y = jnp.dot(acc, w_ref[...], preferred_element_type=jnp.float32)
    y = jnp.maximum(y + b_ref[...], 0.0)
    o_ref[...] = y * nout_ref[...]


def _tc_layer1(p, nin, nout, W, b):
    return pl.pallas_call(
        _tc_layer1_body,
        grid=(NP // BLK,),
        in_specs=[
            pl.BlockSpec((NCORE, BLK, D), lambda i: (0, i, 0)),
            pl.BlockSpec((BLK, D), lambda i: (i, 0)),
            pl.BlockSpec((BLK, D), lambda i: (i, 0)),
            pl.BlockSpec((D, D), lambda i: (0, 0)),
            pl.BlockSpec((1, D), lambda i: (0, 0)),
        ],
        out_specs=pl.BlockSpec((BLK, D), lambda i: (i, 0)),
        out_shape=jax.ShapeDtypeStruct((NP, D), jnp.float32),
    )(p, nin, nout, W, b)


def _tc_layer2_body(p_ref, nin_ref, w_ref, b_ref, o_ref):
    i = pl.program_id(0)
    acc = (p_ref[0] + p_ref[1]) * nin_ref[...]
    y = jnp.dot(acc, w_ref[...], preferred_element_type=jnp.float32)
    y = jnp.maximum(y + b_ref[...], 0.0)
    row = i * BLK + lax.broadcasted_iota(jnp.int32, (BLK, 1), 0)
    y = jnp.where(row < N, y, 0.0)

    @pl.when(i == 0)
    def _():
        o_ref[...] = jnp.zeros_like(o_ref)

    o_ref[...] += jnp.sum(y, axis=0, keepdims=True)


def _tc_layer2(p, nin, W, b):
    return pl.pallas_call(
        _tc_layer2_body,
        grid=(NP // BLK,),
        in_specs=[
            pl.BlockSpec((NCORE, BLK, D), lambda i: (0, i, 0)),
            pl.BlockSpec((BLK, D), lambda i: (i, 0)),
            pl.BlockSpec((D, D), lambda i: (0, 0)),
            pl.BlockSpec((1, D), lambda i: (0, 0)),
        ],
        out_specs=pl.BlockSpec((1, D), lambda i: (0, 0)),
        out_shape=jax.ShapeDtypeStruct((1, D), jnp.float32),
    )(p, nin, W, b)


def _tc_head_body(cs_ref, wm_ref, bm_ref, o_ref):
    hg = cs_ref[...] * (1.0 / N)
    logits = jnp.dot(hg, wm_ref[...], preferred_element_type=jnp.float32)
    logits = logits + bm_ref[...]
    m = jnp.max(logits, axis=0, keepdims=True)
    e = jnp.exp(logits - m)
    lse = m + jnp.log(jnp.sum(e, axis=0, keepdims=True))
    o_ref[...] = logits - lse


def _tc_head(cs, Wm, bm):
    return pl.pallas_call(
        _tc_head_body,
        out_shape=jax.ShapeDtypeStruct((1, D_OUT), jnp.float32),
    )(cs, Wm, bm)



def kernel(h, edge_index, W1, b1, W2, b2, Wm, bm):
    pad = EP - E
    ei = jnp.pad(edge_index.astype(jnp.int32), ((0, 0), (0, pad)),
                 constant_values=N)
    srcf = ei[0]
    dstf = ei[1]

    hs, hd = _sc_degrees(srcf, dstf)
    hs = hs.reshape(NW, NP)
    hd = hd.reshape(NW, NP)
    h_pad = jnp.pad(h, ((0, NP - N), (0, 0)))
    xn1, nin, nout = _tc_norms(hs, hd, h_pad)
    p1 = _sc_aggregate(xn1, srcf, dstf)
    xn2 = _tc_layer1(p1, nin, nout, W1, b1.reshape(1, D))
    p2 = _sc_aggregate(xn2, srcf, dstf)
    cs = _tc_layer2(p2, nin, W2, b2.reshape(1, D))
    return _tc_head(cs, Wm, bm.reshape(1, D_OUT))

# --- scband reference (transcript-rebuilt; emitter-appended) ---
"""Pipeline reference for scband-gcn-72567767433973 (READ-ONLY COPY).

The authoritative reference and input builder live on the scoring server;
editing this copy changes nothing except your own understanding.
"""

import jax, jax.numpy as jnp
import numpy as np

N = 10000
E = 320000
D_IN = 128
D_HID = 128
D_OUT = 40

def setup_inputs(seed: int = 0):
    key = jax.random.key(seed)
    ks = jax.random.split(key, 8)
    h = jax.random.normal(ks[0], (N, D_IN), dtype=jnp.float32)
    edge_index = jax.random.randint(ks[1], (2, E), 0, N)
    s = 1.0 / np.sqrt(D_IN)
    W1 = jax.random.uniform(ks[2], (D_IN, D_HID), minval=-s, maxval=s, dtype=jnp.float32)
    b1 = jnp.zeros((D_HID,), dtype=jnp.float32)
    W2 = jax.random.uniform(ks[3], (D_HID, D_HID), minval=-s, maxval=s, dtype=jnp.float32)
    b2 = jnp.zeros((D_HID,), dtype=jnp.float32)
    Wm = jax.random.uniform(ks[4], (D_HID, D_OUT), minval=-s, maxval=s, dtype=jnp.float32)
    bm = jnp.zeros((D_OUT,), dtype=jnp.float32)
    return {'h': h, 'edge_index': edge_index, 'W1': W1, 'b1': b1, 'W2': W2, 'b2': b2, 'Wm': Wm, 'bm': bm}

def _graph_conv(x, src, dst, W, b):
    # DGL GraphConv with default norm='both': D_out^{-1/2} A D_in^{-1/2} X W + b
    ones = jnp.ones((src.shape[0],), dtype=jnp.float32)
    deg_out = jnp.zeros((N,), dtype=jnp.float32).at[src].add(ones)
    deg_in = jnp.zeros((N,), dtype=jnp.float32).at[dst].add(ones)
    norm_out = jnp.power(jnp.clip(deg_out, 1.0), -0.5)
    norm_in = jnp.power(jnp.clip(deg_in, 1.0), -0.5)
    msg = (x * norm_out[:, None])[src]          # gather from source nodes
    agg = jnp.zeros((N, x.shape[1]), dtype=x.dtype).at[dst].add(msg)  # scatter-add to dst
    agg = agg * norm_in[:, None]
    return agg @ W + b

def reference(h, edge_index, W1, b1, W2, b2, Wm, bm):
    src = edge_index[0]
    dst = edge_index[1]
    x = jax.nn.relu(_graph_conv(h, src, dst, W1, b1))
    x = jax.nn.relu(_graph_conv(x, src, dst, W2, b2))
    # dgl.mean_nodes readout (single graph in batch) -> [1, hidden]
    hg = jnp.mean(x, axis=0, keepdims=True)
    logits = hg @ Wm + bm
    return jax.nn.log_softmax(logits, axis=0)

if __name__ == "__main__":
    import jax
    _d = setup_inputs()
    print(jax.jit(kernel)(*tuple(_d.values())))

</pallas_src>

<mosaic_0001>
#map = affine_map<(d0, d1) -> (0)>
module attributes {stable_mosaic.version = 14 : i64} {
  func.func @_sc_degrees(%arg0: i32, %arg1: i32, %arg2: memref<327680xi32, #tpu.memory_space<hbm>>, %arg3: memref<327680xi32, #tpu.memory_space<hbm>>, %arg4: memref<327680xf32, #tpu.memory_space<hbm>>, %arg5: memref<327680xf32, #tpu.memory_space<hbm>>, %arg6: memref<10240xi32, #tpu.memory_space<vmem>>, %arg7: memref<10240xi32, #tpu.memory_space<vmem>>, %arg8: memref<10240xf32, #tpu.memory_space<vmem>>, %arg9: memref<10240xf32, #tpu.memory_space<vmem>>) attributes {dimension_semantics = [#tpu.dimension_semantics<core_parallel>, #tpu.dimension_semantics<subcore_parallel>], iteration_bounds = array<i64: 2, 16>, scalar_prefetch = 0 : i64, scratch_operands = 4 : i64, tpu.core_type = #tpu.core_type<sc_vector_subcore>, window_params = [{transform_indices = #map}, {transform_indices = #map}, {transform_indices = #map}, {transform_indices = #map}]} {
    %mul3A = arith.constant 16 : i32
    %mul3A_0 = arith.muli %arg0, %mul3A : i32
    %add3A = arith.addi %mul3A_0, %arg1 : i32
    %mul3A_1 = arith.constant 10240 : i32
    %mul3A_2 = arith.muli %add3A, %mul3A_1 : i32
    "tpu.region"() ({
      %run_scoped3A = tpu.sem_alloc : memref<!tpu.dma_semaphore, #tpu.memory_space<semaphore_mem>>
      %dma_start3A = tpu.memref_slice %arg2[%mul3A_2] : memref<327680xi32, #tpu.memory_space<hbm>> -> memref<10240xi32, #tpu.memory_space<hbm>>
      %dma_start3A_21 = tpu.memref_slice %arg2[%mul3A_2] : memref<327680xi32, #tpu.memory_space<hbm>> -> memref<10240xi32, #tpu.memory_space<hbm>>
      tpu.enqueue_dma source(%dma_start3A_21 : memref<10240xi32, #tpu.memory_space<hbm>>) target(%arg6 : memref<10240xi32, #tpu.memory_space<vmem>>) target_semaphore(%run_scoped3A : memref<!tpu.dma_semaphore, #tpu.memory_space<semaphore_mem>>)
      %dma_wait3A = tpu.memref_slice %arg2[%mul3A_2] : memref<327680xi32, #tpu.memory_space<hbm>> -> memref<10240xi32, #tpu.memory_space<hbm>>
      %dma_wait3A_22 = tpu.memref_slice %arg2[%mul3A_2] : memref<327680xi32, #tpu.memory_space<hbm>> -> memref<10240xi32, #tpu.memory_space<hbm>>
      tpu.wait_dma2 semaphore(%run_scoped3A : memref<!tpu.dma_semaphore, #tpu.memory_space<semaphore_mem>>) src(%dma_wait3A_22 : memref<10240xi32, #tpu.memory_space<hbm>>) dst(%arg6 : memref<10240xi32, #tpu.memory_space<vmem>>)
      tpu.yield
    }) : () -> ()
    "tpu.region"() ({
      %run_scoped3A = tpu.sem_alloc : memref<!tpu.dma_semaphore, #tpu.memory_space<semaphore_mem>>
      %dma_start3A = tpu.memref_slice %arg3[%mul3A_2] : memref<327680xi32, #tpu.memory_space<hbm>> -> memref<10240xi32, #tpu.memory_space<hbm>>
      %dma_start3A_21 = tpu.memref_slice %arg3[%mul3A_2] : memref<327680xi32, #tpu.memory_space<hbm>> -> memref<10240xi32, #tpu.memory_space<hbm>>
      tpu.enqueue_dma source(%dma_start3A_21 : memref<10240xi32, #tpu.memory_space<hbm>>) target(%arg7 : memref<10240xi32, #tpu.memory_space<vmem>>) target_semaphore(%run_scoped3A : memref<!tpu.dma_semaphore, #tpu.memory_space<semaphore_mem>>)
      %dma_wait3A = tpu.memref_slice %arg3[%mul3A_2] : memref<327680xi32, #tpu.memory_space<hbm>> -> memref<10240xi32, #tpu.memory_space<hbm>>
      %dma_wait3A_22 = tpu.memref_slice %arg3[%mul3A_2] : memref<327680xi32, #tpu.memory_space<hbm>> -> memref<10240xi32, #tpu.memory_space<hbm>>
      tpu.wait_dma2 semaphore(%run_scoped3A : memref<!tpu.dma_semaphore, #tpu.memory_space<semaphore_mem>>) src(%dma_wait3A_22 : memref<10240xi32, #tpu.memory_space<hbm>>) dst(%arg7 : memref<10240xi32, #tpu.memory_space<vmem>>)
      tpu.yield
    }) : () -> ()
    %scan3A = arith.constant 0 : i32
    %scan3A_3 = arith.constant 0 : i32
    %scan3A_4 = arith.constant 640 : i32
    %scan3A_5 = arith.addi %scan3A_3, %scan3A_4 : i32
    %scan3A_6 = arith.constant 1 : i32
    %scan3A_7 = scf.for %scan3A_21 = %scan3A_3 to %scan3A_5 step %scan3A_6 iter_args(%scan3A_22 = %scan3A) -> (i32)  : i32 {
      %broadcast_in_dim3A_23 = arith.constant 0.000000e+00 : f32
      %broadcast_in_dim3A_24 = vector.broadcast %broadcast_in_dim3A_23 : f32 to vector<16xf32>
      %mul3A_25 = arith.constant 16 : i32
      %mul3A_26 = arith.muli %scan3A_21, %mul3A_25 : i32
      %swap3A = arith.index_cast %mul3A_26 : i32 to index
      %swap3A_27 = tpu.vector_load %arg8[%swap3A] {strides = array<i32>} : memref<10240xf32, #tpu.memory_space<vmem>>, vector<16xf32>,
      tpu.vector_store %arg8[%swap3A], %broadcast_in_dim3A_24 {strides = array<i32>} : memref<10240xf32, #tpu.memory_space<vmem>>, vector<16xf32>,
      %broadcast_in_dim3A_28 = arith.constant 0.000000e+00 : f32
      %broadcast_in_dim3A_29 = vector.broadcast %broadcast_in_dim3A_28 : f32 to vector<16xf32>
      %mul3A_30 = arith.constant 16 : i32
      %mul3A_31 = arith.muli %scan3A_21, %mul3A_30 : i32
      %swap3A_32 = arith.index_cast %mul3A_31 : i32 to index
      %swap3A_33 = tpu.vector_load %arg9[%swap3A_32] {strides = array<i32>} : memref<10240xf32, #tpu.memory_space<vmem>>, vector<16xf32>,
      tpu.vector_store %arg9[%swap3A_32], %broadcast_in_dim3A_29 {strides = array<i32>} : memref<10240xf32, #tpu.memory_space<vmem>>, vector<16xf32>,
      %scan3A_34 = arith.constant 0 : i32
      scf.yield %scan3A_34 : i32
    }
    %scan3A_8 = arith.constant 640 : i32
    %broadcast_in_dim3A = arith.constant 1.000000e+00 : f32
    %broadcast_in_dim3A_9 = vector.broadcast %broadcast_in_dim3A : f32 to vector<16xf32>
    %scan3A_10 = arith.constant 0 : i32
    %scan3A_11 = arith.constant 0 : i32
    %scan3A_12 = arith.constant 640 : i32
    %scan3A_13 = arith.addi %scan3A_11, %scan3A_12 : i32
    %scan3A_14 = arith.constant 1 : i32
    %scan3A_15 = scf.for %scan3A_21 = %scan3A_11 to %scan3A_13 step %scan3A_14 iter_args(%scan3A_22 = %scan3A_10) -> (i32)  : i32 {
      %mul3A_23 = arith.constant 16 : i32
      %mul3A_24 = arith.muli %scan3A_21, %mul3A_23 : i32
      %get3A = arith.index_cast %mul3A_24 : i32 to index
      %get3A_25 = tpu.vector_load %arg6[%get3A] {strides = array<i32>} : memref<10240xi32, #tpu.memory_space<vmem>>, vector<16xi32>,
      tpu.vector_store_idx %arg8[%get3A_25], %broadcast_in_dim3A_9 {add = true} : memref<10240xf32, #tpu.memory_space<vmem>>[vector<16xi32>], vector<16xf32>,
      %mul3A_26 = arith.constant 16 : i32
      %mul3A_27 = arith.muli %scan3A_21, %mul3A_26 : i32
      %get3A_28 = arith.index_cast %mul3A_27 : i32 to index
      %get3A_29 = tpu.vector_load %arg7[%get3A_28] {strides = array<i32>} : memref<10240xi32, #tpu.memory_space<vmem>>, vector<16xi32>,
      tpu.vector_store_idx %arg9[%get3A_29], %broadcast_in_dim3A_9 {add = true} : memref<10240xf32, #tpu.memory_space<vmem>>[vector<16xi32>], vector<16xf32>,
      %scan3A_30 = arith.constant 0 : i32
      scf.yield %scan3A_30 : i32
    }
    %scan3A_16 = arith.constant 640 : i32
    %mul3A_17 = arith.constant 10240 : i32
    %mul3A_18 = arith.muli %add3A, %mul3A_17 : i32
    "tpu.region"() ({
      %run_scoped3A = tpu.sem_alloc : memref<!tpu.dma_semaphore, #tpu.memory_space<semaphore_mem>>
      %dma_start3A = tpu.memref_slice %arg4[%mul3A_18] : memref<327680xf32, #tpu.memory_space<hbm>> -> memref<10240xf32, #tpu.memory_space<hbm>>
      %dma_start3A_21 = tpu.memref_slice %arg4[%mul3A_18] : memref<327680xf32, #tpu.memory_space<hbm>> -> memref<10240xf32, #tpu.memory_space<hbm>>
      tpu.enqueue_dma source(%arg8 : memref<10240xf32, #tpu.memory_space<vmem>>) target(%dma_start3A_21 : memref<10240xf32, #tpu.memory_space<hbm>>) target_semaphore(%run_scoped3A : memref<!tpu.dma_semaphore, #tpu.memory_space<semaphore_mem>>)
      %dma_wait3A = tpu.memref_slice %arg4[%mul3A_18] : memref<327680xf32, #tpu.memory_space<hbm>> -> memref<10240xf32, #tpu.memory_space<hbm>>
      %dma_wait3A_22 = tpu.memref_slice %arg4[%mul3A_18] : memref<327680xf32, #tpu.memory_space<hbm>> -> memref<10240xf32, #tpu.memory_space<hbm>>
      tpu.wait_dma2 semaphore(%run_scoped3A : memref<!tpu.dma_semaphore, #tpu.memory_space<semaphore_mem>>) src(%arg8 : memref<10240xf32, #tpu.memory_space<vmem>>) dst(%dma_wait3A_22 : memref<10240xf32, #tpu.memory_space<hbm>>)
      tpu.yield
    }) : () -> ()
    %mul3A_19 = arith.constant 10240 : i32
    %mul3A_20 = arith.muli %add3A, %mul3A_19 : i32
    "tpu.region"() ({
      %run_scoped3A = tpu.sem_alloc : memref<!tpu.dma_semaphore, #tpu.memory_space<semaphore_mem>>
      %dma_start3A = tpu.memref_slice %arg5[%mul3A_20] : memref<327680xf32, #tpu.memory_space<hbm>> -> memref<10240xf32, #tpu.memory_space<hbm>>
      %dma_start3A_21 = tpu.memref_slice %arg5[%mul3A_20] : memref<327680xf32, #tpu.memory_space<hbm>> -> memref<10240xf32, #tpu.memory_space<hbm>>
      tpu.enqueue_dma source(%arg9 : memref<10240xf32, #tpu.memory_space<vmem>>) target(%dma_start3A_21 : memref<10240xf32, #tpu.memory_space<hbm>>) target_semaphore(%run_scoped3A : memref<!tpu.dma_semaphore, #tpu.memory_space<semaphore_mem>>)
      %dma_wait3A = tpu.memref_slice %arg5[%mul3A_20] : memref<327680xf32, #tpu.memory_space<hbm>> -> memref<10240xf32, #tpu.memory_space<hbm>>
      %dma_wait3A_22 = tpu.memref_slice %arg5[%mul3A_20] : memref<327680xf32, #tpu.memory_space<hbm>> -> memref<10240xf32, #tpu.memory_space<hbm>>
      tpu.wait_dma2 semaphore(%run_scoped3A : memref<!tpu.dma_semaphore, #tpu.memory_space<semaphore_mem>>) src(%arg9 : memref<10240xf32, #tpu.memory_space<vmem>>) dst(%dma_wait3A_22 : memref<10240xf32, #tpu.memory_space<hbm>>)
      tpu.yield
    }) : () -> ()
    return
  }
}

#map = affine_map<(d0, d1) -> (0, 0)>
#map1 = affine_map<(d0, d1) -> (0)>
#map2 = affine_map<(d0, d1) -> (0, 0, 0)>
module attributes {stable_mosaic.version = 14 : i64} {
  func.func @_sc_aggregate(%arg0: i32, %arg1: i32, %arg2: memref<10240x128xf32, #tpu.memory_space<hbm>>, %arg3: memref<327680xi32, #tpu.memory_space<hbm>>, %arg4: memref<327680xi32, #tpu.memory_space<hbm>>, %arg5: memref<2x10240x128xf32, #tpu.memory_space<hbm>>, %arg6: memref<10240xi32, #tpu.memory_space<vmem>>, %arg7: memref<128xi32, #tpu.memory_space<vmem>>, %arg8: memref<128xi32, #tpu.memory_space<vmem>>, %arg9: memref<128xi32, #tpu.memory_space<vmem>>, %arg10: memref<128xi32, #tpu.memory_space<vmem>>, %arg11: memref<128x128xf32, #tpu.memory_space<vmem>>, %arg12: memref<128x128xf32, #tpu.memory_space<vmem>>, %arg13: memref<10240x128xf32, #tpu.memory_space<vmem_shared>>, %arg14: memref<!tpu.dma_semaphore, #tpu.memory_space<semaphore_mem>>, %arg15: memref<!tpu.dma_semaphore, #tpu.memory_space<semaphore_mem>>, %arg16: memref<!tpu.dma_semaphore, #tpu.memory_space<semaphore_mem>>, %arg17: memref<!tpu.dma_semaphore, #tpu.memory_space<semaphore_mem>>, %arg18: memref<!tpu.dma_semaphore, #tpu.memory_space<semaphore_mem>>, %arg19: memref<!tpu.dma_semaphore, #tpu.memory_space<semaphore_mem>>) attributes {dimension_semantics = [#tpu.dimension_semantics<core_parallel>, #tpu.dimension_semantics<subcore_parallel>], iteration_bounds = array<i64: 2, 16>, scalar_prefetch = 0 : i64, scratch_operands = 14 : i64, tpu.core_type = #tpu.core_type<sc_vector_subcore>, window_params = [{transform_indices = #map}, {transform_indices = #map1}, {transform_indices = #map1}, {transform_indices = #map2}]} {
    %mul3A = arith.constant 16 : i32
    %mul3A_0 = arith.muli %arg0, %mul3A : i32
    %add3A = arith.addi %mul3A_0, %arg1 : i32
    %scan3A = arith.constant 0 : i32
    %scan3A_1 = arith.constant 0 : i32
    %scan3A_2 = arith.constant 1024 : i32
    %scan3A_3 = arith.addi %scan3A_1, %scan3A_2 : i32
    %scan3A_4 = arith.constant 1 : i32
    %scan3A_5 = scf.for %scan3A_64 = %scan3A_1 to %scan3A_3 step %scan3A_4 iter_args(%scan3A_65 = %scan3A) -> (i32)  : i32 {
      %jit3A = arith.constant 8 : i32
      %div3A = arith.divsi %scan3A_64, %jit3A : i32
      %sign3A = arith.constant 0 : i32
      %sign3A_66 = arith.cmpi sgt, %scan3A_64, %sign3A : i32
      %sign3A_67 = arith.extui %sign3A_66 : i1 to i32
      %sign3A_68 = arith.constant 0 : i32
      %sign3A_69 = arith.cmpi slt, %scan3A_64, %sign3A_68 : i32
      %sign3A_70 = arith.extui %sign3A_69 : i1 to i32
      %sign3A_71 = arith.subi %sign3A_67, %sign3A_70 : i32
      %sign3A_72 = arith.constant 0 : i32
      %sign3A_73 = arith.cmpi sgt, %jit3A, %sign3A_72 : i32
      %sign3A_74 = arith.extui %sign3A_73 : i1 to i32
      %sign3A_75 = arith.constant 0 : i32
      %sign3A_76 = arith.cmpi slt, %jit3A, %sign3A_75 : i32
      %sign3A_77 = arith.extui %sign3A_76 : i1 to i32
      %sign3A_78 = arith.subi %sign3A_74, %sign3A_77 : i32
      %ne3A = arith.cmpi ne, %sign3A_71, %sign3A_78 : i32
      %rem3A = arith.remsi %scan3A_64, %jit3A : i32
      %ne3A_79 = arith.constant 0 : i32
      %ne3A_80 = arith.cmpi ne, %rem3A, %ne3A_79 : i32
      %and3A = arith.andi %ne3A, %ne3A_80 : i1
      %sub3A = arith.constant 1 : i32
      %sub3A_81 = arith.subi %div3A, %sub3A : i32
      %select_n3A = arith.select %and3A, %sub3A_81, %div3A : i32
      %jit3A_82 = arith.constant 8 : i32
      %eq3A = arith.constant 0 : i32
      %eq3A_83 = arith.cmpi eq, %jit3A_82, %eq3A : i32
      %jit3A_84 = arith.constant 1 : i32
      %select_n3A_85 = arith.select %eq3A_83, %jit3A_84, %jit3A_82 : i32
      %rem3A_86 = arith.remsi %scan3A_64, %select_n3A_85 : i32
      %ne3A_87 = arith.constant 0 : i32
      %ne3A_88 = arith.cmpi ne, %rem3A_86, %ne3A_87 : i32
      %lt3A = arith.constant 0 : i32
      %lt3A_89 = arith.cmpi slt, %rem3A_86, %lt3A : i32
      %lt3A_90 = arith.constant 0 : i32
      %lt3A_91 = arith.cmpi slt, %select_n3A_85, %lt3A_90 : i32
      %ne3A_92 = arith.xori %lt3A_89, %lt3A_91 : i1
      %and3A_93 = arith.andi %ne3A_92, %ne3A_88 : i1
      %add3A_94 = arith.addi %rem3A_86, %select_n3A_85 : i32
      %select_n3A_95 = arith.select %and3A_93, %add3A_94, %rem3A_86 : i32
      %mul3A_96 = arith.constant 16 : i32
      %mul3A_97 = arith.muli %select_n3A_95, %mul3A_96 : i32
      %broadcast_in_dim3A = arith.constant 0.000000e+00 : f32
      %broadcast_in_dim3A_98 = vector.broadcast %broadcast_in_dim3A : f32 to vector<16xf32>
      %swap3A = arith.index_cast %select_n3A : i32 to index
      %swap3A_99 = arith.index_cast %mul3A_97 : i32 to index
      %swap3A_100 = tpu.vector_load %arg11[%swap3A, %swap3A_99] {strides = array<i32>} : memref<128x128xf32, #tpu.memory_space<vmem>>, vector<1x16xf32>,
      %swap3A_101 = vector.shape_cast %swap3A_100 : vector<1x16xf32> to vector<16xf32>
      %swap3A_102 = vector.shape_cast %broadcast_in_dim3A_98 : vector<16xf32> to vector<1x16xf32>
      tpu.vector_store %arg11[%swap3A, %swap3A_99], %swap3A_102 {strides = array<i32>} : memref<128x128xf32, #tpu.memory_space<vmem>>, vector<1x16xf32>,
      %scan3A_103 = arith.constant 0 : i32
      scf.yield %scan3A_103 : i32
    }
    %scan3A_6 = arith.constant 1024 : i32
    %mul3A_7 = arith.constant 640 : i32
    %mul3A_8 = arith.muli %arg1, %mul3A_7 : i32
    %add3A_9 = arith.constant 0 : i32
    %add3A_10 = arith.addi %mul3A_8, %add3A_9 : i32
    "tpu.region"() ({
      %run_scoped3A = tpu.sem_alloc : memref<!tpu.dma_semaphore, #tpu.memory_space<semaphore_mem>>
      %dma_start3A_64 = arith.constant 0 : i32
      %dma_start3A_65 = tpu.memref_slice %arg13[%add3A_10, %dma_start3A_64] : memref<10240x128xf32, #tpu.memory_space<vmem_shared>> -> memref<128x128xf32, #tpu.memory_space<vmem_shared>>
      %dma_start3A_66 = arith.constant 0 : i32
      %dma_start3A_67 = tpu.memref_slice %arg13[%add3A_10, %dma_start3A_66] : memref<10240x128xf32, #tpu.memory_space<vmem_shared>> -> memref<128x128xf32, #tpu.memory_space<vmem_shared>>
      tpu.enqueue_dma source(%arg11 : memref<128x128xf32, #tpu.memory_space<vmem>>) target(%dma_start3A_67 : memref<128x128xf32, #tpu.memory_space<vmem_shared>>) target_semaphore(%run_scoped3A : memref<!tpu.dma_semaphore, #tpu.memory_space<semaphore_mem>>)
      %dma_wait3A = arith.constant 0 : i32
      %dma_wait3A_68 = tpu.memref_slice %arg13[%add3A_10, %dma_wait3A] : memref<10240x128xf32, #tpu.memory_space<vmem_shared>> -> memref<128x128xf32, #tpu.memory_space<vmem_shared>>
      %dma_wait3A_69 = arith.constant 0 : i32
      %dma_wait3A_70 = tpu.memref_slice %arg13[%add3A_10, %dma_wait3A_69] : memref<10240x128xf32, #tpu.memory_space<vmem_shared>> -> memref<128x128xf32, #tpu.memory_space<vmem_shared>>
      tpu.wait_dma2 semaphore(%run_scoped3A : memref<!tpu.dma_semaphore, #tpu.memory_space<semaphore_mem>>) src(%arg11 : memref<128x128xf32, #tpu.memory_space<vmem>>) dst(%dma_wait3A_70 : memref<128x128xf32, #tpu.memory_space<vmem_shared>>)
      tpu.yield
    }) : () -> ()
    %add3A_11 = arith.constant 128 : i32
    %add3A_12 = arith.addi %mul3A_8, %add3A_11 : i32
    "tpu.region"() ({
      %run_scoped3A = tpu.sem_alloc : memref<!tpu.dma_semaphore, #tpu.memory_space<semaphore_mem>>
      %dma_start3A_64 = arith.constant 0 : i32
      %dma_start3A_65 = tpu.memref_slice %arg13[%add3A_12, %dma_start3A_64] : memref<10240x128xf32, #tpu.memory_space<vmem_shared>> -> memref<128x128xf32, #tpu.memory_space<vmem_shared>>
      %dma_start3A_66 = arith.constant 0 : i32
      %dma_start3A_67 = tpu.memref_slice %arg13[%add3A_12, %dma_start3A_66] : memref<10240x128xf32, #tpu.memory_space<vmem_shared>> -> memref<128x128xf32, #tpu.memory_space<vmem_shared>>
      tpu.enqueue_dma source(%arg11 : memref<128x128xf32, #tpu.memory_space<vmem>>) target(%dma_start3A_67 : memref<128x128xf32, #tpu.memory_space<vmem_shared>>) target_semaphore(%run_scoped3A : memref<!tpu.dma_semaphore, #tpu.memory_space<semaphore_mem>>)
      %dma_wait3A = arith.constant 0 : i32
      %dma_wait3A_68 = tpu.memref_slice %arg13[%add3A_12, %dma_wait3A] : memref<10240x128xf32, #tpu.memory_space<vmem_shared>> -> memref<128x128xf32, #tpu.memory_space<vmem_shared>>
      %dma_wait3A_69 = arith.constant 0 : i32
      %dma_wait3A_70 = tpu.memref_slice %arg13[%add3A_12, %dma_wait3A_69] : memref<10240x128xf32, #tpu.memory_space<vmem_shared>> -> memref<128x128xf32, #tpu.memory_space<vmem_shared>>
      tpu.wait_dma2 semaphore(%run_scoped3A : memref<!tpu.dma_semaphore, #tpu.memory_space<semaphore_mem>>) src(%arg11 : memref<128x128xf32, #tpu.memory_space<vmem>>) dst(%dma_wait3A_70 : memref<128x128xf32, #tpu.memory_space<vmem_shared>>)
      tpu.yield
    }) : () -> ()
    %add3A_13 = arith.constant 256 : i32
    %add3A_14 = arith.addi %mul3A_8, %add3A_13 : i32
    "tpu.region"() ({
      %run_scoped3A = tpu.sem_alloc : memref<!tpu.dma_semaphore, #tpu.memory_space<semaphore_mem>>
      %dma_start3A_64 = arith.constant 0 : i32
      %dma_start3A_65 = tpu.memref_slice %arg13[%add3A_14, %dma_start3A_64] : memref<10240x128xf32, #tpu.memory_space<vmem_shared>> -> memref<128x128xf32, #tpu.memory_space<vmem_shared>>
      %dma_start3A_66 = arith.constant 0 : i32
      %dma_start3A_67 = tpu.memref_slice %arg13[%add3A_14, %dma_start3A_66] : memref<10240x128xf32, #tpu.memory_space<vmem_shared>> -> memref<128x128xf32, #tpu.memory_space<vmem_shared>>
      tpu.enqueue_dma source(%arg11 : memref<128x128xf32, #tpu.memory_space<vmem>>) target(%dma_start3A_67 : memref<128x128xf32, #tpu.memory_space<vmem_shared>>) target_semaphore(%run_scoped3A : memref<!tpu.dma_semaphore, #tpu.memory_space<semaphore_mem>>)
      %dma_wait3A = arith.constant 0 : i32
      %dma_wait3A_68 = tpu.memref_slice %arg13[%add3A_14, %dma_wait3A] : memref<10240x128xf32, #tpu.memory_space<vmem_shared>> -> memref<128x128xf32, #tpu.memory_space<vmem_shared>>
      %dma_wait3A_69 = arith.constant 0 : i32
      %dma_wait3A_70 = tpu.memref_slice %arg13[%add3A_14, %dma_wait3A_69] : memref<10240x128xf32, #tpu.memory_space<vmem_shared>> -> memref<128x128xf32, #tpu.memory_space<vmem_shared>>
      tpu.wait_dma2 semaphore(%run_scoped3A : memref<!tpu.dma_semaphore, #tpu.memory_space<semaphore_mem>>) src(%arg11 : memref<128x128xf32, #tpu.memory_space<vmem>>) dst(%dma_wait3A_70 : memref<128x128xf32, #tpu.memory_space<vmem_shared>>)
      tpu.yield
    }) : () -> ()
    %add3A_15 = arith.constant 384 : i32
    %add3A_16 = arith.addi %mul3A_8, %add3A_15 : i32
    "tpu.region"() ({
      %run_scoped3A = tpu.sem_alloc : memref<!tpu.dma_semaphore, #tpu.memory_space<semaphore_mem>>
      %dma_start3A_64 = arith.constant 0 : i32
      %dma_start3A_65 = tpu.memref_slice %arg13[%add3A_16, %dma_start3A_64] : memref<10240x128xf32, #tpu.memory_space<vmem_shared>> -> memref<128x128xf32, #tpu.memory_space<vmem_shared>>
      %dma_start3A_66 = arith.constant 0 : i32
      %dma_start3A_67 = tpu.memref_slice %arg13[%add3A_16, %dma_start3A_66] : memref<10240x128xf32, #tpu.memory_space<vmem_shared>> -> memref<128x128xf32, #tpu.memory_space<vmem_shared>>
      tpu.enqueue_dma source(%arg11 : memref<128x128xf32, #tpu.memory_space<vmem>>) target(%dma_start3A_67 : memref<128x128xf32, #tpu.memory_space<vmem_shared>>) target_semaphore(%run_scoped3A : memref<!tpu.dma_semaphore, #tpu.memory_space<semaphore_mem>>)
      %dma_wait3A = arith.constant 0 : i32
      %dma_wait3A_68 = tpu.memref_slice %arg13[%add3A_16, %dma_wait3A] : memref<10240x128xf32, #tpu.memory_space<vmem_shared>> -> memref<128x128xf32, #tpu.memory_space<vmem_shared>>
      %dma_wait3A_69 = arith.constant 0 : i32
      %dma_wait3A_70 = tpu.memref_slice %arg13[%add3A_16, %dma_wait3A_69] : memref<10240x128xf32, #tpu.memory_space<vmem_shared>> -> memref<128x128xf32, #tpu.memory_space<vmem_shared>>
      tpu.wait_dma2 semaphore(%run_scoped3A : memref<!tpu.dma_semaphore, #tpu.memory_space<semaphore_mem>>) src(%arg11 : memref<128x128xf32, #tpu.memory_space<vmem>>) dst(%dma_wait3A_70 : memref<128x128xf32, #tpu.memory_space<vmem_shared>>)
      tpu.yield
    }) : () -> ()
    %add3A_17 = arith.constant 512 : i32
    %add3A_18 = arith.addi %mul3A_8, %add3A_17 : i32
    "tpu.region"() ({
      %run_scoped3A = tpu.sem_alloc : memref<!tpu.dma_semaphore, #tpu.memory_space<semaphore_mem>>
      %dma_start3A_64 = arith.constant 0 : i32
      %dma_start3A_65 = tpu.memref_slice %arg13[%add3A_18, %dma_start3A_64] : memref<10240x128xf32, #tpu.memory_space<vmem_shared>> -> memref<128x128xf32, #tpu.memory_space<vmem_shared>>
      %dma_start3A_66 = arith.constant 0 : i32
      %dma_start3A_67 = tpu.memref_slice %arg13[%add3A_18, %dma_start3A_66] : memref<10240x128xf32, #tpu.memory_space<vmem_shared>> -> memref<128x128xf32, #tpu.memory_space<vmem_shared>>
      tpu.enqueue_dma source(%arg11 : memref<128x128xf32, #tpu.memory_space<vmem>>) target(%dma_start3A_67 : memref<128x128xf32, #tpu.memory_space<vmem_shared>>) target_semaphore(%run_scoped3A : memref<!tpu.dma_semaphore, #tpu.memory_space<semaphore_mem>>)
      %dma_wait3A = arith.constant 0 : i32
      %dma_wait3A_68 = tpu.memref_slice %arg13[%add3A_18, %dma_wait3A] : memref<10240x128xf32, #tpu.memory_space<vmem_shared>> -> memref<128x128xf32, #tpu.memory_space<vmem_shared>>
      %dma_wait3A_69 = arith.constant 0 : i32
      %dma_wait3A_70 = tpu.memref_slice %arg13[%add3A_18, %dma_wait3A_69] : memref<10240x128xf32, #tpu.memory_space<vmem_shared>> -> memref<128x128xf32, #tpu.memory_space<vmem_shared>>
      tpu.wait_dma2 semaphore(%run_scoped3A : memref<!tpu.dma_semaphore, #tpu.memory_space<semaphore_mem>>) src(%arg11 : memref<128x128xf32, #tpu.memory_space<vmem>>) dst(%dma_wait3A_70 : memref<128x128xf32, #tpu.memory_space<vmem_shared>>)
      tpu.yield
    }) : () -> ()
    %barrier3A = arith.constant 0 : index
    tpu.barrier barrier_id(%barrier3A)
    %mul3A_19 = arith.constant 10240 : i32
    %mul3A_20 = arith.muli %add3A, %mul3A_19 : i32
    "tpu.region"() ({
      %run_scoped3A = tpu.sem_alloc : memref<!tpu.dma_semaphore, #tpu.memory_space<semaphore_mem>>
      %dma_start3A_64 = tpu.memref_slice %arg3[%mul3A_20] : memref<327680xi32, #tpu.memory_space<hbm>> -> memref<10240xi32, #tpu.memory_space<hbm>>
      %dma_start3A_65 = tpu.memref_slice %arg3[%mul3A_20] : memref<327680xi32, #tpu.memory_space<hbm>> -> memref<10240xi32, #tpu.memory_space<hbm>>
      tpu.enqueue_dma source(%dma_start3A_65 : memref<10240xi32, #tpu.memory_space<hbm>>) target(%arg6 : memref<10240xi32, #tpu.memory_space<vmem>>) target_semaphore(%run_scoped3A : memref<!tpu.dma_semaphore, #tpu.memory_space<semaphore_mem>>)
      %dma_wait3A = tpu.memref_slice %arg3[%mul3A_20] : memref<327680xi32, #tpu.memory_space<hbm>> -> memref<10240xi32, #tpu.memory_space<hbm>>
      %dma_wait3A_66 = tpu.memref_slice %arg3[%mul3A_20] : memref<327680xi32, #tpu.memory_space<hbm>> -> memref<10240xi32, #tpu.memory_space<hbm>>
      tpu.wait_dma2 semaphore(%run_scoped3A : memref<!tpu.dma_semaphore, #tpu.memory_space<semaphore_mem>>) src(%dma_wait3A_66 : memref<10240xi32, #tpu.memory_space<hbm>>) dst(%arg6 : memref<10240xi32, #tpu.memory_space<vmem>>)
      tpu.yield
    }) : () -> ()
    %add3A_21 = arith.constant 0 : i32
    %add3A_22 = arith.addi %mul3A_20, %add3A_21 : i32
    %dma_start3A = tpu.memref_slice %arg4[%add3A_22] : memref<327680xi32, #tpu.memory_space<hbm>> -> memref<128xi32, #tpu.memory_space<hbm>>
    %dma_start3A_23 = tpu.memref_slice %arg4[%add3A_22] : memref<327680xi32, #tpu.memory_space<hbm>> -> memref<128xi32, #tpu.memory_space<hbm>>
    tpu.enqueue_dma source(%dma_start3A_23 : memref<128xi32, #tpu.memory_space<hbm>>) target(%arg7 : memref<128xi32, #tpu.memory_space<vmem>>) target_semaphore(%arg14 : memref<!tpu.dma_semaphore, #tpu.memory_space<semaphore_mem>>)
    %add3A_24 = arith.constant 128 : i32
    %add3A_25 = arith.addi %mul3A_20, %add3A_24 : i32
    %dma_start3A_26 = tpu.memref_slice %arg4[%add3A_25] : memref<327680xi32, #tpu.memory_space<hbm>> -> memref<128xi32, #tpu.memory_space<hbm>>
    %dma_start3A_27 = tpu.memref_slice %arg4[%add3A_25] : memref<327680xi32, #tpu.memory_space<hbm>> -> memref<128xi32, #tpu.memory_space<hbm>>
    tpu.enqueue_dma source(%dma_start3A_27 : memref<128xi32, #tpu.memory_space<hbm>>) target(%arg8 : memref<128xi32, #tpu.memory_space<vmem>>) target_semaphore(%arg15 : memref<!tpu.dma_semaphore, #tpu.memory_space<semaphore_mem>>)
    %add3A_28 = arith.constant 256 : i32
    %add3A_29 = arith.addi %mul3A_20, %add3A_28 : i32
    %dma_start3A_30 = tpu.memref_slice %arg4[%add3A_29] : memref<327680xi32, #tpu.memory_space<hbm>> -> memref<128xi32, #tpu.memory_space<hbm>>
    %dma_start3A_31 = tpu.memref_slice %arg4[%add3A_29] : memref<327680xi32, #tpu.memory_space<hbm>> -> memref<128xi32, #tpu.memory_space<hbm>>
    tpu.enqueue_dma source(%dma_start3A_31 : memref<128xi32, #tpu.memory_space<hbm>>) target(%arg9 : memref<128xi32, #tpu.memory_space<vmem>>) target_semaphore(%arg16 : memref<!tpu.dma_semaphore, #tpu.memory_space<semaphore_mem>>)
    %add3A_32 = arith.constant 384 : i32
    %add3A_33 = arith.addi %mul3A_20, %add3A_32 : i32
    %dma_start3A_34 = tpu.memref_slice %arg4[%add3A_33] : memref<327680xi32, #tpu.memory_space<hbm>> -> memref<128xi32, #tpu.memory_space<hbm>>
    %dma_start3A_35 = tpu.memref_slice %arg4[%add3A_33] : memref<327680xi32, #tpu.memory_space<hbm>> -> memref<128xi32, #tpu.memory_space<hbm>>
    tpu.enqueue_dma source(%dma_start3A_35 : memref<128xi32, #tpu.memory_space<hbm>>) target(%arg10 : memref<128xi32, #tpu.memory_space<vmem>>) target_semaphore(%arg17 : memref<!tpu.dma_semaphore, #tpu.memory_space<semaphore_mem>>)
    %dma_start3A_36 = arith.constant 0 : i32
    %dma_start3A_37 = tpu.memref_slice %arg6[%dma_start3A_36] : memref<10240xi32, #tpu.memory_space<vmem>> -> memref<128xi32, #tpu.memory_space<vmem>>
    %dma_start3A_38 = arith.constant 0 : i32
    %dma_start3A_39 = arith.constant 0 : i32
    %dma_start3A_40 = tpu.memref_slice %arg2[%dma_start3A_38, %dma_start3A_39] : memref<10240x128xf32, #tpu.memory_space<hbm>> -> memref<10240x128xf32, #tpu.memory_space<hbm>>
    tpu.enqueue_indirect_dma source(%dma_start3A_40 : memref<10240x128xf32, #tpu.memory_space<hbm>>) target(%arg11 : memref<128x128xf32, #tpu.memory_space<vmem>>) offsets(%dma_start3A_37 : memref<128xi32, #tpu.memory_space<vmem>>) semaphore(%arg18 : memref<!tpu.dma_semaphore, #tpu.memory_space<semaphore_mem>>)
    %dma_start3A_41 = arith.constant 128 : i32
    %dma_start3A_42 = tpu.memref_slice %arg6[%dma_start3A_41] : memref<10240xi32, #tpu.memory_space<vmem>> -> memref<128xi32, #tpu.memory_space<vmem>>
    %dma_start3A_43 = arith.constant 0 : i32
    %dma_start3A_44 = arith.constant 0 : i32
    %dma_start3A_45 = tpu.memref_slice %arg2[%dma_start3A_43, %dma_start3A_44] : memref<10240x128xf32, #tpu.memory_space<hbm>> -> memref<10240x128xf32, #tpu.memory_space<hbm>>
    tpu.enqueue_indirect_dma source(%dma_start3A_45 : memref<10240x128xf32, #tpu.memory_space<hbm>>) target(%arg12 : memref<128x128xf32, #tpu.memory_space<vmem>>) offsets(%dma_start3A_42 : memref<128xi32, #tpu.memory_space<vmem>>) semaphore(%arg19 : memref<!tpu.dma_semaphore, #tpu.memory_space<semaphore_mem>>)
    %scan3A_46 = arith.constant 0 : i32
    %scan3A_47 = arith.constant 0 : i32
    %scan3A_48 = arith.constant 20 : i32
    %scan3A_49 = arith.addi %scan3A_47, %scan3A_48 : i32
    %scan3A_50 = arith.constant 1 : i32
    %scan3A_51 = scf.for %scan3A_64 = %scan3A_47 to %scan3A_49 step %scan3A_50 iter_args(%scan3A_65 = %scan3A_46) -> (i32)  : i32 {
      %mul3A_66 = arith.constant 4 : i32
      %mul3A_67 = arith.muli %scan3A_64, %mul3A_66 : i32
      %add3A_68 = arith.constant 0 : i32
      %add3A_69 = arith.addi %mul3A_67, %add3A_68 : i32
      %mul3A_70 = arith.constant 128 : i32
      %mul3A_71 = arith.muli %add3A_69, %mul3A_70 : i32
      %dma_wait3A = tpu.memref_slice %arg6[%mul3A_71] : memref<10240xi32, #tpu.memory_space<vmem>> -> memref<128xi32, #tpu.memory_space<vmem>>
      %dma_wait3A_72 = arith.constant 0 : i32
      %dma_wait3A_73 = arith.constant 0 : i32
      %dma_wait3A_74 = tpu.memref_slice %arg2[%dma_wait3A_72, %dma_wait3A_73] : memref<10240x128xf32, #tpu.memory_space<hbm>> -> memref<10240x128xf32, #tpu.memory_space<hbm>>
      tpu.wait_indirect_dma semaphore(%arg18 : memref<!tpu.dma_semaphore, #tpu.memory_space<semaphore_mem>>) src(%dma_wait3A_74 : memref<10240x128xf32, #tpu.memory_space<hbm>>) dst(%arg11 : memref<128x128xf32, #tpu.memory_space<vmem>>)
      %mul3A_75 = arith.constant 128 : i32
      %mul3A_76 = arith.muli %add3A_69, %mul3A_75 : i32
      %add3A_77 = arith.addi %mul3A_20, %mul3A_76 : i32
      %dma_wait3A_78 = tpu.memref_slice %arg4[%add3A_77] : memref<327680xi32, #tpu.memory_space<hbm>> -> memref<128xi32, #tpu.memory_space<hbm>>
      %dma_wait3A_79 = tpu.memref_slice %arg4[%add3A_77] : memref<327680xi32, #tpu.memory_space<hbm>> -> memref<128xi32, #tpu.memory_space<hbm>>
      tpu.wait_dma2 semaphore(%arg14 : memref<!tpu.dma_semaphore, #tpu.memory_space<semaphore_mem>>) src(%dma_wait3A_79 : memref<128xi32, #tpu.memory_space<hbm>>) dst(%arg7 : memref<128xi32, #tpu.memory_space<vmem>>)
      "tpu.region"() ({
        %run_scoped3A = tpu.sem_alloc : memref<!tpu.dma_semaphore, #tpu.memory_space<semaphore_mem>>
        %dma_start3A_179 = arith.constant 0 : i32
        %dma_start3A_180 = arith.constant 0 : i32
        %dma_start3A_181 = tpu.memref_slice %arg13[%dma_start3A_179, %dma_start3A_180] : memref<10240x128xf32, #tpu.memory_space<vmem_shared>> -> memref<10240x128xf32, #tpu.memory_space<vmem_shared>>
        tpu.enqueue_indirect_dma source(%arg11 : memref<128x128xf32, #tpu.memory_space<vmem>>) target(%dma_start3A_181 : memref<10240x128xf32, #tpu.memory_space<vmem_shared>>) offsets(%arg7 : memref<128xi32, #tpu.memory_space<vmem>>) semaphore(%run_scoped3A : memref<!tpu.dma_semaphore, #tpu.memory_space<semaphore_mem>>) {add = true}
        %dma_wait3A_182 = arith.constant 0 : i32
        %dma_wait3A_183 = arith.constant 0 : i32
        %dma_wait3A_184 = tpu.memref_slice %arg13[%dma_wait3A_182, %dma_wait3A_183] : memref<10240x128xf32, #tpu.memory_space<vmem_shared>> -> memref<10240x128xf32, #tpu.memory_space<vmem_shared>>
        tpu.wait_indirect_dma semaphore(%run_scoped3A : memref<!tpu.dma_semaphore, #tpu.memory_space<semaphore_mem>>) src(%arg11 : memref<128x128xf32, #tpu.memory_space<vmem>>) dst(%dma_wait3A_184 : memref<10240x128xf32, #tpu.memory_space<vmem_shared>>)
        tpu.yield
      }) : () -> ()
      %add3A_80 = arith.constant 4 : i32
      %add3A_81 = arith.addi %add3A_69, %add3A_80 : i32
      %lt3A = arith.constant 80 : i32
      %lt3A_82 = arith.cmpi slt, %add3A_81, %lt3A : i32
      %convert_element_type3A = arith.extui %lt3A_82 : i1 to i32
      %cond3A = arith.constant 0 : i32
      %cond3A_83 = arith.cmpi ne, %convert_element_type3A, %cond3A : i32
      scf.if %cond3A_83 {
        %add3A_179 = arith.constant 4 : i32
        %add3A_180 = arith.addi %add3A_69, %add3A_179 : i32
        %mul3A_181 = arith.constant 128 : i32
        %mul3A_182 = arith.muli %add3A_180, %mul3A_181 : i32
        %add3A_183 = arith.addi %mul3A_20, %mul3A_182 : i32
        %dma_start3A_184 = tpu.memref_slice %arg4[%add3A_183] : memref<327680xi32, #tpu.memory_space<hbm>> -> memref<128xi32, #tpu.memory_space<hbm>>
        %dma_start3A_185 = tpu.memref_slice %arg4[%add3A_183] : memref<327680xi32, #tpu.memory_space<hbm>> -> memref<128xi32, #tpu.memory_space<hbm>>
        tpu.enqueue_dma source(%dma_start3A_185 : memref<128xi32, #tpu.memory_space<hbm>>) target(%arg7 : memref<128xi32, #tpu.memory_space<vmem>>) target_semaphore(%arg14 : memref<!tpu.dma_semaphore, #tpu.memory_space<semaphore_mem>>)
      } else {
      }
      %add3A_84 = arith.constant 2 : i32
      %add3A_85 = arith.addi %add3A_69, %add3A_84 : i32
      %lt3A_86 = arith.constant 80 : i32
      %lt3A_87 = arith.cmpi slt, %add3A_85, %lt3A_86 : i32
      %convert_element_type3A_88 = arith.extui %lt3A_87 : i1 to i32
      %cond3A_89 = arith.constant 0 : i32
      %cond3A_90 = arith.cmpi ne, %convert_element_type3A_88, %cond3A_89 : i32
      scf.if %cond3A_90 {
        %add3A_179 = arith.constant 2 : i32
        %add3A_180 = arith.addi %add3A_69, %add3A_179 : i32
        %mul3A_181 = arith.constant 128 : i32
        %mul3A_182 = arith.muli %add3A_180, %mul3A_181 : i32
        %dma_start3A_183 = tpu.memref_slice %arg6[%mul3A_182] : memref<10240xi32, #tpu.memory_space<vmem>> -> memref<128xi32, #tpu.memory_space<vmem>>
        %dma_start3A_184 = arith.constant 0 : i32
        %dma_start3A_185 = arith.constant 0 : i32
        %dma_start3A_186 = tpu.memref_slice %arg2[%dma_start3A_184, %dma_start3A_185] : memref<10240x128xf32, #tpu.memory_space<hbm>> -> memref<10240x128xf32, #tpu.memory_space<hbm>>
        tpu.enqueue_indirect_dma source(%dma_start3A_186 : memref<10240x128xf32, #tpu.memory_space<hbm>>) target(%arg11 : memref<128x128xf32, #tpu.memory_space<vmem>>) offsets(%dma_start3A_183 : memref<128xi32, #tpu.memory_space<vmem>>) semaphore(%arg18 : memref<!tpu.dma_semaphore, #tpu.memory_space<semaphore_mem>>)
      } else {
      }
      %mul3A_91 = arith.constant 4 : i32
      %mul3A_92 = arith.muli %scan3A_64, %mul3A_91 : i32
      %add3A_93 = arith.constant 1 : i32
      %add3A_94 = arith.addi %mul3A_92, %add3A_93 : i32
      %mul3A_95 = arith.constant 128 : i32
      %mul3A_96 = arith.muli %add3A_94, %mul3A_95 : i32
      %dma_wait3A_97 = tpu.memref_slice %arg6[%mul3A_96] : memref<10240xi32, #tpu.memory_space<vmem>> -> memref<128xi32, #tpu.memory_space<vmem>>
      %dma_wait3A_98 = arith.constant 0 : i32
      %dma_wait3A_99 = arith.constant 0 : i32
      %dma_wait3A_100 = tpu.memref_slice %arg2[%dma_wait3A_98, %dma_wait3A_99] : memref<10240x128xf32, #tpu.memory_space<hbm>> -> memref<10240x128xf32, #tpu.memory_space<hbm>>
      tpu.wait_indirect_dma semaphore(%arg19 : memref<!tpu.dma_semaphore, #tpu.memory_space<semaphore_mem>>) src(%dma_wait3A_100 : memref<10240x128xf32, #tpu.memory_space<hbm>>) dst(%arg12 : memref<128x128xf32, #tpu.memory_space<vmem>>)
      %mul3A_101 = arith.constant 128 : i32
      %mul3A_102 = arith.muli %add3A_94, %mul3A_101 : i32
      %add3A_103 = arith.addi %mul3A_20, %mul3A_102 : i32
      %dma_wait3A_104 = tpu.memref_slice %arg4[%add3A_103] : memref<327680xi32, #tpu.memory_space<hbm>> -> memref<128xi32, #tpu.memory_space<hbm>>
      %dma_wait3A_105 = tpu.memref_slice %arg4[%add3A_103] : memref<327680xi32, #tpu.memory_space<hbm>> -> memref<128xi32, #tpu.memory_space<hbm>>
      tpu.wait_dma2 semaphore(%arg15 : memref<!tpu.dma_semaphore, #tpu.memory_space<semaphore_mem>>) src(%dma_wait3A_105 : memref<128xi32, #tpu.memory_space<hbm>>) dst(%arg8 : memref<128xi32, #tpu.memory_space<vmem>>)
      "tpu.region"() ({
        %run_scoped3A = tpu.sem_alloc : memref<!tpu.dma_semaphore, #tpu.memory_space<semaphore_mem>>
        %dma_start3A_179 = arith.constant 0 : i32
        %dma_start3A_180 = arith.constant 0 : i32
        %dma_start3A_181 = tpu.memref_slice %arg13[%dma_start3A_179, %dma_start3A_180] : memref<10240x128xf32, #tpu.memory_space<vmem_shared>> -> memref<10240x128xf32, #tpu.memory_space<vmem_shared>>
        tpu.enqueue_indirect_dma source(%arg12 : memref<128x128xf32, #tpu.memory_space<vmem>>) target(%dma_start3A_181 : memref<10240x128xf32, #tpu.memory_space<vmem_shared>>) offsets(%arg8 : memref<128xi32, #tpu.memory_space<vmem>>) semaphore(%run_scoped3A : memref<!tpu.dma_semaphore, #tpu.memory_space<semaphore_mem>>) {add = true}
        %dma_wait3A_182 = arith.constant 0 : i32
        %dma_wait3A_183 = arith.constant 0 : i32
        %dma_wait3A_184 = tpu.memref_slice %arg13[%dma_wait3A_182, %dma_wait3A_183] : memref<10240x128xf32, #tpu.memory_space<vmem_shared>> -> memref<10240x128xf32, #tpu.memory_space<vmem_shared>>
        tpu.wait_indirect_dma semaphore(%run_scoped3A : memref<!tpu.dma_semaphore, #tpu.memory_space<semaphore_mem>>) src(%arg12 : memref<128x128xf32, #tpu.memory_space<vmem>>) dst(%dma_wait3A_184 : memref<10240x128xf32, #tpu.memory_space<vmem_shared>>)
        tpu.yield
      }) : () -> ()
      %add3A_106 = arith.constant 4 : i32
      %add3A_107 = arith.addi %add3A_94, %add3A_106 : i32
      %lt3A_108 = arith.constant 80 : i32
      %lt3A_109 = arith.cmpi slt, %add3A_107, %lt3A_108 : i32
      %convert_element_type3A_110 = arith.extui %lt3A_109 : i1 to i32
      %cond3A_111 = arith.constant 0 : i32
      %cond3A_112 = arith.cmpi ne, %convert_element_type3A_110, %cond3A_111 : i32
      scf.if %cond3A_112 {
        %add3A_179 = arith.constant 4 : i32
        %add3A_180 = arith.addi %add3A_94, %add3A_179 : i32
        %mul3A_181 = arith.constant 128 : i32
        %mul3A_182 = arith.muli %add3A_180, %mul3A_181 : i32
        %add3A_183 = arith.addi %mul3A_20, %mul3A_182 : i32
        %dma_start3A_184 = tpu.memref_slice %arg4[%add3A_183] : memref<327680xi32, #tpu.memory_space<hbm>> -> memref<128xi32, #tpu.memory_space<hbm>>
        %dma_start3A_185 = tpu.memref_slice %arg4[%add3A_183] : memref<327680xi32, #tpu.memory_space<hbm>> -> memref<128xi32, #tpu.memory_space<hbm>>
        tpu.enqueue_dma source(%dma_start3A_185 : memref<128xi32, #tpu.memory_space<hbm>>) target(%arg8 : memref<128xi32, #tpu.memory_space<vmem>>) target_semaphore(%arg15 : memref<!tpu.dma_semaphore, #tpu.memory_space<semaphore_mem>>)
      } else {
      }
      %add3A_113 = arith.constant 2 : i32
      %add3A_114 = arith.addi %add3A_94, %add3A_113 : i32
      %lt3A_115 = arith.constant 80 : i32
      %lt3A_116 = arith.cmpi slt, %add3A_114, %lt3A_115 : i32
      %convert_element_type3A_117 = arith.extui %lt3A_116 : i1 to i32
      %cond3A_118 = arith.constant 0 : i32
      %cond3A_119 = arith.cmpi ne, %convert_element_type3A_117, %cond3A_118 : i32
      scf.if %cond3A_119 {
        %add3A_179 = arith.constant 2 : i32
        %add3A_180 = arith.addi %add3A_94, %add3A_179 : i32
        %mul3A_181 = arith.constant 128 : i32
        %mul3A_182 = arith.muli %add3A_180, %mul3A_181 : i32
        %dma_start3A_183 = tpu.memref_slice %arg6[%mul3A_182] : memref<10240xi32, #tpu.memory_space<vmem>> -> memref<128xi32, #tpu.memory_space<vmem>>
        %dma_start3A_184 = arith.constant 0 : i32
        %dma_start3A_185 = arith.constant 0 : i32
        %dma_start3A_186 = tpu.memref_slice %arg2[%dma_start3A_184, %dma_start3A_185] : memref<10240x128xf32, #tpu.memory_space<hbm>> -> memref<10240x128xf32, #tpu.memory_space<hbm>>
        tpu.enqueue_indirect_dma source(%dma_start3A_186 : memref<10240x128xf32, #tpu.memory_space<hbm>>) target(%arg12 : memref<128x128xf32, #tpu.memory_space<vmem>>) offsets(%dma_start3A_183 : memref<128xi32, #tpu.memory_space<vmem>>) semaphore(%arg19 : memref<!tpu.dma_semaphore, #tpu.memory_space<semaphore_mem>>)
      } else {
      }
      %mul3A_120 = arith.constant 4 : i32
      %mul3A_121 = arith.muli %scan3A_64, %mul3A_120 : i32
      %add3A_122 = arith.constant 2 : i32
      %add3A_123 = arith.addi %mul3A_121, %add3A_122 : i32
      %mul3A_124 = arith.constant 128 : i32
      %mul3A_125 = arith.muli %add3A_123, %mul3A_124 : i32
      %dma_wait3A_126 = tpu.memref_slice %arg6[%mul3A_125] : memref<10240xi32, #tpu.memory_space<vmem>> -> memref<128xi32, #tpu.memory_space<vmem>>
      %dma_wait3A_127 = arith.constant 0 : i32
      %dma_wait3A_128 = arith.constant 0 : i32
      %dma_wait3A_129 = tpu.memref_slice %arg2[%dma_wait3A_127, %dma_wait3A_128] : memref<10240x128xf32, #tpu.memory_space<hbm>> -> memref<10240x128xf32, #tpu.memory_space<hbm>>
      tpu.wait_indirect_dma semaphore(%arg18 : memref<!tpu.dma_semaphore, #tpu.memory_space<semaphore_mem>>) src(%dma_wait3A_129 : memref<10240x128xf32, #tpu.memory_space<hbm>>) dst(%arg11 : memref<128x128xf32, #tpu.memory_space<vmem>>)
      %mul3A_130 = arith.constant 128 : i32
      %mul3A_131 = arith.muli %add3A_123, %mul3A_130 : i32
      %add3A_132 = arith.addi %mul3A_20, %mul3A_131 : i32
      %dma_wait3A_133 = tpu.memref_slice %arg4[%add3A_132] : memref<327680xi32, #tpu.memory_space<hbm>> -> memref<128xi32, #tpu.memory_space<hbm>>
      %dma_wait3A_134 = tpu.memref_slice %arg4[%add3A_132] : memref<327680xi32, #tpu.memory_space<hbm>> -> memref<128xi32, #tpu.memory_space<hbm>>
      tpu.wait_dma2 semaphore(%arg16 : memref<!tpu.dma_semaphore, #tpu.memory_space<semaphore_mem>>) src(%dma_wait3A_134 : memref<128xi32, #tpu.memory_space<hbm>>) dst(%arg9 : memref<128xi32, #tpu.memory_space<vmem>>)
      "tpu.region"() ({
        %run_scoped3A = tpu.sem_alloc : memref<!tpu.dma_semaphore, #tpu.memory_space<semaphore_mem>>
        %dma_start3A_179 = arith.constant 0 : i32
        %dma_start3A_180 = arith.constant 0 : i32
        %dma_start3A_181 = tpu.memref_slice %arg13[%dma_start3A_179, %dma_start3A_180] : memref<10240x128xf32, #tpu.memory_space<vmem_shared>> -> memref<10240x128xf32, #tpu.memory_space<vmem_shared>>
        tpu.enqueue_indirect_dma source(%arg11 : memref<128x128xf32, #tpu.memory_space<vmem>>) target(%dma_start3A_181 : memref<10240x128xf32, #tpu.memory_space<vmem_shared>>) offsets(%arg9 : memref<128xi32, #tpu.memory_space<vmem>>) semaphore(%run_scoped3A : memref<!tpu.dma_semaphore, #tpu.memory_space<semaphore_mem>>) {add = true}
        %dma_wait3A_182 = arith.constant 0 : i32
        %dma_wait3A_183 = arith.constant 0 : i32
        %dma_wait3A_184 = tpu.memref_slice %arg13[%dma_wait3A_182, %dma_wait3A_183] : memref<10240x128xf32, #tpu.memory_space<vmem_shared>> -> memref<10240x128xf32, #tpu.memory_space<vmem_shared>>
        tpu.wait_indirect_dma semaphore(%run_scoped3A : memref<!tpu.dma_semaphore, #tpu.memory_space<semaphore_mem>>) src(%arg11 : memref<128x128xf32, #tpu.memory_space<vmem>>) dst(%dma_wait3A_184 : memref<10240x128xf32, #tpu.memory_space<vmem_shared>>)
        tpu.yield
      }) : () -> ()
      %add3A_135 = arith.constant 4 : i32
      %add3A_136 = arith.addi %add3A_123, %add3A_135 : i32
      %lt3A_137 = arith.constant 80 : i32
      %lt3A_138 = arith.cmpi slt, %add3A_136, %lt3A_137 : i32
      %convert_element_type3A_139 = arith.extui %lt3A_138 : i1 to i32
      %cond3A_140 = arith.constant 0 : i32
      %cond3A_141 = arith.cmpi ne, %convert_element_type3A_139, %cond3A_140 : i32
      scf.if %cond3A_141 {
        %add3A_179 = arith.constant 4 : i32
        %add3A_180 = arith.addi %add3A_123, %add3A_179 : i32
        %mul3A_181 = arith.constant 128 : i32
        %mul3A_182 = arith.muli %add3A_180, %mul3A_181 : i32
        %add3A_183 = arith.addi %mul3A_20, %mul3A_182 : i32
        %dma_start3A_184 = tpu.memref_slice %arg4[%add3A_183] : memref<327680xi32, #tpu.memory_space<hbm>> -> memref<128xi32, #tpu.memory_space<hbm>>
        %dma_start3A_185 = tpu.memref_slice %arg4[%add3A_183] : memref<327680xi32, #tpu.memory_space<hbm>> -> memref<128xi32, #tpu.memory_space<hbm>>
        tpu.enqueue_dma source(%dma_start3A_185 : memref<128xi32, #tpu.memory_space<hbm>>) target(%arg9 : memref<128xi32, #tpu.memory_space<vmem>>) target_semaphore(%arg16 : memref<!tpu.dma_semaphore, #tpu.memory_space<semaphore_mem>>)
      } else {
      }
      %add3A_142 = arith.constant 2 : i32
      %add3A_143 = arith.addi %add3A_123, %add3A_142 : i32
      %lt3A_144 = arith.constant 80 : i32
      %lt3A_145 = arith.cmpi slt, %add3A_143, %lt3A_144 : i32
      %convert_element_type3A_146 = arith.extui %lt3A_145 : i1 to i32
      %cond3A_147 = arith.constant 0 : i32
      %cond3A_148 = arith.cmpi ne, %convert_element_type3A_146, %cond3A_147 : i32
      scf.if %cond3A_148 {
        %add3A_179 = arith.constant 2 : i32
        %add3A_180 = arith.addi %add3A_123, %add3A_179 : i32
        %mul3A_181 = arith.constant 128 : i32
        %mul3A_182 = arith.muli %add3A_180, %mul3A_181 : i32
        %dma_start3A_183 = tpu.memref_slice %arg6[%mul3A_182] : memref<10240xi32, #tpu.memory_space<vmem>> -> memref<128xi32, #tpu.memory_space<vmem>>
        %dma_start3A_184 = arith.constant 0 : i32
        %dma_start3A_185 = arith.constant 0 : i32
        %dma_start3A_186 = tpu.memref_slice %arg2[%dma_start3A_184, %dma_start3A_185] : memref<10240x128xf32, #tpu.memory_space<hbm>> -> memref<10240x128xf32, #tpu.memory_space<hbm>>
        tpu.enqueue_indirect_dma source(%dma_start3A_186 : memref<10240x128xf32, #tpu.memory_space<hbm>>) target(%arg11 : memref<128x128xf32, #tpu.memory_space<vmem>>) offsets(%dma_start3A_183 : memref<128xi32, #tpu.memory_space<vmem>>) semaphore(%arg18 : memref<!tpu.dma_semaphore, #tpu.memory_space<semaphore_mem>>)
      } else {
      }
      %mul3A_149 = arith.constant 4 : i32
      %mul3A_150 = arith.muli %scan3A_64, %mul3A_149 : i32
      %add3A_151 = arith.constant 3 : i32
      %add3A_152 = arith.addi %mul3A_150, %add3A_151 : i32
      %mul3A_153 = arith.constant 128 : i32
      %mul3A_154 = arith.muli %add3A_152, %mul3A_153 : i32
      %dma_wait3A_155 = tpu.memref_slice %arg6[%mul3A_154] : memref<10240xi32, #tpu.memory_space<vmem>> -> memref<128xi32, #tpu.memory_space<vmem>>
      %dma_wait3A_156 = arith.constant 0 : i32
      %dma_wait3A_157 = arith.constant 0 : i32
      %dma_wait3A_158 = tpu.memref_slice %arg2[%dma_wait3A_156, %dma_wait3A_157] : memref<10240x128xf32, #tpu.memory_space<hbm>> -> memref<10240x128xf32, #tpu.memory_space<hbm>>
      tpu.wait_indirect_dma semaphore(%arg19 : memref<!tpu.dma_semaphore, #tpu.memory_space<semaphore_mem>>) src(%dma_wait3A_158 : memref<10240x128xf32, #tpu.memory_space<hbm>>) dst(%arg12 : memref<128x128xf32, #tpu.memory_space<vmem>>)
      %mul3A_159 = arith.constant 128 : i32
      %mul3A_160 = arith.muli %add3A_152, %mul3A_159 : i32
      %add3A_161 = arith.addi %mul3A_20, %mul3A_160 : i32
      %dma_wait3A_162 = tpu.memref_slice %arg4[%add3A_161] : memref<327680xi32, #tpu.memory_space<hbm>> -> memref<128xi32, #tpu.memory_space<hbm>>
      %dma_wait3A_163 = tpu.memref_slice %arg4[%add3A_161] : memref<327680xi32, #tpu.memory_space<hbm>> -> memref<128xi32, #tpu.memory_space<hbm>>
      tpu.wait_dma2 semaphore(%arg17 : memref<!tpu.dma_semaphore, #tpu.memory_space<semaphore_mem>>) src(%dma_wait3A_163 : memref<128xi32, #tpu.memory_space<hbm>>) dst(%arg10 : memref<128xi32, #tpu.memory_space<vmem>>)
      "tpu.region"() ({
        %run_scoped3A = tpu.sem_alloc : memref<!tpu.dma_semaphore, #tpu.memory_space<semaphore_mem>>
        %dma_start3A_179 = arith.constant 0 : i32
        %dma_start3A_180 = arith.constant 0 : i32
        %dma_start3A_181 = tpu.memref_slice %arg13[%dma_start3A_179, %dma_start3A_180] : memref<10240x128xf32, #tpu.memory_space<vmem_shared>> -> memref<10240x128xf32, #tpu.memory_space<vmem_shared>>
        tpu.enqueue_indirect_dma source(%arg12 : memref<128x128xf32, #tpu.memory_space<vmem>>) target(%dma_start3A_181 : memref<10240x128xf32, #tpu.memory_space<vmem_shared>>) offsets(%arg10 : memref<128xi32, #tpu.memory_space<vmem>>) semaphore(%run_scoped3A : memref<!tpu.dma_semaphore, #tpu.memory_space<semaphore_mem>>) {add = true}
        %dma_wait3A_182 = arith.constant 0 : i32
        %dma_wait3A_183 = arith.constant 0 : i32
        %dma_wait3A_184 = tpu.memref_slice %arg13[%dma_wait3A_182, %dma_wait3A_183] : memref<10240x128xf32, #tpu.memory_space<vmem_shared>> -> memref<10240x128xf32, #tpu.memory_space<vmem_shared>>
        tpu.wait_indirect_dma semaphore(%run_scoped3A : memref<!tpu.dma_semaphore, #tpu.memory_space<semaphore_mem>>) src(%arg12 : memref<128x128xf32, #tpu.memory_space<vmem>>) dst(%dma_wait3A_184 : memref<10240x128xf32, #tpu.memory_space<vmem_shared>>)
        tpu.yield
      }) : () -> ()
      %add3A_164 = arith.constant 4 : i32
      %add3A_165 = arith.addi %add3A_152, %add3A_164 : i32
      %lt3A_166 = arith.constant 80 : i32
      %lt3A_167 = arith.cmpi slt, %add3A_165, %lt3A_166 : i32
      %convert_element_type3A_168 = arith.extui %lt3A_167 : i1 to i32
      %cond3A_169 = arith.constant 0 : i32
      %cond3A_170 = arith.cmpi ne, %convert_element_type3A_168, %cond3A_169 : i32
      scf.if %cond3A_170 {
        %add3A_179 = arith.constant 4 : i32
        %add3A_180 = arith.addi %add3A_152, %add3A_179 : i32
        %mul3A_181 = arith.constant 128 : i32
        %mul3A_182 = arith.muli %add3A_180, %mul3A_181 : i32
        %add3A_183 = arith.addi %mul3A_20, %mul3A_182 : i32
        %dma_start3A_184 = tpu.memref_slice %arg4[%add3A_183] : memref<327680xi32, #tpu.memory_space<hbm>> -> memref<128xi32, #tpu.memory_space<hbm>>
        %dma_start3A_185 = tpu.memref_slice %arg4[%add3A_183] : memref<327680xi32, #tpu.memory_space<hbm>> -> memref<128xi32, #tpu.memory_space<hbm>>
        tpu.enqueue_dma source(%dma_start3A_185 : memref<128xi32, #tpu.memory_space<hbm>>) target(%arg10 : memref<128xi32, #tpu.memory_space<vmem>>) target_semaphore(%arg17 : memref<!tpu.dma_semaphore, #tpu.memory_space<semaphore_mem>>)
      } else {
      }
      %add3A_171 = arith.constant 2 : i32
      %add3A_172 = arith.addi %add3A_152, %add3A_171 : i32
      %lt3A_173 = arith.constant 80 : i32
      %lt3A_174 = arith.cmpi slt, %add3A_172, %lt3A_173 : i32
      %convert_element_type3A_175 = arith.extui %lt3A_174 : i1 to i32
      %cond3A_176 = arith.constant 0 : i32
      %cond3A_177 = arith.cmpi ne, %convert_element_type3A_175, %cond3A_176 : i32
      scf.if %cond3A_177 {
        %add3A_179 = arith.constant 2 : i32
        %add3A_180 = arith.addi %add3A_152, %add3A_179 : i32
        %mul3A_181 = arith.constant 128 : i32
        %mul3A_182 = arith.muli %add3A_180, %mul3A_181 : i32
        %dma_start3A_183 = tpu.memref_slice %arg6[%mul3A_182] : memref<10240xi32, #tpu.memory_space<vmem>> -> memref<128xi32, #tpu.memory_space<vmem>>
        %dma_start3A_184 = arith.constant 0 : i32
        %dma_start3A_185 = arith.constant 0 : i32
        %dma_start3A_186 = tpu.memref_slice %arg2[%dma_start3A_184, %dma_start3A_185] : memref<10240x128xf32, #tpu.memory_space<hbm>> -> memref<10240x128xf32, #tpu.memory_space<hbm>>
        tpu.enqueue_indirect_dma source(%dma_start3A_186 : memref<10240x128xf32, #tpu.memory_space<hbm>>) target(%arg12 : memref<128x128xf32, #tpu.memory_space<vmem>>) offsets(%dma_start3A_183 : memref<128xi32, #tpu.memory_space<vmem>>) semaphore(%arg19 : memref<!tpu.dma_semaphore, #tpu.memory_space<semaphore_mem>>)
      } else {
      }
      %scan3A_178 = arith.constant 0 : i32
      scf.yield %scan3A_178 : i32
    }
    %scan3A_52 = arith.constant 20 : i32
    %barrier3A_53 = arith.constant 0 : index
    tpu.barrier barrier_id(%barrier3A_53)
    %add3A_54 = arith.constant 0 : i32
    %add3A_55 = arith.addi %mul3A_8, %add3A_54 : i32
    "tpu.region"() ({
      %run_scoped3A = tpu.sem_alloc : memref<!tpu.dma_semaphore, #tpu.memory_space<semaphore_mem>>
      %dma_start3A_64 = arith.constant 0 : i32
      %dma_start3A_65 = tpu.memref_slice %arg13[%add3A_55, %dma_start3A_64] : memref<10240x128xf32, #tpu.memory_space<vmem_shared>> -> memref<128x128xf32, #tpu.memory_space<vmem_shared>>
      %dma_start3A_66 = arith.constant 0 : i32
      %dma_start3A_67 = tpu.memref_slice %arg13[%add3A_55, %dma_start3A_66] : memref<10240x128xf32, #tpu.memory_space<vmem_shared>> -> memref<128x128xf32, #tpu.memory_space<vmem_shared>>
      tpu.enqueue_dma source(%dma_start3A_67 : memref<128x128xf32, #tpu.memory_space<vmem_shared>>) target(%arg11 : memref<128x128xf32, #tpu.memory_space<vmem>>) target_semaphore(%run_scoped3A : memref<!tpu.dma_semaphore, #tpu.memory_space<semaphore_mem>>)
      %dma_wait3A = arith.constant 0 : i32
      %dma_wait3A_68 = tpu.memref_slice %arg13[%add3A_55, %dma_wait3A] : memref<10240x128xf32, #tpu.memory_space<vmem_shared>> -> memref<128x128xf32, #tpu.memory_space<vmem_shared>>
      %dma_wait3A_69 = arith.constant 0 : i32
      %dma_wait3A_70 = tpu.memref_slice %arg13[%add3A_55, %dma_wait3A_69] : memref<10240x128xf32, #tpu.memory_space<vmem_shared>> -> memref<128x128xf32, #tpu.memory_space<vmem_shared>>
      tpu.wait_dma2 semaphore(%run_scoped3A : memref<!tpu.dma_semaphore, #tpu.memory_space<semaphore_mem>>) src(%dma_wait3A_70 : memref<128x128xf32, #tpu.memory_space<vmem_shared>>) dst(%arg11 : memref<128x128xf32, #tpu.memory_space<vmem>>)
      tpu.yield
    }) : () -> ()
    "tpu.region"() ({
      %run_scoped3A = tpu.sem_alloc : memref<!tpu.dma_semaphore, #tpu.memory_space<semaphore_mem>>
      %dma_start3A_64 = arith.constant 0 : i32
      %dma_start3A_65 = tpu.memref_slice %arg5[%arg0, %add3A_55, %dma_start3A_64] : memref<2x10240x128xf32, #tpu.memory_space<hbm>> -> memref<1x128x128xf32, #tpu.memory_space<hbm>>
      %dma_start3A_66 = tpu.memref_squeeze %dma_start3A_65 : memref<1x128x128xf32, #tpu.memory_space<hbm>> -> memref<128x128xf32, #tpu.memory_space<hbm>>
      %dma_start3A_67 = arith.constant 0 : i32
      %dma_start3A_68 = tpu.memref_slice %arg5[%arg0, %add3A_55, %dma_start3A_67] : memref<2x10240x128xf32, #tpu.memory_space<hbm>> -> memref<1x128x128xf32, #tpu.memory_space<hbm>>
      %dma_start3A_69 = tpu.memref_squeeze %dma_start3A_68 : memref<1x128x128xf32, #tpu.memory_space<hbm>> -> memref<128x128xf32, #tpu.memory_space<hbm>>
      tpu.enqueue_dma source(%arg11 : memref<128x128xf32, #tpu.memory_space<vmem>>) target(%dma_start3A_69 : memref<128x128xf32, #tpu.memory_space<hbm>>) target_semaphore(%run_scoped3A : memref<!tpu.dma_semaphore, #tpu.memory_space<semaphore_mem>>)
      %dma_wait3A = arith.constant 0 : i32
      %dma_wait3A_70 = tpu.memref_slice %arg5[%arg0, %add3A_55, %dma_wait3A] : memref<2x10240x128xf32, #tpu.memory_space<hbm>> -> memref<1x128x128xf32, #tpu.memory_space<hbm>>
      %dma_wait3A_71 = tpu.memref_squeeze %dma_wait3A_70 : memref<1x128x128xf32, #tpu.memory_space<hbm>> -> memref<128x128xf32, #tpu.memory_space<hbm>>
      %dma_wait3A_72 = arith.constant 0 : i32
      %dma_wait3A_73 = tpu.memref_slice %arg5[%arg0, %add3A_55, %dma_wait3A_72] : memref<2x10240x128xf32, #tpu.memory_space<hbm>> -> memref<1x128x128xf32, #tpu.memory_space<hbm>>
      %dma_wait3A_74 = tpu.memref_squeeze %dma_wait3A_73 : memref<1x128x128xf32, #tpu.memory_space<hbm>> -> memref<128x128xf32, #tpu.memory_space<hbm>>
      tpu.wait_dma2 semaphore(%run_scoped3A : memref<!tpu.dma_semaphore, #tpu.memory_space<semaphore_mem>>) src(%arg11 : memref<128x128xf32, #tpu.memory_space<vmem>>) dst(%dma_wait3A_74 : memref<128x128xf32, #tpu.memory_space<hbm>>)
      tpu.yield
    }) : () -> ()
    %add3A_56 = arith.constant 128 : i32
    %add3A_57 = arith.addi %mul3A_8, %add3A_56 : i32
    "tpu.region"() ({
      %run_scoped3A = tpu.sem_alloc : memref<!tpu.dma_semaphore, #tpu.memory_space<semaphore_mem>>
      %dma_start3A_64 = arith.constant 0 : i32
      %dma_start3A_65 = tpu.memref_slice %arg13[%add3A_57, %dma_start3A_64] : memref<10240x128xf32, #tpu.memory_space<vmem_shared>> -> memref<128x128xf32, #tpu.memory_space<vmem_shared>>
      %dma_start3A_66 = arith.constant 0 : i32
      %dma_start3A_67 = tpu.memref_slice %arg13[%add3A_57, %dma_start3A_66] : memref<10240x128xf32, #tpu.memory_space<vmem_shared>> -> memref<128x128xf32, #tpu.memory_space<vmem_shared>>
      tpu.enqueue_dma source(%dma_start3A_67 : memref<128x128xf32, #tpu.memory_space<vmem_shared>>) target(%arg11 : memref<128x128xf32, #tpu.memory_space<vmem>>) target_semaphore(%run_scoped3A : memref<!tpu.dma_semaphore, #tpu.memory_space<semaphore_mem>>)
      %dma_wait3A = arith.constant 0 : i32
      %dma_wait3A_68 = tpu.memref_slice %arg13[%add3A_57, %dma_wait3A] : memref<10240x128xf32, #tpu.memory_space<vmem_shared>> -> memref<128x128xf32, #tpu.memory_space<vmem_shared>>
      %dma_wait3A_69 = arith.constant 0 : i32
      %dma_wait3A_70 = tpu.memref_slice %arg13[%add3A_57, %dma_wait3A_69] : memref<10240x128xf32, #tpu.memory_space<vmem_shared>> -> memref<128x128xf32, #tpu.memory_space<vmem_shared>>
      tpu.wait_dma2 semaphore(%run_scoped3A : memref<!tpu.dma_semaphore, #tpu.memory_space<semaphore_mem>>) src(%dma_wait3A_70 : memref<128x128xf32, #tpu.memory_space<vmem_shared>>) dst(%arg11 : memref<128x128xf32, #tpu.memory_space<vmem>>)
      tpu.yield
    }) : () -> ()
    "tpu.region"() ({
      %run_scoped3A = tpu.sem_alloc : memref<!tpu.dma_semaphore, #tpu.memory_space<semaphore_mem>>
      %dma_start3A_64 = arith.constant 0 : i32
      %dma_start3A_65 = tpu.memref_slice %arg5[%arg0, %add3A_57, %dma_start3A_64] : memref<2x10240x128xf32, #tpu.memory_space<hbm>> -> memref<1x128x128xf32, #tpu.memory_space<hbm>>
      %dma_start3A_66 = tpu.memref_squeeze %dma_start3A_65 : memref<1x128x128xf32, #tpu.memory_space<hbm>> -> memref<128x128xf32, #tpu.memory_space<hbm>>
      %dma_start3A_67 = arith.constant 0 : i32
      %dma_start3A_68 = tpu.memref_slice %arg5[%arg0, %add3A_57, %dma_start3A_67] : memref<2x10240x128xf32, #tpu.memory_space<hbm>> -> memref<1x128x128xf32, #tpu.memory_space<hbm>>
      %dma_start3A_69 = tpu.memref_squeeze %dma_start3A_68 : memref<1x128x128xf32, #tpu.memory_space<hbm>> -> memref<128x128xf32, #tpu.memory_space<hbm>>
      tpu.enqueue_dma source(%arg11 : memref<128x128xf32, #tpu.memory_space<vmem>>) target(%dma_start3A_69 : memref<128x128xf32, #tpu.memory_space<hbm>>) target_semaphore(%run_scoped3A : memref<!tpu.dma_semaphore, #tpu.memory_space<semaphore_mem>>)
      %dma_wait3A = arith.constant 0 : i32
      %dma_wait3A_70 = tpu.memref_slice %arg5[%arg0, %add3A_57, %dma_wait3A] : memref<2x10240x128xf32, #tpu.memory_space<hbm>> -> memref<1x128x128xf32, #tpu.memory_space<hbm>>
      %dma_wait3A_71 = tpu.memref_squeeze %dma_wait3A_70 : memref<1x128x128xf32, #tpu.memory_space<hbm>> -> memref<128x128xf32, #tpu.memory_space<hbm>>
      %dma_wait3A_72 = arith.constant 0 : i32
      %dma_wait3A_73 = tpu.memref_slice %arg5[%arg0, %add3A_57, %dma_wait3A_72] : memref<2x10240x128xf32, #tpu.memory_space<hbm>> -> memref<1x128x128xf32, #tpu.memory_space<hbm>>
      %dma_wait3A_74 = tpu.memref_squeeze %dma_wait3A_73 : memref<1x128x128xf32, #tpu.memory_space<hbm>> -> memref<128x128xf32, #tpu.memory_space<hbm>>
      tpu.wait_dma2 semaphore(%run_scoped3A : memref<!tpu.dma_semaphore, #tpu.memory_space<semaphore_mem>>) src(%arg11 : memref<128x128xf32, #tpu.memory_space<vmem>>) dst(%dma_wait3A_74 : memref<128x128xf32, #tpu.memory_space<hbm>>)
      tpu.yield
    }) : () -> ()
    %add3A_58 = arith.constant 256 : i32
    %add3A_59 = arith.addi %mul3A_8, %add3A_58 : i32
    "tpu.region"() ({
      %run_scoped3A = tpu.sem_alloc : memref<!tpu.dma_semaphore, #tpu.memory_space<semaphore_mem>>
      %dma_start3A_64 = arith.constant 0 : i32
      %dma_start3A_65 = tpu.memref_slice %arg13[%add3A_59, %dma_start3A_64] : memref<10240x128xf32, #tpu.memory_space<vmem_shared>> -> memref<128x128xf32, #tpu.memory_space<vmem_shared>>
      %dma_start3A_66 = arith.constant 0 : i32
      %dma_start3A_67 = tpu.memref_slice %arg13[%add3A_59, %dma_start3A_66] : memref<10240x128xf32, #tpu.memory_space<vmem_shared>> -> memref<128x128xf32, #tpu.memory_space<vmem_shared>>
      tpu.enqueue_dma source(%dma_start3A_67 : memref<128x128xf32, #tpu.memory_space<vmem_shared>>) target(%arg11 : memref<128x128xf32, #tpu.memory_space<vmem>>) target_semaphore(%run_scoped3A : memref<!tpu.dma_semaphore, #tpu.memory_space<semaphore_mem>>)
      %dma_wait3A = arith.constant 0 : i32
      %dma_wait3A_68 = tpu.memref_slice %arg13[%add3A_59, %dma_wait3A] : memref<10240x128xf32, #tpu.memory_space<vmem_shared>> -> memref<128x128xf32, #tpu.memory_space<vmem_shared>>
      %dma_wait3A_69 = arith.constant 0 : i32
      %dma_wait3A_70 = tpu.memref_slice %arg13[%add3A_59, %dma_wait3A_69] : memref<10240x128xf32, #tpu.memory_space<vmem_shared>> -> memref<128x128xf32, #tpu.memory_space<vmem_shared>>
      tpu.wait_dma2 semaphore(%run_scoped3A : memref<!tpu.dma_semaphore, #tpu.memory_space<semaphore_mem>>) src(%dma_wait3A_70 : memref<128x128xf32, #tpu.memory_space<vmem_shared>>) dst(%arg11 : memref<128x128xf32, #tpu.memory_space<vmem>>)
      tpu.yield
    }) : () -> ()
    "tpu.region"() ({
      %run_scoped3A = tpu.sem_alloc : memref<!tpu.dma_semaphore, #tpu.memory_space<semaphore_mem>>
      %dma_start3A_64 = arith.constant 0 : i32
      %dma_start3A_65 = tpu.memref_slice %arg5[%arg0, %add3A_59, %dma_start3A_64] : memref<2x10240x128xf32, #tpu.memory_space<hbm>> -> memref<1x128x128xf32, #tpu.memory_space<hbm>>
      %dma_start3A_66 = tpu.memref_squeeze %dma_start3A_65 : memref<1x128x128xf32, #tpu.memory_space<hbm>> -> memref<128x128xf32, #tpu.memory_space<hbm>>
      %dma_start3A_67 = arith.constant 0 : i32
      %dma_start3A_68 = tpu.memref_slice %arg5[%arg0, %add3A_59, %dma_start3A_67] : memref<2x10240x128xf32, #tpu.memory_space<hbm>> -> memref<1x128x128xf32, #tpu.memory_space<hbm>>
      %dma_start3A_69 = tpu.memref_squeeze %dma_start3A_68 : memref<1x128x128xf32, #tpu.memory_space<hbm>> -> memref<128x128xf32, #tpu.memory_space<hbm>>
      tpu.enqueue_dma source(%arg11 : memref<128x128xf32, #tpu.memory_space<vmem>>) target(%dma_start3A_69 : memref<128x128xf32, #tpu.memory_space<hbm>>) target_semaphore(%run_scoped3A : memref<!tpu.dma_semaphore, #tpu.memory_space<semaphore_mem>>)
      %dma_wait3A = arith.constant 0 : i32
      %dma_wait3A_70 = tpu.memref_slice %arg5[%arg0, %add3A_59, %dma_wait3A] : memref<2x10240x128xf32, #tpu.memory_space<hbm>> -> memref<1x128x128xf32, #tpu.memory_space<hbm>>
      %dma_wait3A_71 = tpu.memref_squeeze %dma_wait3A_70 : memref<1x128x128xf32, #tpu.memory_space<hbm>> -> memref<128x128xf32, #tpu.memory_space<hbm>>
      %dma_wait3A_72 = arith.constant 0 : i32
      %dma_wait3A_73 = tpu.memref_slice %arg5[%arg0, %add3A_59, %dma_wait3A_72] : memref<2x10240x128xf32, #tpu.memory_space<hbm>> -> memref<1x128x128xf32, #tpu.memory_space<hbm>>
      %dma_wait3A_74 = tpu.memref_squeeze %dma_wait3A_73 : memref<1x128x128xf32, #tpu.memory_space<hbm>> -> memref<128x128xf32, #tpu.memory_space<hbm>>
      tpu.wait_dma2 semaphore(%run_scoped3A : memref<!tpu.dma_semaphore, #tpu.memory_space<semaphore_mem>>) src(%arg11 : memref<128x128xf32, #tpu.memory_space<vmem>>) dst(%dma_wait3A_74 : memref<128x128xf32, #tpu.memory_space<hbm>>)
      tpu.yield
    }) : () -> ()
    %add3A_60 = arith.constant 384 : i32
    %add3A_61 = arith.addi %mul3A_8, %add3A_60 : i32
    "tpu.region"() ({
      %run_scoped3A = tpu.sem_alloc : memref<!tpu.dma_semaphore, #tpu.memory_space<semaphore_mem>>
      %dma_start3A_64 = arith.constant 0 : i32
      %dma_start3A_65 = tpu.memref_slice %arg13[%add3A_61, %dma_start3A_64] : memref<10240x128xf32, #tpu.memory_space<vmem_shared>> -> memref<128x128xf32, #tpu.memory_space<vmem_shared>>
      %dma_start3A_66 = arith.constant 0 : i32
      %dma_start3A_67 = tpu.memref_slice %arg13[%add3A_61, %dma_start3A_66] : memref<10240x128xf32, #tpu.memory_space<vmem_shared>> -> memref<128x128xf32, #tpu.memory_space<vmem_shared>>
      tpu.enqueue_dma source(%dma_start3A_67 : memref<128x128xf32, #tpu.memory_space<vmem_shared>>) target(%arg11 : memref<128x128xf32, #tpu.memory_space<vmem>>) target_semaphore(%run_scoped3A : memref<!tpu.dma_semaphore, #tpu.memory_space<semaphore_mem>>)
      %dma_wait3A = arith.constant 0 : i32
      %dma_wait3A_68 = tpu.memref_slice %arg13[%add3A_61, %dma_wait3A] : memref<10240x128xf32, #tpu.memory_space<vmem_shared>> -> memref<128x128xf32, #tpu.memory_space<vmem_shared>>
      %dma_wait3A_69 = arith.constant 0 : i32
      %dma_wait3A_70 = tpu.memref_slice %arg13[%add3A_61, %dma_wait3A_69] : memref<10240x128xf32, #tpu.memory_space<vmem_shared>> -> memref<128x128xf32, #tpu.memory_space<vmem_shared>>
      tpu.wait_dma2 semaphore(%run_scoped3A : memref<!tpu.dma_semaphore, #tpu.memory_space<semaphore_mem>>) src(%dma_wait3A_70 : memref<128x128xf32, #tpu.memory_space<vmem_shared>>) dst(%arg11 : memref<128x128xf32, #tpu.memory_space<vmem>>)
      tpu.yield
    }) : () -> ()
    "tpu.region"() ({
      %run_scoped3A = tpu.sem_alloc : memref<!tpu.dma_semaphore, #tpu.memory_space<semaphore_mem>>
      %dma_start3A_64 = arith.constant 0 : i32
      %dma_start3A_65 = tpu.memref_slice %arg5[%arg0, %add3A_61, %dma_start3A_64] : memref<2x10240x128xf32, #tpu.memory_space<hbm>> -> memref<1x128x128xf32, #tpu.memory_space<hbm>>
      %dma_start3A_66 = tpu.memref_squeeze %dma_start3A_65 : memref<1x128x128xf32, #tpu.memory_space<hbm>> -> memref<128x128xf32, #tpu.memory_space<hbm>>
      %dma_start3A_67 = arith.constant 0 : i32
      %dma_start3A_68 = tpu.memref_slice %arg5[%arg0, %add3A_61, %dma_start3A_67] : memref<2x10240x128xf32, #tpu.memory_space<hbm>> -> memref<1x128x128xf32, #tpu.memory_space<hbm>>
      %dma_start3A_69 = tpu.memref_squeeze %dma_start3A_68 : memref<1x128x128xf32, #tpu.memory_space<hbm>> -> memref<128x128xf32, #tpu.memory_space<hbm>>
      tpu.enqueue_dma source(%arg11 : memref<128x128xf32, #tpu.memory_space<vmem>>) target(%dma_start3A_69 : memref<128x128xf32, #tpu.memory_space<hbm>>) target_semaphore(%run_scoped3A : memref<!tpu.dma_semaphore, #tpu.memory_space<semaphore_mem>>)
      %dma_wait3A = arith.constant 0 : i32
      %dma_wait3A_70 = tpu.memref_slice %arg5[%arg0, %add3A_61, %dma_wait3A] : memref<2x10240x128xf32, #tpu.memory_space<hbm>> -> memref<1x128x128xf32, #tpu.memory_space<hbm>>
      %dma_wait3A_71 = tpu.memref_squeeze %dma_wait3A_70 : memref<1x128x128xf32, #tpu.memory_space<hbm>> -> memref<128x128xf32, #tpu.memory_space<hbm>>
      %dma_wait3A_72 = arith.constant 0 : i32
      %dma_wait3A_73 = tpu.memref_slice %arg5[%arg0, %add3A_61, %dma_wait3A_72] : memref<2x10240x128xf32, #tpu.memory_space<hbm>> -> memref<1x128x128xf32, #tpu.memory_space<hbm>>
      %dma_wait3A_74 = tpu.memref_squeeze %dma_wait3A_73 : memref<1x128x128xf32, #tpu.memory_space<hbm>> -> memref<128x128xf32, #tpu.memory_space<hbm>>
      tpu.wait_dma2 semaphore(%run_scoped3A : memref<!tpu.dma_semaphore, #tpu.memory_space<semaphore_mem>>) src(%arg11 : memref<128x128xf32, #tpu.memory_space<vmem>>) dst(%dma_wait3A_74 : memref<128x128xf32, #tpu.memory_space<hbm>>)
      tpu.yield
    }) : () -> ()
    %add3A_62 = arith.constant 512 : i32
    %add3A_63 = arith.addi %mul3A_8, %add3A_62 : i32
    "tpu.region"() ({
      %run_scoped3A = tpu.sem_alloc : memref<!tpu.dma_semaphore, #tpu.memory_space<semaphore_mem>>
      %dma_start3A_64 = arith.constant 0 : i32
      %dma_start3A_65 = tpu.memref_slice %arg13[%add3A_63, %dma_start3A_64] : memref<10240x128xf32, #tpu.memory_space<vmem_shared>> -> memref<128x128xf32, #tpu.memory_space<vmem_shared>>
      %dma_start3A_66 = arith.constant 0 : i32
      %dma_start3A_67 = tpu.memref_slice %arg13[%add3A_63, %dma_start3A_66] : memref<10240x128xf32, #tpu.memory_space<vmem_shared>> -> memref<128x128xf32, #tpu.memory_space<vmem_shared>>
      tpu.enqueue_dma source(%dma_start3A_67 : memref<128x128xf32, #tpu.memory_space<vmem_shared>>) target(%arg11 : memref<128x128xf32, #tpu.memory_space<vmem>>) target_semaphore(%run_scoped3A : memref<!tpu.dma_semaphore, #tpu.memory_space<semaphore_mem>>)
      %dma_wait3A = arith.constant 0 : i32
      %dma_wait3A_68 = tpu.memref_slice %arg13[%add3A_63, %dma_wait3A] : memref<10240x128xf32, #tpu.memory_space<vmem_shared>> -> memref<128x128xf32, #tpu.memory_space<vmem_shared>>
      %dma_wait3A_69 = arith.constant 0 : i32
      %dma_wait3A_70 = tpu.memref_slice %arg13[%add3A_63, %dma_wait3A_69] : memref<10240x128xf32, #tpu.memory_space<vmem_shared>> -> memref<128x128xf32, #tpu.memory_space<vmem_shared>>
      tpu.wait_dma2 semaphore(%run_scoped3A : memref<!tpu.dma_semaphore, #tpu.memory_space<semaphore_mem>>) src(%dma_wait3A_70 : memref<128x128xf32, #tpu.memory_space<vmem_shared>>) dst(%arg11 : memref<128x128xf32, #tpu.memory_space<vmem>>)
      tpu.yield
    }) : () -> ()
    "tpu.region"() ({
      %run_scoped3A = tpu.sem_alloc : memref<!tpu.dma_semaphore, #tpu.memory_space<semaphore_mem>>
      %dma_start3A_64 = arith.constant 0 : i32
      %dma_start3A_65 = tpu.memref_slice %arg5[%arg0, %add3A_63, %dma_start3A_64] : memref<2x10240x128xf32, #tpu.memory_space<hbm>> -> memref<1x128x128xf32, #tpu.memory_space<hbm>>
      %dma_start3A_66 = tpu.memref_squeeze %dma_start3A_65 : memref<1x128x128xf32, #tpu.memory_space<hbm>> -> memref<128x128xf32, #tpu.memory_space<hbm>>
      %dma_start3A_67 = arith.constant 0 : i32
      %dma_start3A_68 = tpu.memref_slice %arg5[%arg0, %add3A_63, %dma_start3A_67] : memref<2x10240x128xf32, #tpu.memory_space<hbm>> -> memref<1x128x128xf32, #tpu.memory_space<hbm>>
      %dma_start3A_69 = tpu.memref_squeeze %dma_start3A_68 : memref<1x128x128xf32, #tpu.memory_space<hbm>> -> memref<128x128xf32, #tpu.memory_space<hbm>>
      tpu.enqueue_dma source(%arg11 : memref<128x128xf32, #tpu.memory_space<vmem>>) target(%dma_start3A_69 : memref<128x128xf32, #tpu.memory_space<hbm>>) target_semaphore(%run_scoped3A : memref<!tpu.dma_semaphore, #tpu.memory_space<semaphore_mem>>)
      %dma_wait3A = arith.constant 0 : i32
      %dma_wait3A_70 = tpu.memref_slice %arg5[%arg0, %add3A_63, %dma_wait3A] : memref<2x10240x128xf32, #tpu.memory_space<hbm>> -> memref<1x128x128xf32, #tpu.memory_space<hbm>>
      %dma_wait3A_71 = tpu.memref_squeeze %dma_wait3A_70 : memref<1x128x128xf32, #tpu.memory_space<hbm>> -> memref<128x128xf32, #tpu.memory_space<hbm>>
      %dma_wait3A_72 = arith.constant 0 : i32
      %dma_wait3A_73 = tpu.memref_slice %arg5[%arg0, %add3A_63, %dma_wait3A_72] : memref<2x10240x128xf32, #tpu.memory_space<hbm>> -> memref<1x128x128xf32, #tpu.memory_space<hbm>>
      %dma_wait3A_74 = tpu.memref_squeeze %dma_wait3A_73 : memref<1x128x128xf32, #tpu.memory_space<hbm>> -> memref<128x128xf32, #tpu.memory_space<hbm>>
      tpu.wait_dma2 semaphore(%run_scoped3A : memref<!tpu.dma_semaphore, #tpu.memory_space<semaphore_mem>>) src(%arg11 : memref<128x128xf32, #tpu.memory_space<vmem>>) dst(%dma_wait3A_74 : memref<128x128xf32, #tpu.memory_space<hbm>>)
      tpu.yield
    }) : () -> ()
    return
  }
}

#map = affine_map<(d0, d1) -> (0, 0)>
#map1 = affine_map<(d0, d1) -> (0)>
#map2 = affine_map<(d0, d1) -> (0, 0, 0)>
module attributes {stable_mosaic.version = 14 : i64} {
  func.func @_sc_aggregate(%arg0: i32, %arg1: i32, %arg2: memref<10240x128xf32, #tpu.memory_space<hbm>>, %arg3: memref<327680xi32, #tpu.memory_space<hbm>>, %arg4: memref<327680xi32, #tpu.memory_space<hbm>>, %arg5: memref<2x10240x128xf32, #tpu.memory_space<hbm>>, %arg6: memref<10240xi32, #tpu.memory_space<vmem>>, %arg7: memref<128xi32, #tpu.memory_space<vmem>>, %arg8: memref<128xi32, #tpu.memory_space<vmem>>, %arg9: memref<128xi32, #tpu.memory_space<vmem>>, %arg10: memref<128xi32, #tpu.memory_space<vmem>>, %arg11: memref<128x128xf32, #tpu.memory_space<vmem>>, %arg12: memref<128x128xf32, #tpu.memory_space<vmem>>, %arg13: memref<10240x128xf32, #tpu.memory_space<vmem_shared>>, %arg14: memref<!tpu.dma_semaphore, #tpu.memory_space<semaphore_mem>>, %arg15: memref<!tpu.dma_semaphore, #tpu.memory_space<semaphore_mem>>, %arg16: memref<!tpu.dma_semaphore, #tpu.memory_space<semaphore_mem>>, %arg17: memref<!tpu.dma_semaphore, #tpu.memory_space<semaphore_mem>>, %arg18: memref<!tpu.dma_semaphore, #tpu.memory_space<semaphore_mem>>, %arg19: memref<!tpu.dma_semaphore, #tpu.memory_space<semaphore_mem>>) attributes {dimension_semantics = [#tpu.dimension_semantics<core_parallel>, #tpu.dimension_semantics<subcore_parallel>], iteration_bounds = array<i64: 2, 16>, scalar_prefetch = 0 : i64, scratch_operands = 14 : i64, tpu.core_type = #tpu.core_type<sc_vector_subcore>, window_params = [{transform_indices = #map}, {transform_indices = #map1}, {transform_indices = #map1}, {transform_indices = #map2}]} {
    %mul3A = arith.constant 16 : i32
    %mul3A_0 = arith.muli %arg0, %mul3A : i32
    %add3A = arith.addi %mul3A_0, %arg1 : i32
    %scan3A = arith.constant 0 : i32
    %scan3A_1 = arith.constant 0 : i32
    %scan3A_2 = arith.constant 1024 : i32
    %scan3A_3 = arith.addi %scan3A_1, %scan3A_2 : i32
    %scan3A_4 = arith.constant 1 : i32
    %scan3A_5 = scf.for %scan3A_64 = %scan3A_1 to %scan3A_3 step %scan3A_4 iter_args(%scan3A_65 = %scan3A) -> (i32)  : i32 {
      %jit3A = arith.constant 8 : i32
      %div3A = arith.divsi %scan3A_64, %jit3A : i32
      %sign3A = arith.constant 0 : i32
      %sign3A_66 = arith.cmpi sgt, %scan3A_64, %sign3A : i32
      %sign3A_67 = arith.extui %sign3A_66 : i1 to i32
      %sign3A_68 = arith.constant 0 : i32
      %sign3A_69 = arith.cmpi slt, %scan3A_64, %sign3A_68 : i32
      %sign3A_70 = arith.extui %sign3A_69 : i1 to i32
      %sign3A_71 = arith.subi %sign3A_67, %sign3A_70 : i32
      %sign3A_72 = arith.constant 0 : i32
      %sign3A_73 = arith.cmpi sgt, %jit3A, %sign3A_72 : i32
      %sign3A_74 = arith.extui %sign3A_73 : i1 to i32
      %sign3A_75 = arith.constant 0 : i32
      %sign3A_76 = arith.cmpi slt, %jit3A, %sign3A_75 : i32
      %sign3A_77 = arith.extui %sign3A_76 : i1 to i32
      %sign3A_78 = arith.subi %sign3A_74, %sign3A_77 : i32
      %ne3A = arith.cmpi ne, %sign3A_71, %sign3A_78 : i32
      %rem3A = arith.remsi %scan3A_64, %jit3A : i32
      %ne3A_79 = arith.constant 0 : i32
      %ne3A_80 = arith.cmpi ne, %rem3A, %ne3A_79 : i32
      %and3A = arith.andi %ne3A, %ne3A_80 : i1
      %sub3A = arith.constant 1 : i32
      %sub3A_81 = arith.subi %div3A, %sub3A : i32
      %select_n3A = arith.select %and3A, %sub3A_81, %div3A : i32
      %jit3A_82 = arith.constant 8 : i32
      %eq3A = arith.constant 0 : i32
      %eq3A_83 = arith.cmpi eq, %jit3A_82, %eq3A : i32
      %jit3A_84 = arith.constant 1 : i32
      %select_n3A_85 = arith.select %eq3A_83, %jit3A_84, %jit3A_82 : i32
      %rem3A_86 = arith.remsi %scan3A_64, %select_n3A_85 : i32
      %ne3A_87 = arith.constant 0 : i32
      %ne3A_88 = arith.cmpi ne, %rem3A_86, %ne3A_87 : i32
      %lt3A = arith.constant 0 : i32
      %lt3A_89 = arith.cmpi slt, %rem3A_86, %lt3A : i32
      %lt3A_90 = arith.constant 0 : i32
      %lt3A_91 = arith.cmpi slt, %select_n3A_85, %lt3A_90 : i32
      %ne3A_92 = arith.xori %lt3A_89, %lt3A_91 : i1
      %and3A_93 = arith.andi %ne3A_92, %ne3A_88 : i1
      %add3A_94 = arith.addi %rem3A_86, %select_n3A_85 : i32
      %select_n3A_95 = arith.select %and3A_93, %add3A_94, %rem3A_86 : i32
      %mul3A_96 = arith.constant 16 : i32
      %mul3A_97 = arith.muli %select_n3A_95, %mul3A_96 : i32
      %broadcast_in_dim3A = arith.constant 0.000000e+00 : f32
      %broadcast_in_dim3A_98 = vector.broadcast %broadcast_in_dim3A : f32 to vector<16xf32>
      %swap3A = arith.index_cast %select_n3A : i32 to index
      %swap3A_99 = arith.index_cast %mul3A_97 : i32 to index
      %swap3A_100 = tpu.vector_load %arg11[%swap3A, %swap3A_99] {strides = array<i32>} : memref<128x128xf32, #tpu.memory_space<vmem>>, vector<1x16xf32>,
      %swap3A_101 = vector.shape_cast %swap3A_100 : vector<1x16xf32> to vector<16xf32>
      %swap3A_102 = vector.shape_cast %broadcast_in_dim3A_98 : vector<16xf32> to vector<1x16xf32>
      tpu.vector_store %arg11[%swap3A, %swap3A_99], %swap3A_102 {strides = array<i32>} : memref<128x128xf32, #tpu.memory_space<vmem>>, vector<1x16xf32>,
      %scan3A_103 = arith.constant 0 : i32
      scf.yield %scan3A_103 : i32
    }
    %scan3A_6 = arith.constant 1024 : i32
    %mul3A_7 = arith.constant 640 : i32
    %mul3A_8 = arith.muli %arg1, %mul3A_7 : i32
    %add3A_9 = arith.constant 0 : i32
    %add3A_10 = arith.addi %mul3A_8, %add3A_9 : i32
    "tpu.region"() ({
      %run_scoped3A = tpu.sem_alloc : memref<!tpu.dma_semaphore, #tpu.memory_space<semaphore_mem>>
      %dma_start3A_64 = arith.constant 0 : i32
      %dma_start3A_65 = tpu.memref_slice %arg13[%add3A_10, %dma_start3A_64] : memref<10240x128xf32, #tpu.memory_space<vmem_shared>> -> memref<128x128xf32, #tpu.memory_space<vmem_shared>>
      %dma_start3A_66 = arith.constant 0 : i32
      %dma_start3A_67 = tpu.memref_slice %arg13[%add3A_10, %dma_start3A_66] : memref<10240x128xf32, #tpu.memory_space<vmem_shared>> -> memref<128x128xf32, #tpu.memory_space<vmem_shared>>
      tpu.enqueue_dma source(%arg11 : memref<128x128xf32, #tpu.memory_space<vmem>>) target(%dma_start3A_67 : memref<128x128xf32, #tpu.memory_space<vmem_shared>>) target_semaphore(%run_scoped3A : memref<!tpu.dma_semaphore, #tpu.memory_space<semaphore_mem>>)
      %dma_wait3A = arith.constant 0 : i32
      %dma_wait3A_68 = tpu.memref_slice %arg13[%add3A_10, %dma_wait3A] : memref<10240x128xf32, #tpu.memory_space<vmem_shared>> -> memref<128x128xf32, #tpu.memory_space<vmem_shared>>
      %dma_wait3A_69 = arith.constant 0 : i32
      %dma_wait3A_70 = tpu.memref_slice %arg13[%add3A_10, %dma_wait3A_69] : memref<10240x128xf32, #tpu.memory_space<vmem_shared>> -> memref<128x128xf32, #tpu.memory_space<vmem_shared>>
      tpu.wait_dma2 semaphore(%run_scoped3A : memref<!tpu.dma_semaphore, #tpu.memory_space<semaphore_mem>>) src(%arg11 : memref<128x128xf32, #tpu.memory_space<vmem>>) dst(%dma_wait3A_70 : memref<128x128xf32, #tpu.memory_space<vmem_shared>>)
      tpu.yield
    }) : () -> ()
    %add3A_11 = arith.constant 128 : i32
    %add3A_12 = arith.addi %mul3A_8, %add3A_11 : i32
    "tpu.region"() ({
      %run_scoped3A = tpu.sem_alloc : memref<!tpu.dma_semaphore, #tpu.memory_space<semaphore_mem>>
      %dma_start3A_64 = arith.constant 0 : i32
      %dma_start3A_65 = tpu.memref_slice %arg13[%add3A_12, %dma_start3A_64] : memref<10240x128xf32, #tpu.memory_space<vmem_shared>> -> memref<128x128xf32, #tpu.memory_space<vmem_shared>>
      %dma_start3A_66 = arith.constant 0 : i32
      %dma_start3A_67 = tpu.memref_slice %arg13[%add3A_12, %dma_start3A_66] : memref<10240x128xf32, #tpu.memory_space<vmem_shared>> -> memref<128x128xf32, #tpu.memory_space<vmem_shared>>
      tpu.enqueue_dma source(%arg11 : memref<128x128xf32, #tpu.memory_space<vmem>>) target(%dma_start3A_67 : memref<128x128xf32, #tpu.memory_space<vmem_shared>>) target_semaphore(%run_scoped3A : memref<!tpu.dma_semaphore, #tpu.memory_space<semaphore_mem>>)
      %dma_wait3A = arith.constant 0 : i32
      %dma_wait3A_68 = tpu.memref_slice %arg13[%add3A_12, %dma_wait3A] : memref<10240x128xf32, #tpu.memory_space<vmem_shared>> -> memref<128x128xf32, #tpu.memory_space<vmem_shared>>
      %dma_wait3A_69 = arith.constant 0 : i32
      %dma_wait3A_70 = tpu.memref_slice %arg13[%add3A_12, %dma_wait3A_69] : memref<10240x128xf32, #tpu.memory_space<vmem_shared>> -> memref<128x128xf32, #tpu.memory_space<vmem_shared>>
      tpu.wait_dma2 semaphore(%run_scoped3A : memref<!tpu.dma_semaphore, #tpu.memory_space<semaphore_mem>>) src(%arg11 : memref<128x128xf32, #tpu.memory_space<vmem>>) dst(%dma_wait3A_70 : memref<128x128xf32, #tpu.memory_space<vmem_shared>>)
      tpu.yield
    }) : () -> ()
    %add3A_13 = arith.constant 256 : i32
    %add3A_14 = arith.addi %mul3A_8, %add3A_13 : i32
    "tpu.region"() ({
      %run_scoped3A = tpu.sem_alloc : memref<!tpu.dma_semaphore, #tpu.memory_space<semaphore_mem>>
      %dma_start3A_64 = arith.constant 0 : i32
      %dma_start3A_65 = tpu.memref_slice %arg13[%add3A_14, %dma_start3A_64] : memref<10240x128xf32, #tpu.memory_space<vmem_shared>> -> memref<128x128xf32, #tpu.memory_space<vmem_shared>>
      %dma_start3A_66 = arith.constant 0 : i32
      %dma_start3A_67 = tpu.memref_slice %arg13[%add3A_14, %dma_start3A_66] : memref<10240x128xf32, #tpu.memory_space<vmem_shared>> -> memref<128x128xf32, #tpu.memory_space<vmem_shared>>
      tpu.enqueue_dma source(%arg11 : memref<128x128xf32, #tpu.memory_space<vmem>>) target(%dma_start3A_67 : memref<128x128xf32, #tpu.memory_space<vmem_shared>>) target_semaphore(%run_scoped3A : memref<!tpu.dma_semaphore, #tpu.memory_space<semaphore_mem>>)
      %dma_wait3A = arith.constant 0 : i32
      %dma_wait3A_68 = tpu.memref_slice %arg13[%add3A_14, %dma_wait3A] : memref<10240x128xf32, #tpu.memory_space<vmem_shared>> -> memref<128x128xf32, #tpu.memory_space<vmem_shared>>
      %dma_wait3A_69 = arith.constant 0 : i32
      %dma_wait3A_70 = tpu.memref_slice %arg13[%add3A_14, %dma_wait3A_69] : memref<10240x128xf32, #tpu.memory_space<vmem_shared>> -> memref<128x128xf32, #tpu.memory_space<vmem_shared>>
      tpu.wait_dma2 semaphore(%run_scoped3A : memref<!tpu.dma_semaphore, #tpu.memory_space<semaphore_mem>>) src(%arg11 : memref<128x128xf32, #tpu.memory_space<vmem>>) dst(%dma_wait3A_70 : memref<128x128xf32, #tpu.memory_space<vmem_shared>>)
      tpu.yield
    }) : () -> ()
    %add3A_15 = arith.constant 384 : i32
    %add3A_16 = arith.addi %mul3A_8, %add3A_15 : i32
    "tpu.region"() ({
      %run_scoped3A = tpu.sem_alloc : memref<!tpu.dma_semaphore, #tpu.memory_space<semaphore_mem>>
      %dma_start3A_64 = arith.constant 0 : i32
      %dma_start3A_65 = tpu.memref_slice %arg13[%add3A_16, %dma_start3A_64] : memref<10240x128xf32, #tpu.memory_space<vmem_shared>> -> memref<128x128xf32, #tpu.memory_space<vmem_shared>>
      %dma_start3A_66 = arith.constant 0 : i32
      %dma_start3A_67 = tpu.memref_slice %arg13[%add3A_16, %dma_start3A_66] : memref<10240x128xf32, #tpu.memory_space<vmem_shared>> -> memref<128x128xf32, #tpu.memory_space<vmem_shared>>
      tpu.enqueue_dma source(%arg11 : memref<128x128xf32, #tpu.memory_space<vmem>>) target(%dma_start3A_67 : memref<128x128xf32, #tpu.memory_space<vmem_shared>>) target_semaphore(%run_scoped3A : memref<!tpu.dma_semaphore, #tpu.memory_space<semaphore_mem>>)
      %dma_wait3A = arith.constant 0 : i32
      %dma_wait3A_68 = tpu.memref_slice %arg13[%add3A_16, %dma_wait3A] : memref<10240x128xf32, #tpu.memory_space<vmem_shared>> -> memref<128x128xf32, #tpu.memory_space<vmem_shared>>
      %dma_wait3A_69 = arith.constant 0 : i32
      %dma_wait3A_70 = tpu.memref_slice %arg13[%add3A_16, %dma_wait3A_69] : memref<10240x128xf32, #tpu.memory_space<vmem_shared>> -> memref<128x128xf32, #tpu.memory_space<vmem_shared>>
      tpu.wait_dma2 semaphore(%run_scoped3A : memref<!tpu.dma_semaphore, #tpu.memory_space<semaphore_mem>>) src(%arg11 : memref<128x128xf32, #tpu.memory_space<vmem>>) dst(%dma_wait3A_70 : memref<128x128xf32, #tpu.memory_space<vmem_shared>>)
      tpu.yield
    }) : () -> ()
    %add3A_17 = arith.constant 512 : i32
    %add3A_18 = arith.addi %mul3A_8, %add3A_17 : i32
    "tpu.region"() ({
      %run_scoped3A = tpu.sem_alloc : memref<!tpu.dma_semaphore, #tpu.memory_space<semaphore_mem>>
      %dma_start3A_64 = arith.constant 0 : i32
      %dma_start3A_65 = tpu.memref_slice %arg13[%add3A_18, %dma_start3A_64] : memref<10240x128xf32, #tpu.memory_space<vmem_shared>> -> memref<128x128xf32, #tpu.memory_space<vmem_shared>>
      %dma_start3A_66 = arith.constant 0 : i32
      %dma_start3A_67 = tpu.memref_slice %arg13[%add3A_18, %dma_start3A_66] : memref<10240x128xf32, #tpu.memory_space<vmem_shared>> -> memref<128x128xf32, #tpu.memory_space<vmem_shared>>
      tpu.enqueue_dma source(%arg11 : memref<128x128xf32, #tpu.memory_space<vmem>>) target(%dma_start3A_67 : memref<128x128xf32, #tpu.memory_space<vmem_shared>>) target_semaphore(%run_scoped3A : memref<!tpu.dma_semaphore, #tpu.memory_space<semaphore_mem>>)
      %dma_wait3A = arith.constant 0 : i32
      %dma_wait3A_68 = tpu.memref_slice %arg13[%add3A_18, %dma_wait3A] : memref<10240x128xf32, #tpu.memory_space<vmem_shared>> -> memref<128x128xf32, #tpu.memory_space<vmem_shared>>
      %dma_wait3A_69 = arith.constant 0 : i32
      %dma_wait3A_70 = tpu.memref_slice %arg13[%add3A_18, %dma_wait3A_69] : memref<10240x128xf32, #tpu.memory_space<vmem_shared>> -> memref<128x128xf32, #tpu.memory_space<vmem_shared>>
      tpu.wait_dma2 semaphore(%run_scoped3A : memref<!tpu.dma_semaphore, #tpu.memory_space<semaphore_mem>>) src(%arg11 : memref<128x128xf32, #tpu.memory_space<vmem>>) dst(%dma_wait3A_70 : memref<128x128xf32, #tpu.memory_space<vmem_shared>>)
      tpu.yield
    }) : () -> ()
    %barrier3A = arith.constant 0 : index
    tpu.barrier barrier_id(%barrier3A)
    %mul3A_19 = arith.constant 10240 : i32
    %mul3A_20 = arith.muli %add3A, %mul3A_19 : i32
    "tpu.region"() ({
      %run_scoped3A = tpu.sem_alloc : memref<!tpu.dma_semaphore, #tpu.memory_space<semaphore_mem>>
      %dma_start3A_64 = tpu.memref_slice %arg3[%mul3A_20] : memref<327680xi32, #tpu.memory_space<hbm>> -> memref<10240xi32, #tpu.memory_space<hbm>>
      %dma_start3A_65 = tpu.memref_slice %arg3[%mul3A_20] : memref<327680xi32, #tpu.memory_space<hbm>> -> memref<10240xi32, #tpu.memory_space<hbm>>
      tpu.enqueue_dma source(%dma_start3A_65 : memref<10240xi32, #tpu.memory_space<hbm>>) target(%arg6 : memref<10240xi32, #tpu.memory_space<vmem>>) target_semaphore(%run_scoped3A : memref<!tpu.dma_semaphore, #tpu.memory_space<semaphore_mem>>)
      %dma_wait3A = tpu.memref_slice %arg3[%mul3A_20] : memref<327680xi32, #tpu.memory_space<hbm>> -> memref<10240xi32, #tpu.memory_space<hbm>>
      %dma_wait3A_66 = tpu.memref_slice %arg3[%mul3A_20] : memref<327680xi32, #tpu.memory_space<hbm>> -> memref<10240xi32, #tpu.memory_space<hbm>>
      tpu.wait_dma2 semaphore(%run_scoped3A : memref<!tpu.dma_semaphore, #tpu.memory_space<semaphore_mem>>) src(%dma_wait3A_66 : memref<10240xi32, #tpu.memory_space<hbm>>) dst(%arg6 : memref<10240xi32, #tpu.memory_space<vmem>>)
      tpu.yield
    }) : () -> ()
    %add3A_21 = arith.constant 0 : i32
    %add3A_22 = arith.addi %mul3A_20, %add3A_21 : i32
    %dma_start3A = tpu.memref_slice %arg4[%add3A_22] : memref<327680xi32, #tpu.memory_space<hbm>> -> memref<128xi32, #tpu.memory_space<hbm>>
    %dma_start3A_23 = tpu.memref_slice %arg4[%add3A_22] : memref<327680xi32, #tpu.memory_space<hbm>> -> memref<128xi32, #tpu.memory_space<hbm>>
    tpu.enqueue_dma source(%dma_start3A_23 : memref<128xi32, #tpu.memory_space<hbm>>) target(%arg7 : memref<128xi32, #tpu.memory_space<vmem>>) target_semaphore(%arg14 : memref<!tpu.dma_semaphore, #tpu.memory_space<semaphore_mem>>)
    %add3A_24 = arith.constant 128 : i32
    %add3A_25 = arith.addi %mul3A_20, %add3A_24 : i32
    %dma_start3A_26 = tpu.memref_slice %arg4[%add3A_25] : memref<327680xi32, #tpu.memory_space<hbm>> -> memref<128xi32, #tpu.memory_space<hbm>>
    %dma_start3A_27 = tpu.memref_slice %arg4[%add3A_25] : memref<327680xi32, #tpu.memory_space<hbm>> -> memref<128xi32, #tpu.memory_space<hbm>>
    tpu.enqueue_dma source(%dma_start3A_27 : memref<128xi32, #tpu.memory_space<hbm>>) target(%arg8 : memref<128xi32, #tpu.memory_space<vmem>>) target_semaphore(%arg15 : memref<!tpu.dma_semaphore, #tpu.memory_space<semaphore_mem>>)
    %add3A_28 = arith.constant 256 : i32
    %add3A_29 = arith.addi %mul3A_20, %add3A_28 : i32
    %dma_start3A_30 = tpu.memref_slice %arg4[%add3A_29] : memref<327680xi32, #tpu.memory_space<hbm>> -> memref<128xi32, #tpu.memory_space<hbm>>
    %dma_start3A_31 = tpu.memref_slice %arg4[%add3A_29] : memref<327680xi32, #tpu.memory_space<hbm>> -> memref<128xi32, #tpu.memory_space<hbm>>
    tpu.enqueue_dma source(%dma_start3A_31 : memref<128xi32, #tpu.memory_space<hbm>>) target(%arg9 : memref<128xi32, #tpu.memory_space<vmem>>) target_semaphore(%arg16 : memref<!tpu.dma_semaphore, #tpu.memory_space<semaphore_mem>>)
    %add3A_32 = arith.constant 384 : i32
    %add3A_33 = arith.addi %mul3A_20, %add3A_32 : i32
    %dma_start3A_34 = tpu.memref_slice %arg4[%add3A_33] : memref<327680xi32, #tpu.memory_space<hbm>> -> memref<128xi32, #tpu.memory_space<hbm>>
    %dma_start3A_35 = tpu.memref_slice %arg4[%add3A_33] : memref<327680xi32, #tpu.memory_space<hbm>> -> memref<128xi32, #tpu.memory_space<hbm>>
    tpu.enqueue_dma source(%dma_start3A_35 : memref<128xi32, #tpu.memory_space<hbm>>) target(%arg10 : memref<128xi32, #tpu.memory_space<vmem>>) target_semaphore(%arg17 : memref<!tpu.dma_semaphore, #tpu.memory_space<semaphore_mem>>)
    %dma_start3A_36 = arith.constant 0 : i32
    %dma_start3A_37 = tpu.memref_slice %arg6[%dma_start3A_36] : memref<10240xi32, #tpu.memory_space<vmem>> -> memref<128xi32, #tpu.memory_space<vmem>>
    %dma_start3A_38 = arith.constant 0 : i32
    %dma_start3A_39 = arith.constant 0 : i32
    %dma_start3A_40 = tpu.memref_slice %arg2[%dma_start3A_38, %dma_start3A_39] : memref<10240x128xf32, #tpu.memory_space<hbm>> -> memref<10240x128xf32, #tpu.memory_space<hbm>>
    tpu.enqueue_indirect_dma source(%dma_start3A_40 : memref<10240x128xf32, #tpu.memory_space<hbm>>) target(%arg11 : memref<128x128xf32, #tpu.memory_space<vmem>>) offsets(%dma_start3A_37 : memref<128xi32, #tpu.memory_space<vmem>>) semaphore(%arg18 : memref<!tpu.dma_semaphore, #tpu.memory_space<semaphore_mem>>)
    %dma_start3A_41 = arith.constant 128 : i32
    %dma_start3A_42 = tpu.memref_slice %arg6[%dma_start3A_41] : memref<10240xi32, #tpu.memory_space<vmem>> -> memref<128xi32, #tpu.memory_space<vmem>>
    %dma_start3A_43 = arith.constant 0 : i32
    %dma_start3A_44 = arith.constant 0 : i32
    %dma_start3A_45 = tpu.memref_slice %arg2[%dma_start3A_43, %dma_start3A_44] : memref<10240x128xf32, #tpu.memory_space<hbm>> -> memref<10240x128xf32, #tpu.memory_space<hbm>>
    tpu.enqueue_indirect_dma source(%dma_start3A_45 : memref<10240x128xf32, #tpu.memory_space<hbm>>) target(%arg12 : memref<128x128xf32, #tpu.memory_space<vmem>>) offsets(%dma_start3A_42 : memref<128xi32, #tpu.memory_space<vmem>>) semaphore(%arg19 : memref<!tpu.dma_semaphore, #tpu.memory_space<semaphore_mem>>)
    %scan3A_46 = arith.constant 0 : i32
    %scan3A_47 = arith.constant 0 : i32
    %scan3A_48 = arith.constant 20 : i32
    %scan3A_49 = arith.addi %scan3A_47, %scan3A_48 : i32
    %scan3A_50 = arith.constant 1 : i32
    %scan3A_51 = scf.for %scan3A_64 = %scan3A_47 to %scan3A_49 step %scan3A_50 iter_args(%scan3A_65 = %scan3A_46) -> (i32)  : i32 {
      %mul3A_66 = arith.constant 4 : i32
      %mul3A_67 = arith.muli %scan3A_64, %mul3A_66 : i32
      %add3A_68 = arith.constant 0 : i32
      %add3A_69 = arith.addi %mul3A_67, %add3A_68 : i32
      %mul3A_70 = arith.constant 128 : i32
      %mul3A_71 = arith.muli %add3A_69, %mul3A_70 : i32
      %dma_wait3A = tpu.memref_slice %arg6[%mul3A_71] : memref<10240xi32, #tpu.memory_space<vmem>> -> memref<128xi32, #tpu.memory_space<vmem>>
      %dma_wait3A_72 = arith.constant 0 : i32
      %dma_wait3A_73 = arith.constant 0 : i32
      %dma_wait3A_74 = tpu.memref_slice %arg2[%dma_wait3A_72, %dma_wait3A_73] : memref<10240x128xf32, #tpu.memory_space<hbm>> -> memref<10240x128xf32, #tpu.memory_space<hbm>>
      tpu.wait_indirect_dma semaphore(%arg18 : memref<!tpu.dma_semaphore, #tpu.memory_space<semaphore_mem>>) src(%dma_wait3A_74 : memref<10240x128xf32, #tpu.memory_space<hbm>>) dst(%arg11 : memref<128x128xf32, #tpu.memory_space<vmem>>)
      %mul3A_75 = arith.constant 128 : i32
      %mul3A_76 = arith.muli %add3A_69, %mul3A_75 : i32
      %add3A_77 = arith.addi %mul3A_20, %mul3A_76 : i32
      %dma_wait3A_78 = tpu.memref_slice %arg4[%add3A_77] : memref<327680xi32, #tpu.memory_space<hbm>> -> memref<128xi32, #tpu.memory_space<hbm>>
      %dma_wait3A_79 = tpu.memref_slice %arg4[%add3A_77] : memref<327680xi32, #tpu.memory_space<hbm>> -> memref<128xi32, #tpu.memory_space<hbm>>
      tpu.wait_dma2 semaphore(%arg14 : memref<!tpu.dma_semaphore, #tpu.memory_space<semaphore_mem>>) src(%dma_wait3A_79 : memref<128xi32, #tpu.memory_space<hbm>>) dst(%arg7 : memref<128xi32, #tpu.memory_space<vmem>>)
      "tpu.region"() ({
        %run_scoped3A = tpu.sem_alloc : memref<!tpu.dma_semaphore, #tpu.memory_space<semaphore_mem>>
        %dma_start3A_179 = arith.constant 0 : i32
        %dma_start3A_180 = arith.constant 0 : i32
        %dma_start3A_181 = tpu.memref_slice %arg13[%dma_start3A_179, %dma_start3A_180] : memref<10240x128xf32, #tpu.memory_space<vmem_shared>> -> memref<10240x128xf32, #tpu.memory_space<vmem_shared>>
        tpu.enqueue_indirect_dma source(%arg11 : memref<128x128xf32, #tpu.memory_space<vmem>>) target(%dma_start3A_181 : memref<10240x128xf32, #tpu.memory_space<vmem_shared>>) offsets(%arg7 : memref<128xi32, #tpu.memory_space<vmem>>) semaphore(%run_scoped3A : memref<!tpu.dma_semaphore, #tpu.memory_space<semaphore_mem>>) {add = true}
        %dma_wait3A_182 = arith.constant 0 : i32
        %dma_wait3A_183 = arith.constant 0 : i32
        %dma_wait3A_184 = tpu.memref_slice %arg13[%dma_wait3A_182, %dma_wait3A_183] : memref<10240x128xf32, #tpu.memory_space<vmem_shared>> -> memref<10240x128xf32, #tpu.memory_space<vmem_shared>>
        tpu.wait_indirect_dma semaphore(%run_scoped3A : memref<!tpu.dma_semaphore, #tpu.memory_space<semaphore_mem>>) src(%arg11 : memref<128x128xf32, #tpu.memory_space<vmem>>) dst(%dma_wait3A_184 : memref<10240x128xf32, #tpu.memory_space<vmem_shared>>)
        tpu.yield
      }) : () -> ()
      %add3A_80 = arith.constant 4 : i32
      %add3A_81 = arith.addi %add3A_69, %add3A_80 : i32
      %lt3A = arith.constant 80 : i32
      %lt3A_82 = arith.cmpi slt, %add3A_81, %lt3A : i32
      %convert_element_type3A = arith.extui %lt3A_82 : i1 to i32
      %cond3A = arith.constant 0 : i32
      %cond3A_83 = arith.cmpi ne, %convert_element_type3A, %cond3A : i32
      scf.if %cond3A_83 {
        %add3A_179 = arith.constant 4 : i32
        %add3A_180 = arith.addi %add3A_69, %add3A_179 : i32
        %mul3A_181 = arith.constant 128 : i32
        %mul3A_182 = arith.muli %add3A_180, %mul3A_181 : i32
        %add3A_183 = arith.addi %mul3A_20, %mul3A_182 : i32
        %dma_start3A_184 = tpu.memref_slice %arg4[%add3A_183] : memref<327680xi32, #tpu.memory_space<hbm>> -> memref<128xi32, #tpu.memory_space<hbm>>
        %dma_start3A_185 = tpu.memref_slice %arg4[%add3A_183] : memref<327680xi32, #tpu.memory_space<hbm>> -> memref<128xi32, #tpu.memory_space<hbm>>
        tpu.enqueue_dma source(%dma_start3A_185 : memref<128xi32, #tpu.memory_space<hbm>>) target(%arg7 : memref<128xi32, #tpu.memory_space<vmem>>) target_semaphore(%arg14 : memref<!tpu.dma_semaphore, #tpu.memory_space<semaphore_mem>>)
      } else {
      }
      %add3A_84 = arith.constant 2 : i32
      %add3A_85 = arith.addi %add3A_69, %add3A_84 : i32
      %lt3A_86 = arith.constant 80 : i32
      %lt3A_87 = arith.cmpi slt, %add3A_85, %lt3A_86 : i32
      %convert_element_type3A_88 = arith.extui %lt3A_87 : i1 to i32
      %cond3A_89 = arith.constant 0 : i32
      %cond3A_90 = arith.cmpi ne, %convert_element_type3A_88, %cond3A_89 : i32
      scf.if %cond3A_90 {
        %add3A_179 = arith.constant 2 : i32
        %add3A_180 = arith.addi %add3A_69, %add3A_179 : i32
        %mul3A_181 = arith.constant 128 : i32
        %mul3A_182 = arith.muli %add3A_180, %mul3A_181 : i32
        %dma_start3A_183 = tpu.memref_slice %arg6[%mul3A_182] : memref<10240xi32, #tpu.memory_space<vmem>> -> memref<128xi32, #tpu.memory_space<vmem>>
        %dma_start3A_184 = arith.constant 0 : i32
        %dma_start3A_185 = arith.constant 0 : i32
        %dma_start3A_186 = tpu.memref_slice %arg2[%dma_start3A_184, %dma_start3A_185] : memref<10240x128xf32, #tpu.memory_space<hbm>> -> memref<10240x128xf32, #tpu.memory_space<hbm>>
        tpu.enqueue_indirect_dma source(%dma_start3A_186 : memref<10240x128xf32, #tpu.memory_space<hbm>>) target(%arg11 : memref<128x128xf32, #tpu.memory_space<vmem>>) offsets(%dma_start3A_183 : memref<128xi32, #tpu.memory_space<vmem>>) semaphore(%arg18 : memref<!tpu.dma_semaphore, #tpu.memory_space<semaphore_mem>>)
      } else {
      }
      %mul3A_91 = arith.constant 4 : i32
      %mul3A_92 = arith.muli %scan3A_64, %mul3A_91 : i32
      %add3A_93 = arith.constant 1 : i32
      %add3A_94 = arith.addi %mul3A_92, %add3A_93 : i32
      %mul3A_95 = arith.constant 128 : i32
      %mul3A_96 = arith.muli %add3A_94, %mul3A_95 : i32
      %dma_wait3A_97 = tpu.memref_slice %arg6[%mul3A_96] : memref<10240xi32, #tpu.memory_space<vmem>> -> memref<128xi32, #tpu.memory_space<vmem>>
      %dma_wait3A_98 = arith.constant 0 : i32
      %dma_wait3A_99 = arith.constant 0 : i32
      %dma_wait3A_100 = tpu.memref_slice %arg2[%dma_wait3A_98, %dma_wait3A_99] : memref<10240x128xf32, #tpu.memory_space<hbm>> -> memref<10240x128xf32, #tpu.memory_space<hbm>>
      tpu.wait_indirect_dma semaphore(%arg19 : memref<!tpu.dma_semaphore, #tpu.memory_space<semaphore_mem>>) src(%dma_wait3A_100 : memref<10240x128xf32, #tpu.memory_space<hbm>>) dst(%arg12 : memref<128x128xf32, #tpu.memory_space<vmem>>)
      %mul3A_101 = arith.constant 128 : i32
      %mul3A_102 = arith.muli %add3A_94, %mul3A_101 : i32
      %add3A_103 = arith.addi %mul3A_20, %mul3A_102 : i32
      %dma_wait3A_104 = tpu.memref_slice %arg4[%add3A_103] : memref<327680xi32, #tpu.memory_space<hbm>> -> memref<128xi32, #tpu.memory_space<hbm>>
      %dma_wait3A_105 = tpu.memref_slice %arg4[%add3A_103] : memref<327680xi32, #tpu.memory_space<hbm>> -> memref<128xi32, #tpu.memory_space<hbm>>
      tpu.wait_dma2 semaphore(%arg15 : memref<!tpu.dma_semaphore, #tpu.memory_space<semaphore_mem>>) src(%dma_wait3A_105 : memref<128xi32, #tpu.memory_space<hbm>>) dst(%arg8 : memref<128xi32, #tpu.memory_space<vmem>>)
      "tpu.region"() ({
        %run_scoped3A = tpu.sem_alloc : memref<!tpu.dma_semaphore, #tpu.memory_space<semaphore_mem>>
        %dma_start3A_179 = arith.constant 0 : i32
        %dma_start3A_180 = arith.constant 0 : i32
        %dma_start3A_181 = tpu.memref_slice %arg13[%dma_start3A_179, %dma_start3A_180] : memref<10240x128xf32, #tpu.memory_space<vmem_shared>> -> memref<10240x128xf32, #tpu.memory_space<vmem_shared>>
        tpu.enqueue_indirect_dma source(%arg12 : memref<128x128xf32, #tpu.memory_space<vmem>>) target(%dma_start3A_181 : memref<10240x128xf32, #tpu.memory_space<vmem_shared>>) offsets(%arg8 : memref<128xi32, #tpu.memory_space<vmem>>) semaphore(%run_scoped3A : memref<!tpu.dma_semaphore, #tpu.memory_space<semaphore_mem>>) {add = true}
        %dma_wait3A_182 = arith.constant 0 : i32
        %dma_wait3A_183 = arith.constant 0 : i32
        %dma_wait3A_184 = tpu.memref_slice %arg13[%dma_wait3A_182, %dma_wait3A_183] : memref<10240x128xf32, #tpu.memory_space<vmem_shared>> -> memref<10240x128xf32, #tpu.memory_space<vmem_shared>>
        tpu.wait_indirect_dma semaphore(%run_scoped3A : memref<!tpu.dma_semaphore, #tpu.memory_space<semaphore_mem>>) src(%arg12 : memref<128x128xf32, #tpu.memory_space<vmem>>) dst(%dma_wait3A_184 : memref<10240x128xf32, #tpu.memory_space<vmem_shared>>)
        tpu.yield
      }) : () -> ()
      %add3A_106 = arith.constant 4 : i32
      %add3A_107 = arith.addi %add3A_94, %add3A_106 : i32
      %lt3A_108 = arith.constant 80 : i32
      %lt3A_109 = arith.cmpi slt, %add3A_107, %lt3A_108 : i32
      %convert_element_type3A_110 = arith.extui %lt3A_109 : i1 to i32
      %cond3A_111 = arith.constant 0 : i32
      %cond3A_112 = arith.cmpi ne, %convert_element_type3A_110, %cond3A_111 : i32
      scf.if %cond3A_112 {
        %add3A_179 = arith.constant 4 : i32
        %add3A_180 = arith.addi %add3A_94, %add3A_179 : i32
        %mul3A_181 = arith.constant 128 : i32
        %mul3A_182 = arith.muli %add3A_180, %mul3A_181 : i32
        %add3A_183 = arith.addi %mul3A_20, %mul3A_182 : i32
        %dma_start3A_184 = tpu.memref_slice %arg4[%add3A_183] : memref<327680xi32, #tpu.memory_space<hbm>> -> memref<128xi32, #tpu.memory_space<hbm>>
        %dma_start3A_185 = tpu.memref_slice %arg4[%add3A_183] : memref<327680xi32, #tpu.memory_space<hbm>> -> memref<128xi32, #tpu.memory_space<hbm>>
        tpu.enqueue_dma source(%dma_start3A_185 : memref<128xi32, #tpu.memory_space<hbm>>) target(%arg8 : memref<128xi32, #tpu.memory_space<vmem>>) target_semaphore(%arg15 : memref<!tpu.dma_semaphore, #tpu.memory_space<semaphore_mem>>)
      } else {
      }
      %add3A_113 = arith.constant 2 : i32
      %add3A_114 = arith.addi %add3A_94, %add3A_113 : i32
      %lt3A_115 = arith.constant 80 : i32
      %lt3A_116 = arith.cmpi slt, %add3A_114, %lt3A_115 : i32
      %convert_element_type3A_117 = arith.extui %lt3A_116 : i1 to i32
      %cond3A_118 = arith.constant 0 : i32
      %cond3A_119 = arith.cmpi ne, %convert_element_type3A_117, %cond3A_118 : i32
      scf.if %cond3A_119 {
        %add3A_179 = arith.constant 2 : i32
        %add3A_180 = arith.addi %add3A_94, %add3A_179 : i32
        %mul3A_181 = arith.constant 128 : i32
        %mul3A_182 = arith.muli %add3A_180, %mul3A_181 : i32
        %dma_start3A_183 = tpu.memref_slice %arg6[%mul3A_182] : memref<10240xi32, #tpu.memory_space<vmem>> -> memref<128xi32, #tpu.memory_space<vmem>>
        %dma_start3A_184 = arith.constant 0 : i32
        %dma_start3A_185 = arith.constant 0 : i32
        %dma_start3A_186 = tpu.memref_slice %arg2[%dma_start3A_184, %dma_start3A_185] : memref<10240x128xf32, #tpu.memory_space<hbm>> -> memref<10240x128xf32, #tpu.memory_space<hbm>>
        tpu.enqueue_indirect_dma source(%dma_start3A_186 : memref<10240x128xf32, #tpu.memory_space<hbm>>) target(%arg12 : memref<128x128xf32, #tpu.memory_space<vmem>>) offsets(%dma_start3A_183 : memref<128xi32, #tpu.memory_space<vmem>>) semaphore(%arg19 : memref<!tpu.dma_semaphore, #tpu.memory_space<semaphore_mem>>)
      } else {
      }
      %mul3A_120 = arith.constant 4 : i32
      %mul3A_121 = arith.muli %scan3A_64, %mul3A_120 : i32
      %add3A_122 = arith.constant 2 : i32
      %add3A_123 = arith.addi %mul3A_121, %add3A_122 : i32
      %mul3A_124 = arith.constant 128 : i32
      %mul3A_125 = arith.muli %add3A_123, %mul3A_124 : i32
      %dma_wait3A_126 = tpu.memref_slice %arg6[%mul3A_125] : memref<10240xi32, #tpu.memory_space<vmem>> -> memref<128xi32, #tpu.memory_space<vmem>>
      %dma_wait3A_127 = arith.constant 0 : i32
      %dma_wait3A_128 = arith.constant 0 : i32
      %dma_wait3A_129 = tpu.memref_slice %arg2[%dma_wait3A_127, %dma_wait3A_128] : memref<10240x128xf32, #tpu.memory_space<hbm>> -> memref<10240x128xf32, #tpu.memory_space<hbm>>
      tpu.wait_indirect_dma semaphore(%arg18 : memref<!tpu.dma_semaphore, #tpu.memory_space<semaphore_mem>>) src(%dma_wait3A_129 : memref<10240x128xf32, #tpu.memory_space<hbm>>) dst(%arg11 : memref<128x128xf32, #tpu.memory_space<vmem>>)
      %mul3A_130 = arith.constant 128 : i32
      %mul3A_131 = arith.muli %add3A_123, %mul3A_130 : i32
      %add3A_132 = arith.addi %mul3A_20, %mul3A_131 : i32
      %dma_wait3A_133 = tpu.memref_slice %arg4[%add3A_132] : memref<327680xi32, #tpu.memory_space<hbm>> -> memref<128xi32, #tpu.memory_space<hbm>>
      %dma_wait3A_134 = tpu.memref_slice %arg4[%add3A_132] : memref<327680xi32, #tpu.memory_space<hbm>> -> memref<128xi32, #tpu.memory_space<hbm>>
      tpu.wait_dma2 semaphore(%arg16 : memref<!tpu.dma_semaphore, #tpu.memory_space<semaphore_mem>>) src(%dma_wait3A_134 : memref<128xi32, #tpu.memory_space<hbm>>) dst(%arg9 : memref<128xi32, #tpu.memory_space<vmem>>)
      "tpu.region"() ({
        %run_scoped3A = tpu.sem_alloc : memref<!tpu.dma_semaphore, #tpu.memory_space<semaphore_mem>>
        %dma_start3A_179 = arith.constant 0 : i32
        %dma_start3A_180 = arith.constant 0 : i32
        %dma_start3A_181 = tpu.memref_slice %arg13[%dma_start3A_179, %dma_start3A_180] : memref<10240x128xf32, #tpu.memory_space<vmem_shared>> -> memref<10240x128xf32, #tpu.memory_space<vmem_shared>>
        tpu.enqueue_indirect_dma source(%arg11 : memref<128x128xf32, #tpu.memory_space<vmem>>) target(%dma_start3A_181 : memref<10240x128xf32, #tpu.memory_space<vmem_shared>>) offsets(%arg9 : memref<128xi32, #tpu.memory_space<vmem>>) semaphore(%run_scoped3A : memref<!tpu.dma_semaphore, #tpu.memory_space<semaphore_mem>>) {add = true}
        %dma_wait3A_182 = arith.constant 0 : i32
        %dma_wait3A_183 = arith.constant 0 : i32
        %dma_wait3A_184 = tpu.memref_slice %arg13[%dma_wait3A_182, %dma_wait3A_183] : memref<10240x128xf32, #tpu.memory_space<vmem_shared>> -> memref<10240x128xf32, #tpu.memory_space<vmem_shared>>
        tpu.wait_indirect_dma semaphore(%run_scoped3A : memref<!tpu.dma_semaphore, #tpu.memory_space<semaphore_mem>>) src(%arg11 : memref<128x128xf32, #tpu.memory_space<vmem>>) dst(%dma_wait3A_184 : memref<10240x128xf32, #tpu.memory_space<vmem_shared>>)
        tpu.yield
      }) : () -> ()
      %add3A_135 = arith.constant 4 : i32
      %add3A_136 = arith.addi %add3A_123, %add3A_135 : i32
      %lt3A_137 = arith.constant 80 : i32
      %lt3A_138 = arith.cmpi slt, %add3A_136, %lt3A_137 : i32
      %convert_element_type3A_139 = arith.extui %lt3A_138 : i1 to i32
      %cond3A_140 = arith.constant 0 : i32
      %cond3A_141 = arith.cmpi ne, %convert_element_type3A_139, %cond3A_140 : i32
      scf.if %cond3A_141 {
        %add3A_179 = arith.constant 4 : i32
        %add3A_180 = arith.addi %add3A_123, %add3A_179 : i32
        %mul3A_181 = arith.constant 128 : i32
        %mul3A_182 = arith.muli %add3A_180, %mul3A_181 : i32
        %add3A_183 = arith.addi %mul3A_20, %mul3A_182 : i32
        %dma_start3A_184 = tpu.memref_slice %arg4[%add3A_183] : memref<327680xi32, #tpu.memory_space<hbm>> -> memref<128xi32, #tpu.memory_space<hbm>>
        %dma_start3A_185 = tpu.memref_slice %arg4[%add3A_183] : memref<327680xi32, #tpu.memory_space<hbm>> -> memref<128xi32, #tpu.memory_space<hbm>>
        tpu.enqueue_dma source(%dma_start3A_185 : memref<128xi32, #tpu.memory_space<hbm>>) target(%arg9 : memref<128xi32, #tpu.memory_space<vmem>>) target_semaphore(%arg16 : memref<!tpu.dma_semaphore, #tpu.memory_space<semaphore_mem>>)
      } else {
      }
      %add3A_142 = arith.constant 2 : i32
      %add3A_143 = arith.addi %add3A_123, %add3A_142 : i32
      %lt3A_144 = arith.constant 80 : i32
      %lt3A_145 = arith.cmpi slt, %add3A_143, %lt3A_144 : i32
      %convert_element_type3A_146 = arith.extui %lt3A_145 : i1 to i32
      %cond3A_147 = arith.constant 0 : i32
      %cond3A_148 = arith.cmpi ne, %convert_element_type3A_146, %cond3A_147 : i32
      scf.if %cond3A_148 {
        %add3A_179 = arith.constant 2 : i32
        %add3A_180 = arith.addi %add3A_123, %add3A_179 : i32
        %mul3A_181 = arith.constant 128 : i32
        %mul3A_182 = arith.muli %add3A_180, %mul3A_181 : i32
        %dma_start3A_183 = tpu.memref_slice %arg6[%mul3A_182] : memref<10240xi32, #tpu.memory_space<vmem>> -> memref<128xi32, #tpu.memory_space<vmem>>
        %dma_start3A_184 = arith.constant 0 : i32
        %dma_start3A_185 = arith.constant 0 : i32
        %dma_start3A_186 = tpu.memref_slice %arg2[%dma_start3A_184, %dma_start3A_185] : memref<10240x128xf32, #tpu.memory_space<hbm>> -> memref<10240x128xf32, #tpu.memory_space<hbm>>
        tpu.enqueue_indirect_dma source(%dma_start3A_186 : memref<10240x128xf32, #tpu.memory_space<hbm>>) target(%arg11 : memref<128x128xf32, #tpu.memory_space<vmem>>) offsets(%dma_start3A_183 : memref<128xi32, #tpu.memory_space<vmem>>) semaphore(%arg18 : memref<!tpu.dma_semaphore, #tpu.memory_space<semaphore_mem>>)
      } else {
      }
      %mul3A_149 = arith.constant 4 : i32
      %mul3A_150 = arith.muli %scan3A_64, %mul3A_149 : i32
      %add3A_151 = arith.constant 3 : i32
      %add3A_152 = arith.addi %mul3A_150, %add3A_151 : i32
      %mul3A_153 = arith.constant 128 : i32
      %mul3A_154 = arith.muli %add3A_152, %mul3A_153 : i32
      %dma_wait3A_155 = tpu.memref_slice %arg6[%mul3A_154] : memref<10240xi32, #tpu.memory_space<vmem>> -> memref<128xi32, #tpu.memory_space<vmem>>
      %dma_wait3A_156 = arith.constant 0 : i32
      %dma_wait3A_157 = arith.constant 0 : i32
      %dma_wait3A_158 = tpu.memref_slice %arg2[%dma_wait3A_156, %dma_wait3A_157] : memref<10240x128xf32, #tpu.memory_space<hbm>> -> memref<10240x128xf32, #tpu.memory_space<hbm>>
      tpu.wait_indirect_dma semaphore(%arg19 : memref<!tpu.dma_semaphore, #tpu.memory_space<semaphore_mem>>) src(%dma_wait3A_158 : memref<10240x128xf32, #tpu.memory_space<hbm>>) dst(%arg12 : memref<128x128xf32, #tpu.memory_space<vmem>>)
      %mul3A_159 = arith.constant 128 : i32
      %mul3A_160 = arith.muli %add3A_152, %mul3A_159 : i32
      %add3A_161 = arith.addi %mul3A_20, %mul3A_160 : i32
      %dma_wait3A_162 = tpu.memref_slice %arg4[%add3A_161] : memref<327680xi32, #tpu.memory_space<hbm>> -> memref<128xi32, #tpu.memory_space<hbm>>
      %dma_wait3A_163 = tpu.memref_slice %arg4[%add3A_161] : memref<327680xi32, #tpu.memory_space<hbm>> -> memref<128xi32, #tpu.memory_space<hbm>>
      tpu.wait_dma2 semaphore(%arg17 : memref<!tpu.dma_semaphore, #tpu.memory_space<semaphore_mem>>) src(%dma_wait3A_163 : memref<128xi32, #tpu.memory_space<hbm>>) dst(%arg10 : memref<128xi32, #tpu.memory_space<vmem>>)
      "tpu.region"() ({
        %run_scoped3A = tpu.sem_alloc : memref<!tpu.dma_semaphore, #tpu.memory_space<semaphore_mem>>
        %dma_start3A_179 = arith.constant 0 : i32
        %dma_start3A_180 = arith.constant 0 : i32
        %dma_start3A_181 = tpu.memref_slice %arg13[%dma_start3A_179, %dma_start3A_180] : memref<10240x128xf32, #tpu.memory_space<vmem_shared>> -> memref<10240x128xf32, #tpu.memory_space<vmem_shared>>
        tpu.enqueue_indirect_dma source(%arg12 : memref<128x128xf32, #tpu.memory_space<vmem>>) target(%dma_start3A_181 : memref<10240x128xf32, #tpu.memory_space<vmem_shared>>) offsets(%arg10 : memref<128xi32, #tpu.memory_space<vmem>>) semaphore(%run_scoped3A : memref<!tpu.dma_semaphore, #tpu.memory_space<semaphore_mem>>) {add = true}
        %dma_wait3A_182 = arith.constant 0 : i32
        %dma_wait3A_183 = arith.constant 0 : i32
        %dma_wait3A_184 = tpu.memref_slice %arg13[%dma_wait3A_182, %dma_wait3A_183] : memref<10240x128xf32, #tpu.memory_space<vmem_shared>> -> memref<10240x128xf32, #tpu.memory_space<vmem_shared>>
        tpu.wait_indirect_dma semaphore(%run_scoped3A : memref<!tpu.dma_semaphore, #tpu.memory_space<semaphore_mem>>) src(%arg12 : memref<128x128xf32, #tpu.memory_space<vmem>>) dst(%dma_wait3A_184 : memref<10240x128xf32, #tpu.memory_space<vmem_shared>>)
        tpu.yield
      }) : () -> ()
      %add3A_164 = arith.constant 4 : i32
      %add3A_165 = arith.addi %add3A_152, %add3A_164 : i32
      %lt3A_166 = arith.constant 80 : i32
      %lt3A_167 = arith.cmpi slt, %add3A_165, %lt3A_166 : i32
      %convert_element_type3A_168 = arith.extui %lt3A_167 : i1 to i32
      %cond3A_169 = arith.constant 0 : i32
      %cond3A_170 = arith.cmpi ne, %convert_element_type3A_168, %cond3A_169 : i32
      scf.if %cond3A_170 {
        %add3A_179 = arith.constant 4 : i32
        %add3A_180 = arith.addi %add3A_152, %add3A_179 : i32
        %mul3A_181 = arith.constant 128 : i32
        %mul3A_182 = arith.muli %add3A_180, %mul3A_181 : i32
        %add3A_183 = arith.addi %mul3A_20, %mul3A_182 : i32
        %dma_start3A_184 = tpu.memref_slice %arg4[%add3A_183] : memref<327680xi32, #tpu.memory_space<hbm>> -> memref<128xi32, #tpu.memory_space<hbm>>
        %dma_start3A_185 = tpu.memref_slice %arg4[%add3A_183] : memref<327680xi32, #tpu.memory_space<hbm>> -> memref<128xi32, #tpu.memory_space<hbm>>
        tpu.enqueue_dma source(%dma_start3A_185 : memref<128xi32, #tpu.memory_space<hbm>>) target(%arg10 : memref<128xi32, #tpu.memory_space<vmem>>) target_semaphore(%arg17 : memref<!tpu.dma_semaphore, #tpu.memory_space<semaphore_mem>>)
      } else {
      }
      %add3A_171 = arith.constant 2 : i32
      %add3A_172 = arith.addi %add3A_152, %add3A_171 : i32
      %lt3A_173 = arith.constant 80 : i32
      %lt3A_174 = arith.cmpi slt, %add3A_172, %lt3A_173 : i32
      %convert_element_type3A_175 = arith.extui %lt3A_174 : i1 to i32
      %cond3A_176 = arith.constant 0 : i32
      %cond3A_177 = arith.cmpi ne, %convert_element_type3A_175, %cond3A_176 : i32
      scf.if %cond3A_177 {
        %add3A_179 = arith.constant 2 : i32
        %add3A_180 = arith.addi %add3A_152, %add3A_179 : i32
        %mul3A_181 = arith.constant 128 : i32
        %mul3A_182 = arith.muli %add3A_180, %mul3A_181 : i32
        %dma_start3A_183 = tpu.memref_slice %arg6[%mul3A_182] : memref<10240xi32, #tpu.memory_space<vmem>> -> memref<128xi32, #tpu.memory_space<vmem>>
        %dma_start3A_184 = arith.constant 0 : i32
        %dma_start3A_185 = arith.constant 0 : i32
        %dma_start3A_186 = tpu.memref_slice %arg2[%dma_start3A_184, %dma_start3A_185] : memref<10240x128xf32, #tpu.memory_space<hbm>> -> memref<10240x128xf32, #tpu.memory_space<hbm>>
        tpu.enqueue_indirect_dma source(%dma_start3A_186 : memref<10240x128xf32, #tpu.memory_space<hbm>>) target(%arg12 : memref<128x128xf32, #tpu.memory_space<vmem>>) offsets(%dma_start3A_183 : memref<128xi32, #tpu.memory_space<vmem>>) semaphore(%arg19 : memref<!tpu.dma_semaphore, #tpu.memory_space<semaphore_mem>>)
      } else {
      }
      %scan3A_178 = arith.constant 0 : i32
      scf.yield %scan3A_178 : i32
    }
    %scan3A_52 = arith.constant 20 : i32
    %barrier3A_53 = arith.constant 0 : index
    tpu.barrier barrier_id(%barrier3A_53)
    %add3A_54 = arith.constant 0 : i32
    %add3A_55 = arith.addi %mul3A_8, %add3A_54 : i32
    "tpu.region"() ({
      %run_scoped3A = tpu.sem_alloc : memref<!tpu.dma_semaphore, #tpu.memory_space<semaphore_mem>>
      %dma_start3A_64 = arith.constant 0 : i32
      %dma_start3A_65 = tpu.memref_slice %arg13[%add3A_55, %dma_start3A_64] : memref<10240x128xf32, #tpu.memory_space<vmem_shared>> -> memref<128x128xf32, #tpu.memory_space<vmem_shared>>
      %dma_start3A_66 = arith.constant 0 : i32
      %dma_start3A_67 = tpu.memref_slice %arg13[%add3A_55, %dma_start3A_66] : memref<10240x128xf32, #tpu.memory_space<vmem_shared>> -> memref<128x128xf32, #tpu.memory_space<vmem_shared>>
      tpu.enqueue_dma source(%dma_start3A_67 : memref<128x128xf32, #tpu.memory_space<vmem_shared>>) target(%arg11 : memref<128x128xf32, #tpu.memory_space<vmem>>) target_semaphore(%run_scoped3A : memref<!tpu.dma_semaphore, #tpu.memory_space<semaphore_mem>>)
      %dma_wait3A = arith.constant 0 : i32
      %dma_wait3A_68 = tpu.memref_slice %arg13[%add3A_55, %dma_wait3A] : memref<10240x128xf32, #tpu.memory_space<vmem_shared>> -> memref<128x128xf32, #tpu.memory_space<vmem_shared>>
      %dma_wait3A_69 = arith.constant 0 : i32
      %dma_wait3A_70 = tpu.memref_slice %arg13[%add3A_55, %dma_wait3A_69] : memref<10240x128xf32, #tpu.memory_space<vmem_shared>> -> memref<128x128xf32, #tpu.memory_space<vmem_shared>>
      tpu.wait_dma2 semaphore(%run_scoped3A : memref<!tpu.dma_semaphore, #tpu.memory_space<semaphore_mem>>) src(%dma_wait3A_70 : memref<128x128xf32, #tpu.memory_space<vmem_shared>>) dst(%arg11 : memref<128x128xf32, #tpu.memory_space<vmem>>)
      tpu.yield
    }) : () -> ()
    "tpu.region"() ({
      %run_scoped3A = tpu.sem_alloc : memref<!tpu.dma_semaphore, #tpu.memory_space<semaphore_mem>>
      %dma_start3A_64 = arith.constant 0 : i32
      %dma_start3A_65 = tpu.memref_slice %arg5[%arg0, %add3A_55, %dma_start3A_64] : memref<2x10240x128xf32, #tpu.memory_space<hbm>> -> memref<1x128x128xf32, #tpu.memory_space<hbm>>
      %dma_start3A_66 = tpu.memref_squeeze %dma_start3A_65 : memref<1x128x128xf32, #tpu.memory_space<hbm>> -> memref<128x128xf32, #tpu.memory_space<hbm>>
      %dma_start3A_67 = arith.constant 0 : i32
      %dma_start3A_68 = tpu.memref_slice %arg5[%arg0, %add3A_55, %dma_start3A_67] : memref<2x10240x128xf32, #tpu.memory_space<hbm>> -> memref<1x128x128xf32, #tpu.memory_space<hbm>>
      %dma_start3A_69 = tpu.memref_squeeze %dma_start3A_68 : memref<1x128x128xf32, #tpu.memory_space<hbm>> -> memref<128x128xf32, #tpu.memory_space<hbm>>
      tpu.enqueue_dma source(%arg11 : memref<128x128xf32, #tpu.memory_space<vmem>>) target(%dma_start3A_69 : memref<128x128xf32, #tpu.memory_space<hbm>>) target_semaphore(%run_scoped3A : memref<!tpu.dma_semaphore, #tpu.memory_space<semaphore_mem>>)
      %dma_wait3A = arith.constant 0 : i32
      %dma_wait3A_70 = tpu.memref_slice %arg5[%arg0, %add3A_55, %dma_wait3A] : memref<2x10240x128xf32, #tpu.memory_space<hbm>> -> memref<1x128x128xf32, #tpu.memory_space<hbm>>
      %dma_wait3A_71 = tpu.memref_squeeze %dma_wait3A_70 : memref<1x128x128xf32, #tpu.memory_space<hbm>> -> memref<128x128xf32, #tpu.memory_space<hbm>>
      %dma_wait3A_72 = arith.constant 0 : i32
      %dma_wait3A_73 = tpu.memref_slice %arg5[%arg0, %add3A_55, %dma_wait3A_72] : memref<2x10240x128xf32, #tpu.memory_space<hbm>> -> memref<1x128x128xf32, #tpu.memory_space<hbm>>
      %dma_wait3A_74 = tpu.memref_squeeze %dma_wait3A_73 : memref<1x128x128xf32, #tpu.memory_space<hbm>> -> memref<128x128xf32, #tpu.memory_space<hbm>>
      tpu.wait_dma2 semaphore(%run_scoped3A : memref<!tpu.dma_semaphore, #tpu.memory_space<semaphore_mem>>) src(%arg11 : memref<128x128xf32, #tpu.memory_space<vmem>>) dst(%dma_wait3A_74 : memref<128x128xf32, #tpu.memory_space<hbm>>)
      tpu.yield
    }) : () -> ()
    %add3A_56 = arith.constant 128 : i32
    %add3A_57 = arith.addi %mul3A_8, %add3A_56 : i32
    "tpu.region"() ({
      %run_scoped3A = tpu.sem_alloc : memref<!tpu.dma_semaphore, #tpu.memory_space<semaphore_mem>>
      %dma_start3A_64 = arith.constant 0 : i32
      %dma_start3A_65 = tpu.memref_slice %arg13[%add3A_57, %dma_start3A_64] : memref<10240x128xf32, #tpu.memory_space<vmem_shared>> -> memref<128x128xf32, #tpu.memory_space<vmem_shared>>
      %dma_start3A_66 = arith.constant 0 : i32
      %dma_start3A_67 = tpu.memref_slice %arg13[%add3A_57, %dma_start3A_66] : memref<10240x128xf32, #tpu.memory_space<vmem_shared>> -> memref<128x128xf32, #tpu.memory_space<vmem_shared>>
      tpu.enqueue_dma source(%dma_start3A_67 : memref<128x128xf32, #tpu.memory_space<vmem_shared>>) target(%arg11 : memref<128x128xf32, #tpu.memory_space<vmem>>) target_semaphore(%run_scoped3A : memref<!tpu.dma_semaphore, #tpu.memory_space<semaphore_mem>>)
      %dma_wait3A = arith.constant 0 : i32
      %dma_wait3A_68 = tpu.memref_slice %arg13[%add3A_57, %dma_wait3A] : memref<10240x128xf32, #tpu.memory_space<vmem_shared>> -> memref<128x128xf32, #tpu.memory_space<vmem_shared>>
      %dma_wait3A_69 = arith.constant 0 : i32
      %dma_wait3A_70 = tpu.memref_slice %arg13[%add3A_57, %dma_wait3A_69] : memref<10240x128xf32, #tpu.memory_space<vmem_shared>> -> memref<128x128xf32, #tpu.memory_space<vmem_shared>>
      tpu.wait_dma2 semaphore(%run_scoped3A : memref<!tpu.dma_semaphore, #tpu.memory_space<semaphore_mem>>) src(%dma_wait3A_70 : memref<128x128xf32, #tpu.memory_space<vmem_shared>>) dst(%arg11 : memref<128x128xf32, #tpu.memory_space<vmem>>)
      tpu.yield
    }) : () -> ()
    "tpu.region"() ({
      %run_scoped3A = tpu.sem_alloc : memref<!tpu.dma_semaphore, #tpu.memory_space<semaphore_mem>>
      %dma_start3A_64 = arith.constant 0 : i32
      %dma_start3A_65 = tpu.memref_slice %arg5[%arg0, %add3A_57, %dma_start3A_64] : memref<2x10240x128xf32, #tpu.memory_space<hbm>> -> memref<1x128x128xf32, #tpu.memory_space<hbm>>
      %dma_start3A_66 = tpu.memref_squeeze %dma_start3A_65 : memref<1x128x128xf32, #tpu.memory_space<hbm>> -> memref<128x128xf32, #tpu.memory_space<hbm>>
      %dma_start3A_67 = arith.constant 0 : i32
      %dma_start3A_68 = tpu.memref_slice %arg5[%arg0, %add3A_57, %dma_start3A_67] : memref<2x10240x128xf32, #tpu.memory_space<hbm>> -> memref<1x128x128xf32, #tpu.memory_space<hbm>>
      %dma_start3A_69 = tpu.memref_squeeze %dma_start3A_68 : memref<1x128x128xf32, #tpu.memory_space<hbm>> -> memref<128x128xf32, #tpu.memory_space<hbm>>
      tpu.enqueue_dma source(%arg11 : memref<128x128xf32, #tpu.memory_space<vmem>>) target(%dma_start3A_69 : memref<128x128xf32, #tpu.memory_space<hbm>>) target_semaphore(%run_scoped3A : memref<!tpu.dma_semaphore, #tpu.memory_space<semaphore_mem>>)
      %dma_wait3A = arith.constant 0 : i32
      %dma_wait3A_70 = tpu.memref_slice %arg5[%arg0, %add3A_57, %dma_wait3A] : memref<2x10240x128xf32, #tpu.memory_space<hbm>> -> memref<1x128x128xf32, #tpu.memory_space<hbm>>
      %dma_wait3A_71 = tpu.memref_squeeze %dma_wait3A_70 : memref<1x128x128xf32, #tpu.memory_space<hbm>> -> memref<128x128xf32, #tpu.memory_space<hbm>>
      %dma_wait3A_72 = arith.constant 0 : i32
      %dma_wait3A_73 = tpu.memref_slice %arg5[%arg0, %add3A_57, %dma_wait3A_72] : memref<2x10240x128xf32, #tpu.memory_space<hbm>> -> memref<1x128x128xf32, #tpu.memory_space<hbm>>
      %dma_wait3A_74 = tpu.memref_squeeze %dma_wait3A_73 : memref<1x128x128xf32, #tpu.memory_space<hbm>> -> memref<128x128xf32, #tpu.memory_space<hbm>>
      tpu.wait_dma2 semaphore(%run_scoped3A : memref<!tpu.dma_semaphore, #tpu.memory_space<semaphore_mem>>) src(%arg11 : memref<128x128xf32, #tpu.memory_space<vmem>>) dst(%dma_wait3A_74 : memref<128x128xf32, #tpu.memory_space<hbm>>)
      tpu.yield
    }) : () -> ()
    %add3A_58 = arith.constant 256 : i32
    %add3A_59 = arith.addi %mul3A_8, %add3A_58 : i32
    "tpu.region"() ({
      %run_scoped3A = tpu.sem_alloc : memref<!tpu.dma_semaphore, #tpu.memory_space<semaphore_mem>>
      %dma_start3A_64 = arith.constant 0 : i32
      %dma_start3A_65 = tpu.memref_slice %arg13[%add3A_59, %dma_start3A_64] : memref<10240x128xf32, #tpu.memory_space<vmem_shared>> -> memref<128x128xf32, #tpu.memory_space<vmem_shared>>
      %dma_start3A_66 = arith.constant 0 : i32
      %dma_start3A_67 = tpu.memref_slice %arg13[%add3A_59, %dma_start3A_66] : memref<10240x128xf32, #tpu.memory_space<vmem_shared>> -> memref<128x128xf32, #tpu.memory_space<vmem_shared>>
      tpu.enqueue_dma source(%dma_start3A_67 : memref<128x128xf32, #tpu.memory_space<vmem_shared>>) target(%arg11 : memref<128x128xf32, #tpu.memory_space<vmem>>) target_semaphore(%run_scoped3A : memref<!tpu.dma_semaphore, #tpu.memory_space<semaphore_mem>>)
      %dma_wait3A = arith.constant 0 : i32
      %dma_wait3A_68 = tpu.memref_slice %arg13[%add3A_59, %dma_wait3A] : memref<10240x128xf32, #tpu.memory_space<vmem_shared>> -> memref<128x128xf32, #tpu.memory_space<vmem_shared>>
      %dma_wait3A_69 = arith.constant 0 : i32
      %dma_wait3A_70 = tpu.memref_slice %arg13[%add3A_59, %dma_wait3A_69] : memref<10240x128xf32, #tpu.memory_space<vmem_shared>> -> memref<128x128xf32, #tpu.memory_space<vmem_shared>>
      tpu.wait_dma2 semaphore(%run_scoped3A : memref<!tpu.dma_semaphore, #tpu.memory_space<semaphore_mem>>) src(%dma_wait3A_70 : memref<128x128xf32, #tpu.memory_space<vmem_shared>>) dst(%arg11 : memref<128x128xf32, #tpu.memory_space<vmem>>)
      tpu.yield
    }) : () -> ()
    "tpu.region"() ({
      %run_scoped3A = tpu.sem_alloc : memref<!tpu.dma_semaphore, #tpu.memory_space<semaphore_mem>>
      %dma_start3A_64 = arith.constant 0 : i32
      %dma_start3A_65 = tpu.memref_slice %arg5[%arg0, %add3A_59, %dma_start3A_64] : memref<2x10240x128xf32, #tpu.memory_space<hbm>> -> memref<1x128x128xf32, #tpu.memory_space<hbm>>
      %dma_start3A_66 = tpu.memref_squeeze %dma_start3A_65 : memref<1x128x128xf32, #tpu.memory_space<hbm>> -> memref<128x128xf32, #tpu.memory_space<hbm>>
      %dma_start3A_67 = arith.constant 0 : i32
      %dma_start3A_68 = tpu.memref_slice %arg5[%arg0, %add3A_59, %dma_start3A_67] : memref<2x10240x128xf32, #tpu.memory_space<hbm>> -> memref<1x128x128xf32, #tpu.memory_space<hbm>>
      %dma_start3A_69 = tpu.memref_squeeze %dma_start3A_68 : memref<1x128x128xf32, #tpu.memory_space<hbm>> -> memref<128x128xf32, #tpu.memory_space<hbm>>
      tpu.enqueue_dma source(%arg11 : memref<128x128xf32, #tpu.memory_space<vmem>>) target(%dma_start3A_69 : memref<128x128xf32, #tpu.memory_space<hbm>>) target_semaphore(%run_scoped3A : memref<!tpu.dma_semaphore, #tpu.memory_space<semaphore_mem>>)
      %dma_wait3A = arith.constant 0 : i32
      %dma_wait3A_70 = tpu.memref_slice %arg5[%arg0, %add3A_59, %dma_wait3A] : memref<2x10240x128xf32, #tpu.memory_space<hbm>> -> memref<1x128x128xf32, #tpu.memory_space<hbm>>
      %dma_wait3A_71 = tpu.memref_squeeze %dma_wait3A_70 : memref<1x128x128xf32, #tpu.memory_space<hbm>> -> memref<128x128xf32, #tpu.memory_space<hbm>>
      %dma_wait3A_72 = arith.constant 0 : i32
      %dma_wait3A_73 = tpu.memref_slice %arg5[%arg0, %add3A_59, %dma_wait3A_72] : memref<2x10240x128xf32, #tpu.memory_space<hbm>> -> memref<1x128x128xf32, #tpu.memory_space<hbm>>
      %dma_wait3A_74 = tpu.memref_squeeze %dma_wait3A_73 : memref<1x128x128xf32, #tpu.memory_space<hbm>> -> memref<128x128xf32, #tpu.memory_space<hbm>>
      tpu.wait_dma2 semaphore(%run_scoped3A : memref<!tpu.dma_semaphore, #tpu.memory_space<semaphore_mem>>) src(%arg11 : memref<128x128xf32, #tpu.memory_space<vmem>>) dst(%dma_wait3A_74 : memref<128x128xf32, #tpu.memory_space<hbm>>)
      tpu.yield
    }) : () -> ()
    %add3A_60 = arith.constant 384 : i32
    %add3A_61 = arith.addi %mul3A_8, %add3A_60 : i32
    "tpu.region"() ({
      %run_scoped3A = tpu.sem_alloc : memref<!tpu.dma_semaphore, #tpu.memory_space<semaphore_mem>>
      %dma_start3A_64 = arith.constant 0 : i32
      %dma_start3A_65 = tpu.memref_slice %arg13[%add3A_61, %dma_start3A_64] : memref<10240x128xf32, #tpu.memory_space<vmem_shared>> -> memref<128x128xf32, #tpu.memory_space<vmem_shared>>
      %dma_start3A_66 = arith.constant 0 : i32
      %dma_start3A_67 = tpu.memref_slice %arg13[%add3A_61, %dma_start3A_66] : memref<10240x128xf32, #tpu.memory_space<vmem_shared>> -> memref<128x128xf32, #tpu.memory_space<vmem_shared>>
      tpu.enqueue_dma source(%dma_start3A_67 : memref<128x128xf32, #tpu.memory_space<vmem_shared>>) target(%arg11 : memref<128x128xf32, #tpu.memory_space<vmem>>) target_semaphore(%run_scoped3A : memref<!tpu.dma_semaphore, #tpu.memory_space<semaphore_mem>>)
      %dma_wait3A = arith.constant 0 : i32
      %dma_wait3A_68 = tpu.memref_slice %arg13[%add3A_61, %dma_wait3A] : memref<10240x128xf32, #tpu.memory_space<vmem_shared>> -> memref<128x128xf32, #tpu.memory_space<vmem_shared>>
      %dma_wait3A_69 = arith.constant 0 : i32
      %dma_wait3A_70 = tpu.memref_slice %arg13[%add3A_61, %dma_wait3A_69] : memref<10240x128xf32, #tpu.memory_space<vmem_shared>> -> memref<128x128xf32, #tpu.memory_space<vmem_shared>>
      tpu.wait_dma2 semaphore(%run_scoped3A : memref<!tpu.dma_semaphore, #tpu.memory_space<semaphore_mem>>) src(%dma_wait3A_70 : memref<128x128xf32, #tpu.memory_space<vmem_shared>>) dst(%arg11 : memref<128x128xf32, #tpu.memory_space<vmem>>)
      tpu.yield
    }) : () -> ()
    "tpu.region"() ({
      %run_scoped3A = tpu.sem_alloc : memref<!tpu.dma_semaphore, #tpu.memory_space<semaphore_mem>>
      %dma_start3A_64 = arith.constant 0 : i32
      %dma_start3A_65 = tpu.memref_slice %arg5[%arg0, %add3A_61, %dma_start3A_64] : memref<2x10240x128xf32, #tpu.memory_space<hbm>> -> memref<1x128x128xf32, #tpu.memory_space<hbm>>
      %dma_start3A_66 = tpu.memref_squeeze %dma_start3A_65 : memref<1x128x128xf32, #tpu.memory_space<hbm>> -> memref<128x128xf32, #tpu.memory_space<hbm>>
      %dma_start3A_67 = arith.constant 0 : i32
      %dma_start3A_68 = tpu.memref_slice %arg5[%arg0, %add3A_61, %dma_start3A_67] : memref<2x10240x128xf32, #tpu.memory_space<hbm>> -> memref<1x128x128xf32, #tpu.memory_space<hbm>>
      %dma_start3A_69 = tpu.memref_squeeze %dma_start3A_68 : memref<1x128x128xf32, #tpu.memory_space<hbm>> -> memref<128x128xf32, #tpu.memory_space<hbm>>
      tpu.enqueue_dma source(%arg11 : memref<128x128xf32, #tpu.memory_space<vmem>>) target(%dma_start3A_69 : memref<128x128xf32, #tpu.memory_space<hbm>>) target_semaphore(%run_scoped3A : memref<!tpu.dma_semaphore, #tpu.memory_space<semaphore_mem>>)
      %dma_wait3A = arith.constant 0 : i32
      %dma_wait3A_70 = tpu.memref_slice %arg5[%arg0, %add3A_61, %dma_wait3A] : memref<2x10240x128xf32, #tpu.memory_space<hbm>> -> memref<1x128x128xf32, #tpu.memory_space<hbm>>
      %dma_wait3A_71 = tpu.memref_squeeze %dma_wait3A_70 : memref<1x128x128xf32, #tpu.memory_space<hbm>> -> memref<128x128xf32, #tpu.memory_space<hbm>>
      %dma_wait3A_72 = arith.constant 0 : i32
      %dma_wait3A_73 = tpu.memref_slice %arg5[%arg0, %add3A_61, %dma_wait3A_72] : memref<2x10240x128xf32, #tpu.memory_space<hbm>> -> memref<1x128x128xf32, #tpu.memory_space<hbm>>
      %dma_wait3A_74 = tpu.memref_squeeze %dma_wait3A_73 : memref<1x128x128xf32, #tpu.memory_space<hbm>> -> memref<128x128xf32, #tpu.memory_space<hbm>>
      tpu.wait_dma2 semaphore(%run_scoped3A : memref<!tpu.dma_semaphore, #tpu.memory_space<semaphore_mem>>) src(%arg11 : memref<128x128xf32, #tpu.memory_space<vmem>>) dst(%dma_wait3A_74 : memref<128x128xf32, #tpu.memory_space<hbm>>)
      tpu.yield
    }) : () -> ()
    %add3A_62 = arith.constant 512 : i32
    %add3A_63 = arith.addi %mul3A_8, %add3A_62 : i32
    "tpu.region"() ({
      %run_scoped3A = tpu.sem_alloc : memref<!tpu.dma_semaphore, #tpu.memory_space<semaphore_mem>>
      %dma_start3A_64 = arith.constant 0 : i32
      %dma_start3A_65 = tpu.memref_slice %arg13[%add3A_63, %dma_start3A_64] : memref<10240x128xf32, #tpu.memory_space<vmem_shared>> -> memref<128x128xf32, #tpu.memory_space<vmem_shared>>
      %dma_start3A_66 = arith.constant 0 : i32
      %dma_start3A_67 = tpu.memref_slice %arg13[%add3A_63, %dma_start3A_66] : memref<10240x128xf32, #tpu.memory_space<vmem_shared>> -> memref<128x128xf32, #tpu.memory_space<vmem_shared>>
      tpu.enqueue_dma source(%dma_start3A_67 : memref<128x128xf32, #tpu.memory_space<vmem_shared>>) target(%arg11 : memref<128x128xf32, #tpu.memory_space<vmem>>) target_semaphore(%run_scoped3A : memref<!tpu.dma_semaphore, #tpu.memory_space<semaphore_mem>>)
      %dma_wait3A = arith.constant 0 : i32
      %dma_wait3A_68 = tpu.memref_slice %arg13[%add3A_63, %dma_wait3A] : memref<10240x128xf32, #tpu.memory_space<vmem_shared>> -> memref<128x128xf32, #tpu.memory_space<vmem_shared>>
      %dma_wait3A_69 = arith.constant 0 : i32
      %dma_wait3A_70 = tpu.memref_slice %arg13[%add3A_63, %dma_wait3A_69] : memref<10240x128xf32, #tpu.memory_space<vmem_shared>> -> memref<128x128xf32, #tpu.memory_space<vmem_shared>>
      tpu.wait_dma2 semaphore(%run_scoped3A : memref<!tpu.dma_semaphore, #tpu.memory_space<semaphore_mem>>) src(%dma_wait3A_70 : memref<128x128xf32, #tpu.memory_space<vmem_shared>>) dst(%arg11 : memref<128x128xf32, #tpu.memory_space<vmem>>)
      tpu.yield
    }) : () -> ()
    "tpu.region"() ({
      %run_scoped3A = tpu.sem_alloc : memref<!tpu.dma_semaphore, #tpu.memory_space<semaphore_mem>>
      %dma_start3A_64 = arith.constant 0 : i32
      %dma_start3A_65 = tpu.memref_slice %arg5[%arg0, %add3A_63, %dma_start3A_64] : memref<2x10240x128xf32, #tpu.memory_space<hbm>> -> memref<1x128x128xf32, #tpu.memory_space<hbm>>
      %dma_start3A_66 = tpu.memref_squeeze %dma_start3A_65 : memref<1x128x128xf32, #tpu.memory_space<hbm>> -> memref<128x128xf32, #tpu.memory_space<hbm>>
      %dma_start3A_67 = arith.constant 0 : i32
      %dma_start3A_68 = tpu.memref_slice %arg5[%arg0, %add3A_63, %dma_start3A_67] : memref<2x10240x128xf32, #tpu.memory_space<hbm>> -> memref<1x128x128xf32, #tpu.memory_space<hbm>>
      %dma_start3A_69 = tpu.memref_squeeze %dma_start3A_68 : memref<1x128x128xf32, #tpu.memory_space<hbm>> -> memref<128x128xf32, #tpu.memory_space<hbm>>
      tpu.enqueue_dma source(%arg11 : memref<128x128xf32, #tpu.memory_space<vmem>>) target(%dma_start3A_69 : memref<128x128xf32, #tpu.memory_space<hbm>>) target_semaphore(%run_scoped3A : memref<!tpu.dma_semaphore, #tpu.memory_space<semaphore_mem>>)
      %dma_wait3A = arith.constant 0 : i32
      %dma_wait3A_70 = tpu.memref_slice %arg5[%arg0, %add3A_63, %dma_wait3A] : memref<2x10240x128xf32, #tpu.memory_space<hbm>> -> memref<1x128x128xf32, #tpu.memory_space<hbm>>
      %dma_wait3A_71 = tpu.memref_squeeze %dma_wait3A_70 : memref<1x128x128xf32, #tpu.memory_space<hbm>> -> memref<128x128xf32, #tpu.memory_space<hbm>>
      %dma_wait3A_72 = arith.constant 0 : i32
      %dma_wait3A_73 = tpu.memref_slice %arg5[%arg0, %add3A_63, %dma_wait3A_72] : memref<2x10240x128xf32, #tpu.memory_space<hbm>> -> memref<1x128x128xf32, #tpu.memory_space<hbm>>
      %dma_wait3A_74 = tpu.memref_squeeze %dma_wait3A_73 : memref<1x128x128xf32, #tpu.memory_space<hbm>> -> memref<128x128xf32, #tpu.memory_space<hbm>>
      tpu.wait_dma2 semaphore(%run_scoped3A : memref<!tpu.dma_semaphore, #tpu.memory_space<semaphore_mem>>) src(%arg11 : memref<128x128xf32, #tpu.memory_space<vmem>>) dst(%dma_wait3A_74 : memref<128x128xf32, #tpu.memory_space<hbm>>)
      tpu.yield
    }) : () -> ()
    return
  }
}

module attributes {stable_mosaic.version = 14 : i64} {
  func.func @_tc_layer1_body(%arg0: i32, %arg1: memref<2x256x128xf32, #tpu.memory_space<vmem>>, %arg2: memref<256x128xf32, #tpu.memory_space<vmem>>, %arg3: memref<256x128xf32, #tpu.memory_space<vmem>>, %arg4: memref<128x128xf32, #tpu.memory_space<vmem>>, %arg5: memref<1x128xf32, #tpu.memory_space<vmem>>, %arg6: memref<256x128xf32, #tpu.memory_space<vmem>>) attributes {dimension_semantics = [#tpu.dimension_semantics<arbitrary>], iteration_bounds = array<i64: 40>, scalar_prefetch = 0 : i64, scratch_operands = 0 : i64, tpu.core_type = #tpu.core_type<tc>, window_params = [{transform_indices = @transform_0, window_bounds = array<i64: 2, 256, 128>}, {transform_indices = @transform_1, window_bounds = array<i64: 256, 128>}, {transform_indices = @transform_2, window_bounds = array<i64: 256, 128>}, {pipeline_mode = #tpu.pipeline_mode<synchronous>, transform_indices = @transform_3, window_bounds = array<i64: 128, 128>}, {pipeline_mode = #tpu.pipeline_mode<synchronous>, transform_indices = @transform_4, window_bounds = array<i64: 1, 128>}, {transform_indices = @transform_5, window_bounds = array<i64: 256, 128>}]} {
    %get3A = arith.constant 0 : index
    %get3A_0 = arith.constant 0 : index
    %get3A_1 = arith.constant 0 : index
    %get3A_2 = vector.load %arg1[%get3A, %get3A_0, %get3A_1] : memref<2x256x128xf32, #tpu.memory_space<vmem>>, vector<1x256x128xf32>
    %get3A_3 = vector.shape_cast %get3A_2 : vector<1x256x128xf32> to vector<256x128xf32>
    %get3A_4 = arith.constant 1 : index
    %get3A_5 = arith.constant 0 : index
    %get3A_6 = arith.constant 0 : index
    %get3A_7 = vector.load %arg1[%get3A_4, %get3A_5, %get3A_6] : memref<2x256x128xf32, #tpu.memory_space<vmem>>, vector<1x256x128xf32>
    %get3A_8 = vector.shape_cast %get3A_7 : vector<1x256x128xf32> to vector<256x128xf32>
    %add3A = arith.addf %get3A_3, %get3A_8 : vector<256x128xf32>
    %get3A_9 = arith.constant 0 : index
    %get3A_10 = arith.constant 0 : index
    %get3A_11 = vector.load %arg2[%get3A_9, %get3A_10] : memref<256x128xf32, #tpu.memory_space<vmem>>, vector<256x128xf32>
    %mul3A = arith.mulf %add3A, %get3A_11 : vector<256x128xf32>
    %get3A_12 = arith.constant 0 : index
    %get3A_13 = arith.constant 0 : index
    %get3A_14 = vector.load %arg4[%get3A_12, %get3A_13] : memref<128x128xf32, #tpu.memory_space<vmem>>, vector<128x128xf32>
    %dot_general3A = arith.constant dense<0.000000e+00> : vector<256x128xf32>
    %dot_general3A_15 = tpu.matmul %mul3A, %get3A_14, %dot_general3A {dimension_numbers = #tpu.dot_dimension_numbers<[1], [0], [0], [1], [0, 0, 1, 1], [], []>, transpose_lhs_hint = false} : vector<256x128xf32>, vector<128x128xf32>, vector<256x128xf32> -> vector<256x128xf32>
    %get3A_16 = arith.constant 0 : index
    %get3A_17 = arith.constant 0 : index
    %get3A_18 = vector.load %arg5[%get3A_16, %get3A_17] : memref<1x128xf32, #tpu.memory_space<vmem>>, vector<1x128xf32>
    %add3A_19 = vector.broadcast %get3A_18 : vector<1x128xf32> to vector<256x128xf32>
    %add3A_20 = arith.addf %dot_general3A_15, %add3A_19 : vector<256x128xf32>
    %max3A = arith.constant 0.000000e+00 : f32
    %max3A_21 = vector.broadcast %max3A : f32 to vector<256x128xf32>
    %max3A_22 = arith.maximumf %add3A_20, %max3A_21 : vector<256x128xf32>
    %get3A_23 = arith.constant 0 : index
    %get3A_24 = arith.constant 0 : index
    %get3A_25 = vector.load %arg3[%get3A_23, %get3A_24] : memref<256x128xf32, #tpu.memory_space<vmem>>, vector<256x128xf32>
    %mul3A_26 = arith.mulf %max3A_22, %get3A_25 : vector<256x128xf32>
    %swap3A = arith.constant 0 : index
    %swap3A_27 = arith.constant 0 : index
    %swap3A_28 = vector.load %arg6[%swap3A, %swap3A_27] : memref<256x128xf32, #tpu.memory_space<vmem>>, vector<256x128xf32>
    tpu.vector_store %arg6[%swap3A, %swap3A_27], %mul3A_26 {strides = array<i32>} : memref<256x128xf32, #tpu.memory_space<vmem>>, vector<256x128xf32>,
    return
  }
  func.func @transform_0(%arg0: i32) -> (i32, i32, i32) {
    %c0_i32 = arith.constant 0 : i32
    %c0_i32_0 = arith.constant 0 : i32
    %c0_i32_1 = arith.constant 0 : i32
    return %c0_i32, %arg0, %c0_i32_0 : i32, i32, i32
  }
  func.func @transform_1(%arg0: i32) -> (i32, i32) {
    %c0_i32 = arith.constant 0 : i32
    %c0_i32_0 = arith.constant 0 : i32
    return %arg0, %c0_i32 : i32, i32
  }
  func.func @transform_2(%arg0: i32) -> (i32, i32) {
    %c0_i32 = arith.constant 0 : i32
    %c0_i32_0 = arith.constant 0 : i32
    return %arg0, %c0_i32 : i32, i32
  }
  func.func @transform_3(%arg0: i32) -> (i32, i32) {
    %c0_i32 = arith.constant 0 : i32
    %c0_i32_0 = arith.constant 0 : i32
    %c0_i32_1 = arith.constant 0 : i32
    return %c0_i32, %c0_i32_0 : i32, i32
  }
  func.func @transform_4(%arg0: i32) -> (i32, i32) {
    %c0_i32 = arith.constant 0 : i32
    %c0_i32_0 = arith.constant 0 : i32
    %c0_i32_1 = arith.constant 0 : i32
    return %c0_i32, %c0_i32_0 : i32, i32
  }
  func.func @transform_5(%arg0: i32) -> (i32, i32) {
    %c0_i32 = arith.constant 0 : i32
    %c0_i32_0 = arith.constant 0 : i32
    return %arg0, %c0_i32 : i32, i32
  }
}

module attributes {stable_mosaic.version = 14 : i64} {
  func.func @_tc_norms_body(%arg0: i32, %arg1: memref<32x256xf32, #tpu.memory_space<vmem>>, %arg2: memref<32x256xf32, #tpu.memory_space<vmem>>, %arg3: memref<256x128xf32, #tpu.memory_space<vmem>>, %arg4: memref<256x128xf32, #tpu.memory_space<vmem>>, %arg5: memref<256x128xf32, #tpu.memory_space<vmem>>, %arg6: memref<256x128xf32, #tpu.memory_space<vmem>>) attributes {dimension_semantics = [#tpu.dimension_semantics<arbitrary>], iteration_bounds = array<i64: 40>, scalar_prefetch = 0 : i64, scratch_operands = 0 : i64, tpu.core_type = #tpu.core_type<tc>, window_params = [{transform_indices = @transform_0, window_bounds = array<i64: 32, 256>}, {transform_indices = @transform_1, window_bounds = array<i64: 32, 256>}, {transform_indices = @transform_2, window_bounds = array<i64: 256, 128>}, {transform_indices = @transform_3, window_bounds = array<i64: 256, 128>}, {transform_indices = @transform_4, window_bounds = array<i64: 256, 128>}, {transform_indices = @transform_5, window_bounds = array<i64: 256, 128>}]} {
    %broadcast_in_dim3A = arith.constant 1.000000e+00 : f32
    %broadcast_in_dim3A_0 = vector.broadcast %broadcast_in_dim3A : f32 to vector<32x1xf32>
    %get3A = arith.constant 0 : index
    %get3A_1 = arith.constant 0 : index
    %get3A_2 = vector.load %arg1[%get3A, %get3A_1] : memref<32x256xf32, #tpu.memory_space<vmem>>, vector<32x256xf32>
    %dot_general3A = arith.constant dense<0.000000e+00> : vector<256x1xf32>
    %dot_general3A_3 = tpu.matmul %get3A_2, %broadcast_in_dim3A_0, %dot_general3A {dimension_numbers = #tpu.dot_dimension_numbers<[0], [0], [1], [1], [0, 1, 1, 1], [], []>, transpose_lhs_hint = false} : vector<32x256xf32>, vector<32x1xf32>, vector<256x1xf32> -> vector<256x1xf32>
    %get3A_4 = arith.constant 0 : index
    %get3A_5 = arith.constant 0 : index
    %get3A_6 = vector.load %arg2[%get3A_4, %get3A_5] : memref<32x256xf32, #tpu.memory_space<vmem>>, vector<32x256xf32>
    %dot_general3A_7 = arith.constant dense<0.000000e+00> : vector<256x1xf32>
    %dot_general3A_8 = tpu.matmul %get3A_6, %broadcast_in_dim3A_0, %dot_general3A_7 {dimension_numbers = #tpu.dot_dimension_numbers<[0], [0], [1], [1], [0, 1, 1, 1], [], []>, transpose_lhs_hint = false} : vector<32x256xf32>, vector<32x1xf32>, vector<256x1xf32> -> vector<256x1xf32>
    %max3A = arith.constant 1.000000e+00 : f32
    %max3A_9 = vector.broadcast %max3A : f32 to vector<256x1xf32>
    %max3A_10 = arith.maximumf %dot_general3A_3, %max3A_9 : vector<256x1xf32>
    %rsqrt3A = math.rsqrt %max3A_10 : vector<256x1xf32>
    %max3A_11 = arith.constant 1.000000e+00 : f32
    %max3A_12 = vector.broadcast %max3A_11 : f32 to vector<256x1xf32>
    %max3A_13 = arith.maximumf %dot_general3A_8, %max3A_12 : vector<256x1xf32>
    %rsqrt3A_14 = math.rsqrt %max3A_13 : vector<256x1xf32>
    %mul3A = arith.constant 256 : i32
    %mul3A_15 = arith.muli %arg0, %mul3A : i32
    %iota3A = tpu.iota {dimensions = array<i32: 0>} : vector<256x1xi32>
    %add3A = vector.broadcast %mul3A_15 : i32 to vector<256x1xi32>
    %add3A_16 = arith.addi %add3A, %iota3A : vector<256x1xi32>
    %lt3A = arith.constant 10000 : i32
    %lt3A_17 = vector.broadcast %lt3A : i32 to vector<256x1xi32>
    %lt3A_18 = arith.cmpi slt, %add3A_16, %lt3A_17 : vector<256x1xi32>
    %jit3A = arith.constant 0.000000e+00 : f32
    %broadcast_in_dim3A_19 = vector.broadcast %jit3A : f32 to vector<256x1xf32>
    %select_n3A = arith.select %lt3A_18, %rsqrt3A, %broadcast_in_dim3A_19 : vector<256x1xi1>, vector<256x1xf32>
    %jit3A_20 = arith.constant 0.000000e+00 : f32
    %broadcast_in_dim3A_21 = vector.broadcast %jit3A_20 : f32 to vector<256x1xf32>
    %select_n3A_22 = arith.select %lt3A_18, %rsqrt3A_14, %broadcast_in_dim3A_21 : vector<256x1xi1>, vector<256x1xf32>
    %broadcast_in_dim3A_23 = vector.shape_cast %select_n3A : vector<256x1xf32> to vector<256x1xf32>
    %broadcast_in_dim3A_24 = vector.broadcast %broadcast_in_dim3A_23 : vector<256x1xf32> to vector<256x128xf32>
    %swap3A = arith.constant 0 : index
    %swap3A_25 = arith.constant 0 : index
    %swap3A_26 = vector.load %arg6[%swap3A, %swap3A_25] : memref<256x128xf32, #tpu.memory_space<vmem>>, vector<256x128xf32>
    tpu.vector_store %arg6[%swap3A, %swap3A_25], %broadcast_in_dim3A_24 {strides = array<i32>} : memref<256x128xf32, #tpu.memory_space<vmem>>, vector<256x128xf32>,
    %broadcast_in_dim3A_27 = vector.shape_cast %select_n3A_22 : vector<256x1xf32> to vector<256x1xf32>
    %broadcast_in_dim3A_28 = vector.broadcast %broadcast_in_dim3A_27 : vector<256x1xf32> to vector<256x128xf32>
    %swap3A_29 = arith.constant 0 : index
    %swap3A_30 = arith.constant 0 : index
    %swap3A_31 = vector.load %arg5[%swap3A_29, %swap3A_30] : memref<256x128xf32, #tpu.memory_space<vmem>>, vector<256x128xf32>
    tpu.vector_store %arg5[%swap3A_29, %swap3A_30], %broadcast_in_dim3A_28 {strides = array<i32>} : memref<256x128xf32, #tpu.memory_space<vmem>>, vector<256x128xf32>,
    %get3A_32 = arith.constant 0 : index
    %get3A_33 = arith.constant 0 : index
    %get3A_34 = vector.load %arg3[%get3A_32, %get3A_33] : memref<256x128xf32, #tpu.memory_space<vmem>>, vector<256x128xf32>
    %mul3A_35 = vector.broadcast %select_n3A : vector<256x1xf32> to vector<256x128xf32>
    %mul3A_36 = arith.mulf %get3A_34, %mul3A_35 : vector<256x128xf32>
    %swap3A_37 = arith.constant 0 : index
    %swap3A_38 = arith.constant 0 : index
    %swap3A_39 = vector.load %arg4[%swap3A_37, %swap3A_38] : memref<256x128xf32, #tpu.memory_space<vmem>>, vector<256x128xf32>
    tpu.vector_store %arg4[%swap3A_37, %swap3A_38], %mul3A_36 {strides = array<i32>} : memref<256x128xf32, #tpu.memory_space<vmem>>, vector<256x128xf32>,
    return
  }
  func.func @transform_0(%arg0: i32) -> (i32, i32) {
    %c0_i32 = arith.constant 0 : i32
    %c0_i32_0 = arith.constant 0 : i32
    return %c0_i32, %arg0 : i32, i32
  }
  func.func @transform_1(%arg0: i32) -> (i32, i32) {
    %c0_i32 = arith.constant 0 : i32
    %c0_i32_0 = arith.constant 0 : i32
    return %c0_i32, %arg0 : i32, i32
  }
  func.func @transform_2(%arg0: i32) -> (i32, i32) {
    %c0_i32 = arith.constant 0 : i32
    %c0_i32_0 = arith.constant 0 : i32
    return %arg0, %c0_i32 : i32, i32
  }
  func.func @transform_3(%arg0: i32) -> (i32, i32) {
    %c0_i32 = arith.constant 0 : i32
    %c0_i32_0 = arith.constant 0 : i32
    return %arg0, %c0_i32 : i32, i32
  }
  func.func @transform_4(%arg0: i32) -> (i32, i32) {
    %c0_i32 = arith.constant 0 : i32
    %c0_i32_0 = arith.constant 0 : i32
    return %arg0, %c0_i32 : i32, i32
  }
  func.func @transform_5(%arg0: i32) -> (i32, i32) {
    %c0_i32 = arith.constant 0 : i32
    %c0_i32_0 = arith.constant 0 : i32
    return %arg0, %c0_i32 : i32, i32
  }
}

module attributes {stable_mosaic.version = 14 : i64} {
  func.func @_tc_layer2_body(%arg0: i32, %arg1: memref<2x256x128xf32, #tpu.memory_space<vmem>>, %arg2: memref<256x128xf32, #tpu.memory_space<vmem>>, %arg3: memref<128x128xf32, #tpu.memory_space<vmem>>, %arg4: memref<1x128xf32, #tpu.memory_space<vmem>>, %arg5: memref<1x128xf32, #tpu.memory_space<vmem>>) attributes {dimension_semantics = [#tpu.dimension_semantics<arbitrary>], iteration_bounds = array<i64: 40>, scalar_prefetch = 0 : i64, scratch_operands = 0 : i64, tpu.core_type = #tpu.core_type<tc>, window_params = [{transform_indices = @transform_0, window_bounds = array<i64: 2, 256, 128>}, {transform_indices = @transform_1, window_bounds = array<i64: 256, 128>}, {pipeline_mode = #tpu.pipeline_mode<synchronous>, transform_indices = @transform_2, window_bounds = array<i64: 128, 128>}, {pipeline_mode = #tpu.pipeline_mode<synchronous>, transform_indices = @transform_3, window_bounds = array<i64: 1, 128>}, {pipeline_mode = #tpu.pipeline_mode<synchronous>, transform_indices = @transform_4, window_bounds = array<i64: 1, 128>}]} {
    %get3A = arith.constant 0 : index
    %get3A_0 = arith.constant 0 : index
    %get3A_1 = arith.constant 0 : index
    %get3A_2 = vector.load %arg1[%get3A, %get3A_0, %get3A_1] : memref<2x256x128xf32, #tpu.memory_space<vmem>>, vector<1x256x128xf32>
    %get3A_3 = vector.shape_cast %get3A_2 : vector<1x256x128xf32> to vector<256x128xf32>
    %get3A_4 = arith.constant 1 : index
    %get3A_5 = arith.constant 0 : index
    %get3A_6 = arith.constant 0 : index
    %get3A_7 = vector.load %arg1[%get3A_4, %get3A_5, %get3A_6] : memref<2x256x128xf32, #tpu.memory_space<vmem>>, vector<1x256x128xf32>
    %get3A_8 = vector.shape_cast %get3A_7 : vector<1x256x128xf32> to vector<256x128xf32>
    %add3A = arith.addf %get3A_3, %get3A_8 : vector<256x128xf32>
    %get3A_9 = arith.constant 0 : index
    %get3A_10 = arith.constant 0 : index
    %get3A_11 = vector.load %arg2[%get3A_9, %get3A_10] : memref<256x128xf32, #tpu.memory_space<vmem>>, vector<256x128xf32>
    %mul3A = arith.mulf %add3A, %get3A_11 : vector<256x128xf32>
    %get3A_12 = arith.constant 0 : index
    %get3A_13 = arith.constant 0 : index
    %get3A_14 = vector.load %arg3[%get3A_12, %get3A_13] : memref<128x128xf32, #tpu.memory_space<vmem>>, vector<128x128xf32>
    %dot_general3A = arith.constant dense<0.000000e+00> : vector<256x128xf32>
    %dot_general3A_15 = tpu.matmul %mul3A, %get3A_14, %dot_general3A {dimension_numbers = #tpu.dot_dimension_numbers<[1], [0], [0], [1], [0, 0, 1, 1], [], []>, transpose_lhs_hint = false} : vector<256x128xf32>, vector<128x128xf32>, vector<256x128xf32> -> vector<256x128xf32>
    %get3A_16 = arith.constant 0 : index
    %get3A_17 = arith.constant 0 : index
    %get3A_18 = vector.load %arg4[%get3A_16, %get3A_17] : memref<1x128xf32, #tpu.memory_space<vmem>>, vector<1x128xf32>
    %add3A_19 = vector.broadcast %get3A_18 : vector<1x128xf32> to vector<256x128xf32>
    %add3A_20 = arith.addf %dot_general3A_15, %add3A_19 : vector<256x128xf32>
    %max3A = arith.constant 0.000000e+00 : f32
    %max3A_21 = vector.broadcast %max3A : f32 to vector<256x128xf32>
    %max3A_22 = arith.maximumf %add3A_20, %max3A_21 : vector<256x128xf32>
    %mul3A_23 = arith.constant 256 : i32
    %mul3A_24 = arith.muli %arg0, %mul3A_23 : i32
    %iota3A = tpu.iota {dimensions = array<i32: 0>} : vector<256x1xi32>
    %add3A_25 = vector.broadcast %mul3A_24 : i32 to vector<256x1xi32>
    %add3A_26 = arith.addi %add3A_25, %iota3A : vector<256x1xi32>
    %lt3A = arith.constant 10000 : i32
    %lt3A_27 = vector.broadcast %lt3A : i32 to vector<256x1xi32>
    %lt3A_28 = arith.cmpi slt, %add3A_26, %lt3A_27 : vector<256x1xi32>
    %jit3A = arith.constant 0.000000e+00 : f32
    %broadcast_in_dim3A = vector.shape_cast %lt3A_28 : vector<256x1xi1> to vector<256x1xi1>
    %broadcast_in_dim3A_29 = vector.broadcast %broadcast_in_dim3A : vector<256x1xi1> to vector<256x128xi1>
    %broadcast_in_dim3A_30 = vector.broadcast %jit3A : f32 to vector<256x128xf32>
    %select_n3A = arith.select %broadcast_in_dim3A_29, %max3A_22, %broadcast_in_dim3A_30 : vector<256x128xi1>, vector<256x128xf32>
    %eq3A = arith.constant 0 : i32
    %eq3A_31 = arith.cmpi eq, %arg0, %eq3A : i32
    %convert_element_type3A = arith.extui %eq3A_31 : i1 to i32
    %cond3A = arith.constant 0 : i32
    %cond3A_32 = arith.cmpi ne, %convert_element_type3A, %cond3A : i32
    scf.if %cond3A_32 {
      %broadcast_in_dim3A_41 = arith.constant 0.000000e+00 : f32
      %broadcast_in_dim3A_42 = vector.broadcast %broadcast_in_dim3A_41 : f32 to vector<1x128xf32>
      %swap3A_43 = arith.constant 0 : index
      %swap3A_44 = arith.constant 0 : index
      %swap3A_45 = vector.load %arg5[%swap3A_43, %swap3A_44] : memref<1x128xf32, #tpu.memory_space<vmem>>, vector<1x128xf32>
      tpu.vector_store %arg5[%swap3A_43, %swap3A_44], %broadcast_in_dim3A_42 {strides = array<i32>} : memref<1x128xf32, #tpu.memory_space<vmem>>, vector<1x128xf32>,
    } else {
    }
    %get3A_33 = arith.constant 0 : index
    %get3A_34 = arith.constant 0 : index
    %get3A_35 = vector.load %arg5[%get3A_33, %get3A_34] : memref<1x128xf32, #tpu.memory_space<vmem>>, vector<1x128xf32>
    %reduce_sum3A = arith.constant dense<0.000000e+00> : vector<128xf32>
    %reduce_sum3A_36 = vector.multi_reduction <add>, %select_n3A, %reduce_sum3A [0] : vector<256x128xf32> to vector<128xf32>
    %broadcast_in_dim3A_37 = vector.shape_cast %reduce_sum3A_36 : vector<128xf32> to vector<1x128xf32>
    %add3A_38 = arith.addf %get3A_35, %broadcast_in_dim3A_37 : vector<1x128xf32>
    %swap3A = arith.constant 0 : index
    %swap3A_39 = arith.constant 0 : index
    %swap3A_40 = vector.load %arg5[%swap3A, %swap3A_39] : memref<1x128xf32, #tpu.memory_space<vmem>>, vector<1x128xf32>
    tpu.vector_store %arg5[%swap3A, %swap3A_39], %add3A_38 {strides = array<i32>} : memref<1x128xf32, #tpu.memory_space<vmem>>, vector<1x128xf32>,
    return
  }
  func.func @transform_0(%arg0: i32) -> (i32, i32, i32) {
    %c0_i32 = arith.constant 0 : i32
    %c0_i32_0 = arith.constant 0 : i32
    %c0_i32_1 = arith.constant 0 : i32
    return %c0_i32, %arg0, %c0_i32_0 : i32, i32, i32
  }
  func.func @transform_1(%arg0: i32) -> (i32, i32) {
    %c0_i32 = arith.constant 0 : i32
    %c0_i32_0 = arith.constant 0 : i32
    return %arg0, %c0_i32 : i32, i32
  }
  func.func @transform_2(%arg0: i32) -> (i32, i32) {
    %c0_i32 = arith.constant 0 : i32
    %c0_i32_0 = arith.constant 0 : i32
    %c0_i32_1 = arith.constant 0 : i32
    return %c0_i32, %c0_i32_0 : i32, i32
  }
  func.func @transform_3(%arg0: i32) -> (i32, i32) {
    %c0_i32 = arith.constant 0 : i32
    %c0_i32_0 = arith.constant 0 : i32
    %c0_i32_1 = arith.constant 0 : i32
    return %c0_i32, %c0_i32_0 : i32, i32
  }
  func.func @transform_4(%arg0: i32) -> (i32, i32) {
    %c0_i32 = arith.constant 0 : i32
    %c0_i32_0 = arith.constant 0 : i32
    %c0_i32_1 = arith.constant 0 : i32
    return %c0_i32, %c0_i32_0 : i32, i32
  }
}

module attributes {stable_mosaic.version = 14 : i64} {
  func.func @_tc_head_body(%arg0: memref<1x128xf32, #tpu.memory_space<vmem>>, %arg1: memref<128x40xf32, #tpu.memory_space<vmem>>, %arg2: memref<1x40xf32, #tpu.memory_space<vmem>>, %arg3: memref<1x40xf32, #tpu.memory_space<vmem>>) attributes {dimension_semantics = [], scalar_prefetch = 0 : i64, scratch_operands = 0 : i64, tpu.core_type = #tpu.core_type<tc>} {
    %get3A = arith.constant 0 : index
    %get3A_0 = arith.constant 0 : index
    %get3A_1 = vector.load %arg0[%get3A, %get3A_0] : memref<1x128xf32, #tpu.memory_space<vmem>>, vector<1x128xf32>
    %mul3A = arith.constant 9.99999974E-5 : f32
    %mul3A_2 = vector.broadcast %mul3A : f32 to vector<1x128xf32>
    %mul3A_3 = arith.mulf %get3A_1, %mul3A_2 : vector<1x128xf32>
    %get3A_4 = arith.constant 0 : index
    %get3A_5 = arith.constant 0 : index
    %get3A_6 = vector.load %arg1[%get3A_4, %get3A_5] : memref<128x40xf32, #tpu.memory_space<vmem>>, vector<128x40xf32>
    %dot_general3A = arith.constant dense<0.000000e+00> : vector<1x40xf32>
    %dot_general3A_7 = tpu.matmul %mul3A_3, %get3A_6, %dot_general3A {dimension_numbers = #tpu.dot_dimension_numbers<[1], [0], [0], [1], [0, 0, 1, 1], [], []>, transpose_lhs_hint = false} : vector<1x128xf32>, vector<128x40xf32>, vector<1x40xf32> -> vector<1x40xf32>
    %get3A_8 = arith.constant 0 : index
    %get3A_9 = arith.constant 0 : index
    %get3A_10 = vector.load %arg2[%get3A_8, %get3A_9] : memref<1x40xf32, #tpu.memory_space<vmem>>, vector<1x40xf32>
    %add3A = arith.addf %dot_general3A_7, %get3A_10 : vector<1x40xf32>
    %reduce_max3A = arith.constant dense<0xFF800000> : vector<40xf32>
    %reduce_max3A_11 = vector.multi_reduction <maximumf>, %add3A, %reduce_max3A [0] : vector<1x40xf32> to vector<40xf32>
    %broadcast_in_dim3A = vector.shape_cast %reduce_max3A_11 : vector<40xf32> to vector<1x40xf32>
    %sub3A = arith.subf %add3A, %broadcast_in_dim3A : vector<1x40xf32>
    %exp3A = math.exp %sub3A : vector<1x40xf32>
    %reduce_sum3A = arith.constant dense<0.000000e+00> : vector<40xf32>
    %reduce_sum3A_12 = vector.multi_reduction <add>, %exp3A, %reduce_sum3A [0] : vector<1x40xf32> to vector<40xf32>
    %broadcast_in_dim3A_13 = vector.shape_cast %reduce_sum3A_12 : vector<40xf32> to vector<1x40xf32>
    %log3A = math.log %broadcast_in_dim3A_13 : vector<1x40xf32>
    %add3A_14 = arith.addf %broadcast_in_dim3A, %log3A : vector<1x40xf32>
    %sub3A_15 = arith.subf %add3A, %add3A_14 : vector<1x40xf32>
    %swap3A = arith.constant 0 : index
    %swap3A_16 = arith.constant 0 : index
    %swap3A_17 = vector.load %arg3[%swap3A, %swap3A_16] : memref<1x40xf32, #tpu.memory_space<vmem>>, vector<1x40xf32>
    tpu.vector_store %arg3[%swap3A, %swap3A_16], %sub3A_15 {strides = array<i32>} : memref<1x40xf32, #tpu.memory_space<vmem>>, vector<1x40xf32>,
    return
  }
}

</mosaic_0001>

<sc_bundles>
// kernel: kernel.12.cloned.1.call-start
scs
__scs_entry_jumppad:
0x0: {  	(pc) =	sbr.rel $0x88, $3  }
0x1: {  	(tag) =	ssettag $0x0;
	lr =	simm.s32 $0x1  }
0x2: {  	[smem:$0x3F99] =	sst lr;
	_ =	strace $0xD0000000  }
0x3: {  	_ = 	snop  }
0x4: {  	_ = 	snop  }
0x5: {  	_ = 	snop  }
0x6: {  	_ = 	snop  }
0x7: {  	_ = 	snop  }
__scs_overlays_trampoline_lowered:
0x8: {  	[smem:$0x3FA8] =	sst s0  }
0x9: {  	[smem:$0x3FA9] =	sst s1  }
0xa: {  	[smem:$0x3FAA] =	sst s2  }
0xb: {  	[smem:$0x3FAB] =	sst s3  }
0xc: {  	[smem:$0x3FAC] =	sst s4  }
0xd: {  	[smem:$0x3FAD] =	sst s5  }
0xe: {  	[smem:$0x3FAE] =	sst s6  }
0xf: {  	[smem:$0x3FAF] =	sst s7  }
0x10: {  	[smem:$0x3FB0] =	sst s8  }
0x11: {  	[smem:$0x3FB1] =	sst s9;
	s0 =	simm.s32 @!p0 $0x0  }
0x12: {  	s1 =	sld [smem:$0x3F97];
	s0 =	simm.s32 @p0 $0x1  }
0x13: {  	[smem:$0x3FB2] =	sst s0;
	s0 =	simm.s32 @!p1 $0x0  }
0x14: {  	s2 =	sld [smem:$0x3F96];
	s0 =	simm.s32 @p1 $0x1  }
0x15: {  	[smem:$0x3FB3] =	sst s0;
	s0 =	simm.s32 @!p2 $0x0  }
0x16: {  	s3 =	sld [smem:$0x3FDB];
	s0 =	simm.s32 @p2 $0x1  }
0x17: {  	s4 =	simm.s32 $0x1BF5;
	[smem:$0x3FB5] =	sst s0  }
0x18: {  	s0 =	sld [smem:$0x3F98];
	_ =	swait.ge [sflag:s4], $0x0  }
0x19: {  	s7 =	sld [smem:$0x3F99]  }
0x1a: {  	s8 =	sadd.s32 $0xFFFFE003, lr  }
0x1b: {  	s9 =	sadd.s32 $0xFFFFFEF7, lr;
	s5 =	simm.s32 $0xFFFFFFFF;
	p2 =	slt.u32 s8, $0xFFFFF086  }
0x1c: {  	p1 =	slt.u32 s9, $0xF7A;
	s5 =	simm.s32 @!p2 $0x0  }
0x1d: {  	s5 =	simm.s32 @p1 $0x1;
	p0 =	seq.s32 s7, s2  }
0x1e: {  	s7 =	smul.u32 @!p0 $0xF7A, s2;
	p2 =	seq.s32 @!p0 s5, $0x0  }
0x1f: {  	s9 =	smul.u32 $0xF7A, s1;
	s8 =	simm.s32 @!p0 $0x1BF5;
	p2 =	por !p2, p0  }
0x20: {  	[sflag:s8] =	ssyncset.s32 @!p0 $0xFFFFF086;
	s6 =	sadd.s32 @!p0 s3, s7;
	s7 =	simm.s32 @!p0 $0x108  }
0x21: {  	s3 =	sadd.s32 s3, s9;
	s6 =	sadd.s32 @!p0 $0x88, s6;
	s7 =	simm.s32 @p2 $0x1082  }
0x22: {  	[simem:s7], [sflag:s8] =	dma.local @!p0 [hbm:s6], $0xF7A  }
0x23: {  	s9 =	sor.u32 $0xD0000000, s2;
	s6 =	simm.s32 $0x108;
	_ =	swait.ge @!p0 [sflag:s8], $0x0  }
0x24: {  	s3 =	sadd.s32 $0x88, s3;
	s6 =	simm.s32 @!p1 $0x1082;
	[sflag:s4] =	ssyncset.s32 $0xFFFFF086  }
0x25: {  	[simem:s6], [sflag:s4] =	dma.local [hbm:s3], $0xF7A  }
0x26: {  	[smem:$0x3F99] =	sst s1;
	(tag) =	ssettag s2;
	_ =	strace s9  }
0x27: {  	s1 =	sld [smem:$0x3FA9]  }
0x28: {  	s2 =	sld [smem:$0x3FAA]  }
0x29: {  	s4 =	sld [smem:$0x3FAC]  }
0x2a: {  	p0 =	seq.s32 s5, $0x0;
	s5 =	sld [smem:$0x3FAD]  }
0x2b: {  	s6 =	sld [smem:$0x3FAE]  }
0x2c: {  	s7 =	sld [smem:$0x3FAF]  }
0x2d: {  	s3 =	simm.s32 $0x108;
	s8 =	sld [smem:$0x3FB0]  }
0x2e: {  	s3 =	simm.s32 @!p0 $0x1082;
	s9 =	sld [smem:$0x3FB1]  }
0x2f: {  	lr =	sadd.s32 s0, s3;
	s0 =	sld [smem:$0x3FA8]  }
0x30: {  	s3 =	sld [smem:$0x3FAB]  }
0x31: {  	[smem:$0x3FB4] =	sst s10  }
0x32: {  	s10 =	sld [smem:$0x3FB2];
	_ =	sdelay $0x3  }
0x33: {  	p0 =	seq.s32 s10, $0x1;
	s10 =	sld [smem:$0x3FB4];
	_ =	sdelay $0x3  }
0x34: {  	[smem:$0x3FB4] =	sst s10  }
0x35: {  	s10 =	sld [smem:$0x3FB3];
	_ =	sdelay $0x3  }
0x36: {  	p1 =	seq.s32 s10, $0x1;
	s10 =	sld [smem:$0x3FB4];
	_ =	sdelay $0x3  }
0x37: {  	[smem:$0x3FB4] =	sst s10  }
0x38: {  	s10 =	sld [smem:$0x3FB5]  }
0x39: {  	_ = 	snop;
	(pc) =	sbr.ind lr, $3  }
0x3a: {  	_ = 	snop  }
0x3b: {  	_ = 	snop  }
0x3c: {  	p2 =	seq.s32 s10, $0x1;
	s10 =	sld [smem:$0x3FB4]  }
0x3d: {  	_ =	shalt  }
0x3e: {  	_ =	shalt  }
0x3f: {  	_ =	shalt  }
0x40: {  	_ =	shalt  }
0x41: {  	_ =	shalt  }
0x42: {  	_ =	shalt  }
0x43: {  	_ =	shalt  }
0x44: {  	_ =	shalt  }
0x45: {  	_ =	shalt  }
0x46: {  	_ =	shalt  }
0x47: {  	_ =	shalt  }
0x48: {  	_ =	shalt  }
0x49: {  	_ =	shalt  }
0x4a: {  	_ =	shalt  }
0x4b: {  	_ =	shalt  }
0x4c: {  	_ =	shalt  }
0x4d: {  	_ =	shalt  }
0x4e: {  	_ =	shalt  }
0x4f: {  	_ =	shalt  }
0x50: {  	_ =	shalt  }
0x51: {  	_ =	shalt  }
0x52: {  	_ =	shalt  }
0x53: {  	_ =	shalt  }
0x54: {  	_ =	shalt  }
0x55: {  	_ =	shalt  }
0x56: {  	_ =	shalt  }
0x57: {  	_ =	shalt  }
0x58: {  	_ =	shalt  }
0x59: {  	_ =	shalt  }
0x5a: {  	_ =	shalt  }
0x5b: {  	_ =	shalt  }
0x5c: {  	_ =	shalt  }
0x5d: {  	_ =	shalt  }
0x5e: {  	_ =	shalt  }
0x5f: {  	_ =	shalt  }
0x60: {  	_ =	shalt  }
0x61: {  	_ =	shalt  }
0x62: {  	_ =	shalt  }
0x63: {  	_ =	shalt  }
0x64: {  	_ =	shalt  }
0x65: {  	_ =	shalt  }
0x66: {  	_ =	shalt  }
0x67: {  	_ =	shalt  }
0x68: {  	_ =	shalt  }
0x69: {  	_ =	shalt  }
0x6a: {  	_ =	shalt  }
0x6b: {  	_ =	shalt  }
0x6c: {  	_ =	shalt  }
0x6d: {  	_ =	shalt  }
0x6e: {  	_ =	shalt  }
0x6f: {  	_ =	shalt  }
0x70: {  	_ =	shalt  }
0x71: {  	_ =	shalt  }
0x72: {  	_ =	shalt  }
0x73: {  	_ =	shalt  }
0x74: {  	_ =	shalt  }
0x75: {  	_ =	shalt  }
0x76: {  	_ =	shalt  }
0x77: {  	_ =	shalt  }
0x78: {  	_ =	shalt  }
0x79: {  	_ =	shalt  }
0x7a: {  	_ =	shalt  }
0x7b: {  	_ =	shalt  }
0x7c: {  	_ =	shalt  }
0x7d: {  	_ =	shalt  }
0x7e: {  	_ =	shalt  }
0x7f: {  	_ =	shalt  }
0x80: {  	_ =	shalt  }
0x81: {  	_ =	shalt  }
0x82: {  	_ =	shalt  }
0x83: {  	_ =	shalt  }
0x84: {  	_ =	shalt  }
0x85: {  	_ =	shalt  }
0x86: {  	_ =	shalt  }
0x87: {  	_ =	shalt  }
.Lfunc_end0:
.L_simem_size_0:
called_computation.1_lowered:
.L_overlay_start_0:
0x88: {  	s2 =	sld [smem:$0x3FD9]  }
0x89: {  	s3 =	sld [smem:$0x3FFE];
	_ =	sdelay $0x1  }
0x8a: {  	s1 =	srdreg.scid  }
0x8b: {  	s0 =	sand.u32 $0x1, s1  }
0x8c: {  	s16 =	sshll.u32 s0, $0xA;
	s2 =	sadd.s32 s3, s2  }
0x8d: {  	s2 =	sadd.s32 s2, s16  }
0x8e: {  	[smem:$0x3FC0] =	sst s2  }
0x8f: {  	_ = 	snop  }
0x90: {  	(tm) =	ssettm $0x1  }
0x91: {  	s17 =	sld [smem:$0x3FFB];
	_ =	sdelay $0x3  }
0x92: {  	_ =	strace s17  }
0x93: {  	s2 =	sld [smem:$0x3FFC];
	_ =	sdelay $0x3  }
0x94: {  	_ =	strace s2  }
0x95: {  	s2 =	sld [smem:$0x3FFD];
	_ =	sdelay $0x3  }
0x96: {  	_ =	strace s2  }
0x97: {  	_ =	strace $0x8FFFFFFF  }
0x98: {  	s18 =	sld [smem:$0x3FDB];
	_ =	sdelay $0x1  }
0x99: {  	s19 =	simm.s32 $_scs_section_size  }
0x9a: {  	s4 =	simm.s32 $_size__tile_overlayer_lowered;
	s5 =	simm.s32 $_tile_overlayer_lowered  }
0x9b: {  	s22 =	simm.s32 $0x1BFF;
	s21 =	sshll.u32 s5, $0x1;
	s2 =	sadd.s32 s19, s18  }
0x9c: {  	s6 =	simm.s32 $0x0;
	s20 =	sshll.u32 s4, $0x1;
	s4 =	sadd.s32 s21, s2  }
0x9d: {  	[timem:s6], [sflag:s22] =	dma.local [hbm:s4], s20  }
0x9e: {  	_ =	swait.ge [sflag:s22], s20  }
0x9f: {  	s3 =	ssub.s32 $0x0, s20;
	[sflag:s22] =	ssyncset.done $0x0  }
0xa0: {  	[sflag:s22] =	ssyncadd.s32 s3;
	_ =	sdelay $0x1  }
0xa1: {  	s23 =	simm.s32 $0x1B8B  }
0xa2: {  	_ =	swait.ge [sflag:s23], $0x1  }
0xa3: {  	[sflag:s23] =	ssyncset.done $0x0  }
0xa4: {  	s25 =	simm.s32 $0x1B8E;
	s24 =	sld [smem:$0x3FFE];
	[sflag:s23] =	ssyncadd.s32 $0xFFFFFFFF  }
0xa5: {  	s26 =	simm.s32 $execute0_lowered;
	[smem:$0x3FD2] =	sst s25  }
0xa6: {  	s4 =	sshll.u32 s26, $0x1;
	_ =	strace $0x80000049;
	[dreg:$0x1] =	wrdreg $0xFFFFFFFF  }
0xa7: {  	s28 =	simm.s32 $_size_execute0_lowered;
	s2 =	sadd.s32 s2, s4;
	[dreg:$0x0] =	wrdreg $0x0  }
0xa8: {  	s4 =	sshll.u32 s28, $0x1;
	[dreg:$0x2] =	wrdreg s2  }
0xa9: {  	[dreg:$0x3] =	wrdreg s4  }
0xaa: {  	[dreg:$0x4] =	wrdreg $0xC0  }
0xab: {  	_ =	task [dreg:s6], $0x5FFFF  }
0xac: {  	[dreg:$0x1] =	wrdreg $0xFFFFFFFF  }
0xad: {  	[dreg:$0x0] =	wrdreg $0x60  }
0xae: {  	[dreg:$0x2] =	wrdreg s24  }
0xaf: {  	[dreg:$0x3] =	wrdreg $0xAA000  }
0xb0: {  	[dreg:$0x4] =	wrdreg $0x9  }
0xb1: {  	_ =	task.clear_ibuf [dreg:s6], $0x5FFFF;
	_ =	strace $0x90000049  }
0xb2: {  	s29 =	simm.s32 $0x9;
	_ =	strace $0x8000004B  }
0xb3: {  	_ =	swait.ge [sflag:s29], $0x1  }
0xb4: {  	[sflag:s29] =	ssyncadd.s32 $0xFFFFFFFF  }
0xb5: {  	_ =	strace $0x9000004B  }
0xb6: {  	_ =	sfence  }
0xb7: {  	s30 =	sld [smem:$0x0];
	_ =	sdelay $0x2  }
0xb8: {  	s31 =	sshll.u32 s1, $0xD;
	s1 =	sshrl.u32 s1, $0x2  }
0xb9: {  	s3 =	sand.u32 $0x4000, s31;
	s1 =	sadd.s32 s1, s30  }
0xba: {  	s0 =	sor.u32 s3, s0;
	s1 =	sshll.u32 s1, $0x11  }
0xbb: {  	s0 =	sor.u32 s1, s0  }
0xbc: {  	s0 =	sadd.s32 $0x8F2B, s0  }
0xbd: {  	[sflag:s0] =	ssyncadd.remote.s32 $0x1  }
0xbe: {  	_ =	sfence.sel $0xFFFF  }
0xbf: {  	[dreg:$0x0] =	wrdreg $0xFFFFFFFF;
	(pc) =	sbr.abs _section_cstart, $3  }
0xc0: {  	[dreg:$0x1] =	wrdreg $0xFFFFFFFF  }
0xc1: {  	_ =	task.clear_ibuf [dreg:s6], $0x2FFFF;
	_ =	strace $0x9FFFFFFF  }
0xc2: {  	(tm) =	ssettm $0x7FFFFFFF  }
0xc3: {  	_ =	shalt  }
tec
execute0_lowered:
.L_overlay_start_1:
0x0: {  	(tag) =	ssettag $0x1  }
0x1: {  	s1 =	rddreg [dreg:$0x0]  }
0x2: {  	s0 =	srdreg.scid;
	s2 =	rddreg [dreg:$0x1]  }
0x3: {  	s19 =	stileid.u32;
	s3 =	simm.s32 $0x0;
	s28 =	simm.s32 $0x2800  }
0x4: {  	s29 =	simm.s32 $0x2880;
	s30 =	simm.s32 $0x2900;
	s17 =	smul.u32 $0x50000, s19  }
0x5: {  	s31 =	simm.s32 $0x2980;
	s0 =	sand.u32 $0x1, s0;
	s13 =	smul.u32 $0x14000, s19  }
0x6: {  	[smem:$0x7FF] =	sst s3;
	s12 =	sadd.s32 $0x3000, s1;
	s26 =	smul.u32 $0x2800, s19  }
0x7: {  	s4 =	sshll.u32 s0, $0x4;
	_ =	strace $0x8000004A;
	s6 =	ssub.s32 $0x2, s0  }
0x8: {  	s4 =	sor.u32 s19, s4;
	s7 =	sshrl.u32 s6, $0x1;
	s15 =	sadd.s32 $0x4000, s13  }
0x9: {  	s16 =	sadd.s32 $0x8000, s13;
	s5 =	smul.u32 $0x2800, s4;
	s4 =	sadd.s32 $0x17000, s1  }
0xa: {  	s14 =	ssub.s32 s6, s7;
	s18 =	sadd.s32 s15, s2;
	s7 =	sadd.s32 s16, s2  }
0xb: {  	[dreg:$0x3] =	wrdreg s18;
	s18 =	sadd.s32 $0x10000, s13;
	s9 =	sshrl.u32 s5, $0x3  }
0xc: {  	s5 =	sshrl.u32 s17, $0x2;
	s17 =	sadd.s32 $0xC000, s13;
	s10 =	sadd.s32 s18, s2  }
0xd: {  	s11 =	sadd.s32 s9, s1;
	s1 =	sadd.s32 $0x3F000, s1;
	s20 =	sadd.s32 s12, s9  }
0xe: {  	s5 =	sadd.s32 s5, s2;
	s11 =	sadd.s32 $0xD000, s11;
	[dreg:$0x4] =	wrdreg s20  }
0xf: {  	s8 =	sadd.s32 s17, s2;
	s21 =	sadd.s32 $0x10, s20;
	[dreg:$0x5] =	wrdreg s11  }
0x10: {  	s9 =	smul.u32 $0x140000, s0;
	s22 =	sadd.s32 $0x20, s20;
	[dreg:$0x6] =	wrdreg s21  }
0x11: {  	s0 =	smul.u32 $0x28000, s0;
	s6 =	sadd.s32 $0x30, s20;
	[dreg:$0x7] =	wrdreg s22  }
0x12: {  	[dreg:$0x8] =	wrdreg s6;
	s23 =	sadd.s32 s13, s9;
	s24 =	sadd.s32 s9, s15  }
0x13: {  	s25 =	sadd.s32 s9, s16;
	s20 =	sadd.s32 s9, s17;
	s0 =	sadd.s32 s26, s0  }
0x14: {  	s9 =	sadd.s32 s9, s18;
	s16 =	simm.s32 $0x4;
	s17 =	simm.s32 $0x0  }
0x15: {  	s11 =	sshrl.u32 s23, $0x3;
	s13 =	sshrl.u32 s24, $0x3;
	s15 =	sshrl.u32 s25, $0x3  }
0x16: {  	s21 =	sor.u32 $0x380, s0;
	s9 =	sshrl.u32 s9, $0x3;
	s24 =	smax.u32 s14, $0x1  }
0x17: {  	s25 =	sor.u32 $0x300, s0;
	s26 =	sor.u32 $0x200, s0;
	s0 =	sor.u32 $0x280, s0  }
0x18: {  	s14 =	simm.s32 $0x2;
	s11 =	sadd.s32 s1, s11;
	[dreg:$0xe] =	wrdreg s24  }
0x19: {  	s13 =	sadd.s32 s1, s13;
	s19 =	sadd.s32 s1, s15;
	[dreg:$0x9] =	wrdreg s11  }
0x1a: {  	s23 =	sshrl.u32 s21, $0x3;
	s0 =	sshrl.u32 s0, $0x3;
	[dreg:$0xa] =	wrdreg s13  }
0x1b: {  	s15 =	simm.s32 $0x3;
	[dreg:$0xb] =	wrdreg s19;
	s11 =	sshrl.u32 s20, $0x3  }
0x1c: {  	s21 =	sadd.s32 s23, s12;
	s24 =	sadd.s32 s0, s12;
	s0 =	simm.s32 $0x80  }
.Ltmp0:
0x1d: {  	s13 =	simm.s32 $0x6;
	s22 =	sadd.s32 s1, s11;
	(pc) =	sbr.rel .LBB2_1-.Ltmp0, $4  }
0x1e: {  	s1 =	sadd.s32 s1, s9;
	s9 =	sshrl.u32 s26, $0x3;
	[dreg:$0xc] =	wrdreg s22  }
0x1f: {  	s26 =	simm.s32 $0x7;
	s11 =	simm.s32 $0x5;
	[dreg:$0xd] =	wrdreg s1  }
0x20: {  	s1 =	sshrl.u32 s25, $0x3;
	s23 =	sadd.s32 s9, s12;
	s25 =	simm.s32 $0x2A00  }
0x21: {  	v0 =	vimm.f32 $0.0e+00;
	s22 =	sadd.s32 s1, s12;
	s1 =	simm.s32 $0x6A00;
	s12 =	simm.s32 $0x1  }
.LBB2_6:
0x22: {  	_ =	swait.ge [sflag:s13], $0x4000  }
0x23: {  	[sflag:s13] =	ssyncset.done $0x0  }
0x24: {  	[sflag:s13] =	ssyncadd.s32 $0xFFFFC000  }
0x25: {  	_ =	swait.ge [sflag:s16], $0x80  }
0x26: {  	[sflag:s16] =	ssyncset.done $0x0  }
0x27: {  	[sflag:s16] =	ssyncadd.s32 $0xFFFFFF80  }
0x28: {  	[spmem:s2] =	stream.indirect.scatter.add.f32 [tilespmem:s1], [sflag:$0x7], $0x80, s31, s0, $0xb8;
	[tilespmem:$0x1EA00] =	vst v63  }
0x29: {  	_ =	swait.ge [sflag:s26], $0x4000  }
0x2a: {  	[sflag:s26] =	ssyncset.done $0x0  }
0x2b: {  	[sflag:s26] =	ssyncadd.s32 $0xFFFFC000  }
0x2c: {  	[bflag:$0x0] =	sbarrier.arrive $0xFFFF  }
0x2d: {  	[tilespmem:s25], [sflag:$0x7] =	stream.linear.gather [spmem:s6], $0x4000, $0x38;
	[tilespmem:$0x1EA00] =	vst v63  }
0x2e: {  	_ =	swait.ge [sflag:s26], $0x4000  }
0x2f: {  	[sflag:s26] =	ssyncset.done $0x0  }
0x30: {  	s18 =	rddreg [dreg:$0x9];
	[sflag:s26] =	ssyncadd.s32 $0xFFFFC000  }
0x31: {  	[hbm4b:s18+s3] =	stream.linear.scatter [tilespmem:s25], [sflag:$0x7], $0x4000, $0x38;
	[tilespmem:$0x1EA00] =	vst v63  }
0x32: {  	_ =	swait.ge [sflag:s26], $0x4000  }
0x33: {  	[sflag:s26] =	ssyncset.done $0x0  }
0x34: {  	s19 =	rddreg [dreg:$0x3];
	[sflag:s26] =	ssyncadd.s32 $0xFFFFC000  }
0x35: {  	[tilespmem:s25], [sflag:$0x7] =	stream.linear.gather [spmem:s19], $0x4000, $0x38;
	[tilespmem:$0x1EA00] =	vst v63  }
0x36: {  	_ =	swait.ge [sflag:s26], $0x4000  }
0x37: {  	[sflag:s26] =	ssyncset.done $0x0  }
0x38: {  	s20 =	rddreg [dreg:$0xa];
	[sflag:s26] =	ssyncadd.s32 $0xFFFFC000  }
0x39: {  	[hbm4b:s20+s3] =	stream.linear.scatter [tilespmem:s25], [sflag:$0x7], $0x4000, $0x38;
	[tilespmem:$0x1EA00] =	vst v63  }
0x3a: {  	_ =	swait.ge [sflag:s26], $0x4000  }
0x3b: {  	[sflag:s26] =	ssyncset.done $0x0  }
0x3c: {  	[sflag:s26] =	ssyncadd.s32 $0xFFFFC000  }
0x3d: {  	[tilespmem:s25], [sflag:$0x7] =	stream.linear.gather [spmem:s7], $0x4000, $0x38;
	[tilespmem:$0x1EA00] =	vst v63  }
0x3e: {  	_ =	swait.ge [sflag:s26], $0x4000  }
0x3f: {  	[sflag:s26] =	ssyncset.done $0x0  }
0x40: {  	s9 =	rddreg [dreg:$0xb];
	[sflag:s26] =	ssyncadd.s32 $0xFFFFC000  }
0x41: {  	[hbm4b:s9+s3] =	stream.linear.scatter [tilespmem:s25], [sflag:$0x7], $0x4000, $0x38;
	[tilespmem:$0x1EA00] =	vst v63  }
0x42: {  	_ =	swait.ge [sflag:s26], $0x4000  }
0x43: {  	[sflag:s26] =	ssyncset.done $0x0  }
0x44: {  	[sflag:s26] =	ssyncadd.s32 $0xFFFFC000  }
0x45: {  	[tilespmem:s25], [sflag:$0x7] =	stream.linear.gather [spmem:s8], $0x4000, $0x38;
	[tilespmem:$0x1EA00] =	vst v63  }
0x46: {  	_ =	swait.ge [sflag:s26], $0x4000  }
0x47: {  	[sflag:s26] =	ssyncset.done $0x0  }
0x48: {  	s18 =	rddreg [dreg:$0xc];
	[sflag:s26] =	ssyncadd.s32 $0xFFFFC000  }
0x49: {  	[hbm4b:s18+s3] =	stream.linear.scatter [tilespmem:s25], [sflag:$0x7], $0x4000, $0x38;
	[tilespmem:$0x1EA00] =	vst v63  }
0x4a: {  	_ =	swait.ge [sflag:s26], $0x4000  }
0x4b: {  	[sflag:s26] =	ssyncset.done $0x0  }
0x4c: {  	[sflag:s26] =	ssyncadd.s32 $0xFFFFC000  }
0x4d: {  	[tilespmem:s25], [sflag:$0x7] =	stream.linear.gather [spmem:s10], $0x4000, $0x38;
	[tilespmem:$0x1EA00] =	vst v63  }
0x4e: {  	_ =	swait.ge [sflag:s26], $0x4000  }
0x4f: {  	[sflag:s26] =	ssyncset.done $0x0  }
0x50: {  	s19 =	rddreg [dreg:$0xd];
	[sflag:s26] =	ssyncadd.s32 $0xFFFFC000  }
0x51: {  	[hbm4b:s19+s3] =	stream.linear.scatter [tilespmem:s25], [sflag:$0x7], $0x4000, $0x38;
	[tilespmem:$0x1EA00] =	vst v63  }
0x52: {  	_ =	swait.ge [sflag:s26], $0x4000  }
0x53: {  	s17 =	sadd.s32 $0x1, s17;
	s20 =	rddreg [dreg:$0xe]  }
0x54: {  	p0 =	sne.s32 s17, s20  }
.Ltmp1:
0x55: {  	_ = 	snop;
	(pc) =	sbr.rel @!p0 .LBB2_7-.Ltmp1, $3  }
0x56: {  	_ =	sdelay $0x1  }
0x57: {  	[sflag:s26] =	ssyncset.done $0x0  }
0x58: {  	s5 =	smov.u32 s6;
	[sflag:s26] =	ssyncadd.s32 $0xFFFFC000  }
.LBB2_1:
0x59: {  	s9 =	sand.u32 $0xFE00, s3  }
0x5a: {  	s18 =	sand.u32 $0x70, s3;
	s19 =	sshrl.u32 s9, $0x2  }
0x5b: {  	s9 =	simm.s32 $0x40;
	s19 =	sor.u32 s18, s19;
	s18 =	simm.s32 $0x0  }
.LBB2_2:
0x5c: {  	p0 =	sne.s32 s9, $0xFFC0  }
0x5d: {  	[tilespmem:s19+$0x2A00] =	vst v0;
	s18 =	sadd.s32 $0x10, s18;
	s19 =	smov.u32 s9;
	s9 =	sadd.s32 $0x40, s9  }
.Ltmp2:
0x5e: {  	(pc) =	sbr.rel @p0 .LBB2_2-.Ltmp2, $4  }
0x5f: {  	_ = 	snop  }
0x60: {  	s19 =	sand.u32 $0xFE00, s19  }
0x61: {  	s20 =	sand.u32 $0x70, s18;
	s19 =	sshrl.u32 s19, $0x2  }
0x62: {  	s19 =	sor.u32 s20, s19  }
0x63: {  	[tilespmem:s19+$0x2A00] =	vst v0  }
0x64: {  	[spmem:s5] =	stream.linear.scatter [tilespmem:s25], [sflag:$0x7], $0x4000, $0x38;
	[tilespmem:$0x1EA00] =	vst v63  }
0x65: {  	_ =	swait.ge [sflag:s26], $0x4000  }
0x66: {  	[sflag:s26] =	ssyncset.done $0x0  }
0x67: {  	s18 =	rddreg [dreg:$0x3];
	[sflag:s26] =	ssyncadd.s32 $0xFFFFC000  }
0x68: {  	[spmem:s18] =	stream.linear.scatter [tilespmem:s25], [sflag:$0x7], $0x4000, $0x38;
	[tilespmem:$0x1EA00] =	vst v63  }
0x69: {  	_ =	swait.ge [sflag:s26], $0x4000  }
0x6a: {  	[sflag:s26] =	ssyncset.done $0x0  }
0x6b: {  	[sflag:s26] =	ssyncadd.s32 $0xFFFFC000  }
0x6c: {  	[spmem:s7] =	stream.linear.scatter [tilespmem:s25], [sflag:$0x7], $0x4000, $0x38;
	[tilespmem:$0x1EA00] =	vst v63  }
0x6d: {  	_ =	swait.ge [sflag:s26], $0x4000  }
0x6e: {  	[sflag:s26] =	ssyncset.done $0x0  }
0x6f: {  	[sflag:s26] =	ssyncadd.s32 $0xFFFFC000  }
0x70: {  	[spmem:s8] =	stream.linear.scatter [tilespmem:s25], [sflag:$0x7], $0x4000, $0x38;
	[tilespmem:$0x1EA00] =	vst v63  }
0x71: {  	_ =	swait.ge [sflag:s26], $0x4000  }
0x72: {  	[sflag:s26] =	ssyncset.done $0x0  }
0x73: {  	[sflag:s26] =	ssyncadd.s32 $0xFFFFC000  }
0x74: {  	[spmem:s10] =	stream.linear.scatter [tilespmem:s25], [sflag:$0x7], $0x4000, $0x38;
	[tilespmem:$0x1EA00] =	vst v63  }
0x75: {  	_ =	swait.ge [sflag:s26], $0x4000  }
0x76: {  	[sflag:s26] =	ssyncset.done $0x0  }
0x77: {  	[sflag:s26] =	ssyncadd.s32 $0xFFFFC000  }
0x78: {  	[bflag:$0x0] =	sbarrier.arrive $0xFFFF  }
0x79: {  	s9 =	simm.s32 $0x0;
	s19 =	rddreg [dreg:$0x5]  }
0x7a: {  	[tilespmem:s9], [sflag:$0x7] =	stream.linear.gather [hbm4b:s19+s9], $0x2800, $0x38;
	[tilespmem:$0x1EA00] =	vst v63  }
0x7b: {  	_ =	swait.ge [sflag:s26], $0x2800  }
0x7c: {  	[sflag:s26] =	ssyncset.done $0x0  }
0x7d: {  	s20 =	rddreg [dreg:$0x4];
	[sflag:s26] =	ssyncadd.s32 $0xFFFFD800  }
0x7e: {  	[tilespmem:s28], [sflag:$0x1] =	stream.linear.gather [hbm4b:s20+s9], $0x80, $0x38;
	[tilespmem:$0x1EA00] =	vst v63  }
0x7f: {  	s18 =	rddreg [dreg:$0x6]  }
0x80: {  	[tilespmem:s29], [sflag:$0x2] =	stream.linear.gather [hbm4b:s18+s9], $0x80, $0x38;
	[tilespmem:$0x1EA00] =	vst v63  }
0x81: {  	s19 =	rddreg [dreg:$0x7]  }
0x82: {  	[tilespmem:s30], [sflag:$0x3] =	stream.linear.gather [hbm4b:s19+s9], $0x80, $0x38;
	[tilespmem:$0x1EA00] =	vst v63  }
0x83: {  	s20 =	rddreg [dreg:$0x8]  }
0x84: {  	[tilespmem:s31], [sflag:$0x4] =	stream.linear.gather [hbm4b:s20+s9], $0x80, $0x38;
	[tilespmem:$0x1EA00] =	vst v63  }
0x85: {  	_ = 	snop  }
0x86: {  	[tilespmem:s25], [sflag:$0x5] =	stream.indirect.gather [hbm4b:s4+s0], $0x80, s9, s0, $0xb8;
	[tilespmem:$0x1EA00] =	vst v63  }
0x87: {  	s6 =	smov.u32 s5;
	s18 =	simm.s32 $0x280  }
0x88: {  	[tilespmem:s1], [sflag:$0x6] =	stream.indirect.gather [hbm4b:s4+s0], $0x80, s0, s0, $0xb8;
	[tilespmem:$0x1EA00] =	vst v63  }
.LBB2_4:
0x89: {  	_ =	swait.ge [sflag:s11], $0x4000  }
0x8a: {  	[sflag:s11] =	ssyncset.done $0x0  }
0x8b: {  	[sflag:s11] =	ssyncadd.s32 $0xFFFFC000  }
0x8c: {  	_ =	swait.ge [sflag:s12], $0x80  }
0x8d: {  	[sflag:s12] =	ssyncset.done $0x0  }
0x8e: {  	[sflag:s12] =	ssyncadd.s32 $0xFFFFFF80  }
0x8f: {  	[spmem:s2] =	stream.indirect.scatter.add.f32 [tilespmem:s25], [sflag:$0x7], $0x80, s28, s0, $0xb8;
	[tilespmem:$0x1EA00] =	vst v63  }
0x90: {  	p0 =	seq.s32 s9, $0x4C0;
	_ =	swait.ge [sflag:s26], $0x4000  }
0x91: {  	s19 =	sadd.s32 @!p0 s9, s23;
	[sflag:s26] =	ssyncset.done $0x0  }
0x92: {  	s20 =	simm.s32 @!p0 $0x0;
	s5 =	simm.s32 @!p0 $0x2800;
	[sflag:s26] =	ssyncadd.s32 $0xFFFFC000  }
0x93: {  	[tilespmem:s5], [sflag:$0x1] =	stream.linear.gather @!p0 [hbm4b:s19+s20], $0x80, $0x38;
	[tilespmem:$0x1EA00] =	vst v63  }
0x94: {  	s19 =	sadd.s32 $0xFFFFFE80, s18  }
0x95: {  	[tilespmem:s25], [sflag:$0x5] =	stream.indirect.gather [hbm4b:s4+s0], $0x80, s19, s0, $0xb8;
	[tilespmem:$0x1EA00] =	vst v63  }
0x96: {  	_ =	swait.ge [sflag:s13], $0x4000  }
0x97: {  	[sflag:s13] =	ssyncset.done $0x0  }
0x98: {  	[sflag:s13] =	ssyncadd.s32 $0xFFFFC000  }
0x99: {  	_ =	swait.ge [sflag:s14], $0x80  }
0x9a: {  	[sflag:s14] =	ssyncset.done $0x0  }
0x9b: {  	[sflag:s14] =	ssyncadd.s32 $0xFFFFFF80  }
0x9c: {  	[spmem:s2] =	stream.indirect.scatter.add.f32 [tilespmem:s1], [sflag:$0x7], $0x80, s29, s0, $0xb8;
	[tilespmem:$0x1EA00] =	vst v63  }
0x9d: {  	_ =	swait.ge [sflag:s26], $0x4000  }
0x9e: {  	[sflag:s26] =	ssyncset.done $0x0  }
0x9f: {  	s5 =	sadd.s32 @!p0 s9, s24;
	s19 =	simm.s32 @!p0 $0x2880;
	[sflag:s26] =	ssyncadd.s32 $0xFFFFC000  }
0xa0: {  	[tilespmem:s19], [sflag:$0x2] =	stream.linear.gather @!p0 [hbm4b:s5+s20], $0x80, $0x38;
	[tilespmem:$0x1EA00] =	vst v63  }
0xa1: {  	s20 =	sadd.s32 $0xFFFFFF00, s18  }
0xa2: {  	[tilespmem:s1], [sflag:$0x6] =	stream.indirect.gather [hbm4b:s4+s0], $0x80, s20, s0, $0xb8;
	[tilespmem:$0x1EA00] =	vst v63  }
0xa3: {  	_ =	swait.ge [sflag:s11], $0x4000  }
0xa4: {  	[sflag:s11] =	ssyncset.done $0x0  }
0xa5: {  	[sflag:s11] =	ssyncadd.s32 $0xFFFFC000  }
0xa6: {  	_ =	swait.ge [sflag:s15], $0x80  }
0xa7: {  	[sflag:s15] =	ssyncset.done $0x0  }
.Ltmp3:
0xa8: {  	[sflag:s15] =	ssyncadd.s32 $0xFFFFFF80;
	(pc) =	sbr.rel @p0 .LBB2_6-.Ltmp3, $4  }
0xa9: {  	[spmem:s2] =	stream.indirect.scatter.add.f32 [tilespmem:s25], [sflag:$0x7], $0x80, s30, s0, $0xb8;
	[tilespmem:$0x1EA00] =	vst v63  }
0xaa: {  	_ =	swait.ge [sflag:s26], $0x4000  }
0xab: {  	[sflag:s26] =	ssyncset.done $0x0  }
0xac: {  	[sflag:s26] =	ssyncadd.s32 $0xFFFFC000  }
0xad: {  	s5 =	sadd.s32 s9, s22  }
0xae: {  	[tilespmem:s30], [sflag:$0x3] =	stream.linear.gather [hbm4b:s5+s3], $0x80, $0x38;
	[tilespmem:$0x1EA00] =	vst v63  }
0xaf: {  	s19 =	sadd.s32 $0xFFFFFF80, s18  }
0xb0: {  	[tilespmem:s25], [sflag:$0x5] =	stream.indirect.gather [hbm4b:s4+s0], $0x80, s19, s0, $0xb8;
	[tilespmem:$0x1EA00] =	vst v63  }
0xb1: {  	_ =	swait.ge [sflag:s13], $0x4000  }
0xb2: {  	[sflag:s13] =	ssyncset.done $0x0  }
0xb3: {  	[sflag:s13] =	ssyncadd.s32 $0xFFFFC000  }
0xb4: {  	_ =	swait.ge [sflag:s16], $0x80  }
0xb5: {  	[sflag:s16] =	ssyncset.done $0x0  }
0xb6: {  	[sflag:s16] =	ssyncadd.s32 $0xFFFFFF80  }
0xb7: {  	[spmem:s2] =	stream.indirect.scatter.add.f32 [tilespmem:s1], [sflag:$0x7], $0x80, s31, s0, $0xb8;
	[tilespmem:$0x1EA00] =	vst v63  }
0xb8: {  	_ =	swait.ge [sflag:s26], $0x4000  }
0xb9: {  	[sflag:s26] =	ssyncset.done $0x0  }
.Ltmp4:
0xba: {  	s20 =	sadd.s32 s9, s21;
	[sflag:s26] =	ssyncadd.s32 $0xFFFFC000;
	(pc) =	sbr.rel .LBB2_4-.Ltmp4, $4  }
0xbb: {  	[tilespmem:s31], [sflag:$0x4] =	stream.linear.gather [hbm4b:s20+s3], $0x80, $0x38;
	[tilespmem:$0x1EA00] =	vst v63  }
0xbc: {  	_ = 	snop  }
0xbd: {  	[tilespmem:s1], [sflag:$0x6] =	stream.indirect.gather [hbm4b:s4+s0], $0x80, s18, s0, $0xb8;
	[tilespmem:$0x1EA00] =	vst v63  }
0xbe: {  	s9 =	sadd.s32 $0x40, s9;
	s18 =	sadd.s32 $0x200, s18  }
.LBB2_7:
0xbf: {  	_ =	sfence.sel $0x180000  }
0xc0: {  	[bflag:$0x0] =	sbarrier.arrive $0xFFFF  }
0xc1: {  	_ =	strace $0x9000004A  }
0xc2: {  	s0 =	stileid.u32;
	[bflag:$0x2] =	sbarrier.arrive $0xFFFF  }
0xc3: {  	p0 =	sne.s32 s0, $0x0;
	s0 =	rddreg [dreg:$0x2]  }
0xc4: {  	s0 =	sadd.s32 @!p0 $0x100000, s0  }
0xc5: {  	[sflag:s0] =	ssyncadd.tile.s32 @!p0 $0x1;
	_ =	shalt  }
.Lfunc_end2:
_tile_overlayer_lowered:
.L_overlay_start_2:
0xc6: {  	(tag) =	ssettag $0x2  }
0xc7: {  	s0 =	rddreg [dreg:$0x0];
	s2 =	stileid.u32  }
0xc8: {  	s1 =	rddreg [dreg:$0x1];
	p0 =	sne.s32 s2, $0x0  }
0xc9: {  	s3 =	rddreg [dreg:$0x2];
	[bflag:$0x3] =	sbarrier.arrive $0xFFFF;
	s2 =	simm.s32 @!p0 $0x1C07  }
0xca: {  	[timem:s3], [sflag:s2] =	dma.local @!p0 [hbm:s0], s1  }
0xcb: {  	s0 =	simm.s32 @!p0 $0x7  }
0xcc: {  	_ =	swait.ge @!p0 [sflag:s0], s1  }
0xcd: {  	s1 =	ssub.s32 @!p0 $0x0, s1;
	[sflag:s0] =	ssyncset.done @!p0 $0x0  }
0xce: {  	[sflag:s0] =	ssyncadd.s32 @!p0 s1  }
0xcf: {  	[bflag:$0x3] =	sbarrier.arrive $0xFFFF  }
0xd0: {  	_ =	shalt  }

// kernel: kernel.15.cloned.1.call-start
scs
__scs_entry_jumppad:
0x0: {  	(pc) =	sbr.rel $0x88, $3  }
0x1: {  	(tag) =	ssettag $0x0;
	lr =	simm.s32 $0x1  }
0x2: {  	[smem:$0x3F99] =	sst lr;
	_ =	strace $0xD0000000  }
0x3: {  	_ = 	snop  }
0x4: {  	_ = 	snop  }
0x5: {  	_ = 	snop  }
0x6: {  	_ = 	snop  }
0x7: {  	_ = 	snop  }
__scs_overlays_trampoline_lowered:
0x8: {  	[smem:$0x3FA8] =	sst s0  }
0x9: {  	[smem:$0x3FA9] =	sst s1  }
0xa: {  	[smem:$0x3FAA] =	sst s2  }
0xb: {  	[smem:$0x3FAB] =	sst s3  }
0xc: {  	[smem:$0x3FAC] =	sst s4  }
0xd: {  	[smem:$0x3FAD] =	sst s5  }
0xe: {  	[smem:$0x3FAE] =	sst s6  }
0xf: {  	[smem:$0x3FAF] =	sst s7  }
0x10: {  	[smem:$0x3FB0] =	sst s8  }
0x11: {  	[smem:$0x3FB1] =	sst s9;
	s0 =	simm.s32 @!p0 $0x0  }
0x12: {  	s1 =	sld [smem:$0x3F97];
	s0 =	simm.s32 @p0 $0x1  }
0x13: {  	[smem:$0x3FB2] =	sst s0;
	s0 =	simm.s32 @!p1 $0x0  }
0x14: {  	s2 =	sld [smem:$0x3F96];
	s0 =	simm.s32 @p1 $0x1  }
0x15: {  	[smem:$0x3FB3] =	sst s0;
	s0 =	simm.s32 @!p2 $0x0  }
0x16: {  	s3 =	sld [smem:$0x3FDB];
	s0 =	simm.s32 @p2 $0x1  }
0x17: {  	s4 =	simm.s32 $0x1BF5;
	[smem:$0x3FB5] =	sst s0  }
0x18: {  	s0 =	sld [smem:$0x3F98];
	_ =	swait.ge [sflag:s4], $0x0  }
0x19: {  	s7 =	sld [smem:$0x3F99]  }
0x1a: {  	s8 =	sadd.s32 $0xFFFFE003, lr  }
0x1b: {  	s9 =	sadd.s32 $0xFFFFFEF7, lr;
	s5 =	simm.s32 $0xFFFFFFFF;
	p2 =	slt.u32 s8, $0xFFFFF086  }
0x1c: {  	p1 =	slt.u32 s9, $0xF7A;
	s5 =	simm.s32 @!p2 $0x0  }
0x1d: {  	s5 =	simm.s32 @p1 $0x1;
	p0 =	seq.s32 s7, s2  }
0x1e: {  	s7 =	smul.u32 @!p0 $0xF7A, s2;
	p2 =	seq.s32 @!p0 s5, $0x0  }
0x1f: {  	s9 =	smul.u32 $0xF7A, s1;
	s8 =	simm.s32 @!p0 $0x1BF5;
	p2 =	por !p2, p0  }
0x20: {  	[sflag:s8] =	ssyncset.s32 @!p0 $0xFFFFF086;
	s6 =	sadd.s32 @!p0 s3, s7;
	s7 =	simm.s32 @!p0 $0x108  }
0x21: {  	s3 =	sadd.s32 s3, s9;
	s6 =	sadd.s32 @!p0 $0x88, s6;
	s7 =	simm.s32 @p2 $0x1082  }
0x22: {  	[simem:s7], [sflag:s8] =	dma.local @!p0 [hbm:s6], $0xF7A  }
0x23: {  	s9 =	sor.u32 $0xD0000000, s2;
	s6 =	simm.s32 $0x108;
	_ =	swait.ge @!p0 [sflag:s8], $0x0  }
0x24: {  	s3 =	sadd.s32 $0x88, s3;
	s6 =	simm.s32 @!p1 $0x1082;
	[sflag:s4] =	ssyncset.s32 $0xFFFFF086  }
0x25: {  	[simem:s6], [sflag:s4] =	dma.local [hbm:s3], $0xF7A  }
0x26: {  	[smem:$0x3F99] =	sst s1;
	(tag) =	ssettag s2;
	_ =	strace s9  }
0x27: {  	s1 =	sld [smem:$0x3FA9]  }
0x28: {  	s2 =	sld [smem:$0x3FAA]  }
0x29: {  	s4 =	sld [smem:$0x3FAC]  }
0x2a: {  	p0 =	seq.s32 s5, $0x0;
	s5 =	sld [smem:$0x3FAD]  }
0x2b: {  	s6 =	sld [smem:$0x3FAE]  }
0x2c: {  	s7 =	sld [smem:$0x3FAF]  }
0x2d: {  	s3 =	simm.s32 $0x108;
	s8 =	sld [smem:$0x3FB0]  }
0x2e: {  	s3 =	simm.s32 @!p0 $0x1082;
	s9 =	sld [smem:$0x3FB1]  }
0x2f: {  	lr =	sadd.s32 s0, s3;
	s0 =	sld [smem:$0x3FA8]  }
0x30: {  	s3 =	sld [smem:$0x3FAB]  }
0x31: {  	[smem:$0x3FB4] =	sst s10  }
0x32: {  	s10 =	sld [smem:$0x3FB2];
	_ =	sdelay $0x3  }
0x33: {  	p0 =	seq.s32 s10, $0x1;
	s10 =	sld [smem:$0x3FB4];
	_ =	sdelay $0x3  }
0x34: {  	[smem:$0x3FB4] =	sst s10  }
0x35: {  	s10 =	sld [smem:$0x3FB3];
	_ =	sdelay $0x3  }
0x36: {  	p1 =	seq.s32 s10, $0x1;
	s10 =	sld [smem:$0x3FB4];
	_ =	sdelay $0x3  }
0x37: {  	[smem:$0x3FB4] =	sst s10  }
0x38: {  	s10 =	sld [smem:$0x3FB5]  }
0x39: {  	_ = 	snop;
	(pc) =	sbr.ind lr, $3  }
0x3a: {  	_ = 	snop  }
0x3b: {  	_ = 	snop  }
0x3c: {  	p2 =	seq.s32 s10, $0x1;
	s10 =	sld [smem:$0x3FB4]  }
0x3d: {  	_ =	shalt  }
0x3e: {  	_ =	shalt  }
0x3f: {  	_ =	shalt  }
0x40: {  	_ =	shalt  }
0x41: {  	_ =	shalt  }
0x42: {  	_ =	shalt  }
0x43: {  	_ =	shalt  }
0x44: {  	_ =	shalt  }
0x45: {  	_ =	shalt  }
0x46: {  	_ =	shalt  }
0x47: {  	_ =	shalt  }
0x48: {  	_ =	shalt  }
0x49: {  	_ =	shalt  }
0x4a: {  	_ =	shalt  }
0x4b: {  	_ =	shalt  }
0x4c: {  	_ =	shalt  }
0x4d: {  	_ =	shalt  }
0x4e: {  	_ =	shalt  }
0x4f: {  	_ =	shalt  }
0x50: {  	_ =	shalt  }
0x51: {  	_ =	shalt  }
0x52: {  	_ =	shalt  }
0x53: {  	_ =	shalt  }
0x54: {  	_ =	shalt  }
0x55: {  	_ =	shalt  }
0x56: {  	_ =	shalt  }
0x57: {  	_ =	shalt  }
0x58: {  	_ =	shalt  }
0x59: {  	_ =	shalt  }
0x5a: {  	_ =	shalt  }
0x5b: {  	_ =	shalt  }
0x5c: {  	_ =	shalt  }
0x5d: {  	_ =	shalt  }
0x5e: {  	_ =	shalt  }
0x5f: {  	_ =	shalt  }
0x60: {  	_ =	shalt  }
0x61: {  	_ =	shalt  }
0x62: {  	_ =	shalt  }
0x63: {  	_ =	shalt  }
0x64: {  	_ =	shalt  }
0x65: {  	_ =	shalt  }
0x66: {  	_ =	shalt  }
0x67: {  	_ =	shalt  }
0x68: {  	_ =	shalt  }
0x69: {  	_ =	shalt  }
0x6a: {  	_ =	shalt  }
0x6b: {  	_ =	shalt  }
0x6c: {  	_ =	shalt  }
0x6d: {  	_ =	shalt  }
0x6e: {  	_ =	shalt  }
0x6f: {  	_ =	shalt  }
0x70: {  	_ =	shalt  }
0x71: {  	_ =	shalt  }
0x72: {  	_ =	shalt  }
0x73: {  	_ =	shalt  }
0x74: {  	_ =	shalt  }
0x75: {  	_ =	shalt  }
0x76: {  	_ =	shalt  }
0x77: {  	_ =	shalt  }
0x78: {  	_ =	shalt  }
0x79: {  	_ =	shalt  }
0x7a: {  	_ =	shalt  }
0x7b: {  	_ =	shalt  }
0x7c: {  	_ =	shalt  }
0x7d: {  	_ =	shalt  }
0x7e: {  	_ =	shalt  }
0x7f: {  	_ =	shalt  }
0x80: {  	_ =	shalt  }
0x81: {  	_ =	shalt  }
0x82: {  	_ =	shalt  }
0x83: {  	_ =	shalt  }
0x84: {  	_ =	shalt  }
0x85: {  	_ =	shalt  }
0x86: {  	_ =	shalt  }
0x87: {  	_ =	shalt  }
.Lfunc_end0:
.L_simem_size_0:
called_computation.2_lowered:
.L_overlay_start_0:
0x88: {  	s2 =	sld [smem:$0x3FD9]  }
0x89: {  	s3 =	sld [smem:$0x3FFE];
	_ =	sdelay $0x1  }
0x8a: {  	s1 =	srdreg.scid  }
0x8b: {  	s0 =	sand.u32 $0x1, s1  }
0x8c: {  	s16 =	sshll.u32 s0, $0xA;
	s2 =	sadd.s32 s3, s2  }
0x8d: {  	s2 =	sadd.s32 s2, s16  }
0x8e: {  	[smem:$0x3FC0] =	sst s2  }
0x8f: {  	_ = 	snop  }
0x90: {  	(tm) =	ssettm $0x1  }
0x91: {  	s17 =	sld [smem:$0x3FFB];
	_ =	sdelay $0x3  }
0x92: {  	_ =	strace s17  }
0x93: {  	s2 =	sld [smem:$0x3FFC];
	_ =	sdelay $0x3  }
0x94: {  	_ =	strace s2  }
0x95: {  	s2 =	sld [smem:$0x3FFD];
	_ =	sdelay $0x3  }
0x96: {  	_ =	strace s2  }
0x97: {  	_ =	strace $0x8FFFFFFF  }
0x98: {  	s18 =	sld [smem:$0x3FDB];
	_ =	sdelay $0x1  }
0x99: {  	s19 =	simm.s32 $_scs_section_size  }
0x9a: {  	s4 =	simm.s32 $_size__tile_overlayer_lowered;
	s5 =	simm.s32 $_tile_overlayer_lowered  }
0x9b: {  	s22 =	simm.s32 $0x1BFF;
	s21 =	sshll.u32 s5, $0x1;
	s2 =	sadd.s32 s19, s18  }
0x9c: {  	s6 =	simm.s32 $0x0;
	s20 =	sshll.u32 s4, $0x1;
	s4 =	sadd.s32 s21, s2  }
0x9d: {  	[timem:s6], [sflag:s22] =	dma.local [hbm:s4], s20  }
0x9e: {  	_ =	swait.ge [sflag:s22], s20  }
0x9f: {  	s3 =	ssub.s32 $0x0, s20;
	[sflag:s22] =	ssyncset.done $0x0  }
0xa0: {  	[sflag:s22] =	ssyncadd.s32 s3;
	_ =	sdelay $0x1  }
0xa1: {  	s23 =	simm.s32 $0x1B8B  }
0xa2: {  	_ =	swait.ge [sflag:s23], $0x1  }
0xa3: {  	[sflag:s23] =	ssyncset.done $0x0  }
0xa4: {  	s25 =	simm.s32 $0x1B8E;
	s24 =	sld [smem:$0x3FFE];
	[sflag:s23] =	ssyncadd.s32 $0xFFFFFFFF  }
0xa5: {  	s26 =	simm.s32 $execute0_lowered;
	[smem:$0x3FD2] =	sst s25  }
0xa6: {  	s4 =	sshll.u32 s26, $0x1;
	_ =	strace $0x8000004C;
	[dreg:$0x1] =	wrdreg $0xFFFFFFFF  }
0xa7: {  	s28 =	simm.s32 $_size_execute0_lowered;
	s2 =	sadd.s32 s2, s4;
	[dreg:$0x0] =	wrdreg $0x0  }
0xa8: {  	s4 =	sshll.u32 s28, $0x1;
	[dreg:$0x2] =	wrdreg s2  }
0xa9: {  	[dreg:$0x3] =	wrdreg s4  }
0xaa: {  	[dreg:$0x4] =	wrdreg $0xC0  }
0xab: {  	_ =	task [dreg:s6], $0x5FFFF  }
0xac: {  	[dreg:$0x1] =	wrdreg $0xFFFFFFFF  }
0xad: {  	[dreg:$0x0] =	wrdreg $0x60  }
0xae: {  	[dreg:$0x2] =	wrdreg s24  }
0xaf: {  	[dreg:$0x3] =	wrdreg $0xAA000  }
0xb0: {  	[dreg:$0x4] =	wrdreg $0x9  }
0xb1: {  	_ =	task.clear_ibuf [dreg:s6], $0x5FFFF;
	_ =	strace $0x9000004C  }
0xb2: {  	s29 =	simm.s32 $0x9;
	_ =	strace $0x8000004E  }
0xb3: {  	_ =	swait.ge [sflag:s29], $0x1  }
0xb4: {  	[sflag:s29] =	ssyncadd.s32 $0xFFFFFFFF  }
0xb5: {  	_ =	strace $0x9000004E  }
0xb6: {  	_ =	sfence  }
0xb7: {  	s30 =	sld [smem:$0x0];
	_ =	sdelay $0x2  }
0xb8: {  	s31 =	sshll.u32 s1, $0xD;
	s1 =	sshrl.u32 s1, $0x2  }
0xb9: {  	s3 =	sand.u32 $0x4000, s31;
	s1 =	sadd.s32 s1, s30  }
0xba: {  	s0 =	sor.u32 s3, s0;
	s1 =	sshll.u32 s1, $0x11  }
0xbb: {  	s0 =	sor.u32 s1, s0  }
0xbc: {  	s0 =	sadd.s32 $0x8F2B, s0  }
0xbd: {  	[sflag:s0] =	ssyncadd.remote.s32 $0x1  }
0xbe: {  	_ =	sfence.sel $0xFFFF  }
0xbf: {  	[dreg:$0x0] =	wrdreg $0xFFFFFFFF;
	(pc) =	sbr.abs _section_cstart, $3  }
0xc0: {  	[dreg:$0x1] =	wrdreg $0xFFFFFFFF  }
0xc1: {  	_ =	task.clear_ibuf [dreg:s6], $0x2FFFF;
	_ =	strace $0x9FFFFFFF  }
0xc2: {  	(tm) =	ssettm $0x7FFFFFFF  }
0xc3: {  	_ =	shalt  }
tec
execute0_lowered:
.L_overlay_start_1:
0x0: {  	(tag) =	ssettag $0x1  }
0x1: {  	s1 =	rddreg [dreg:$0x0]  }
0x2: {  	s0 =	srdreg.scid;
	s2 =	rddreg [dreg:$0x1]  }
0x3: {  	s19 =	stileid.u32;
	s3 =	simm.s32 $0x0;
	s28 =	simm.s32 $0x2800  }
0x4: {  	s29 =	simm.s32 $0x2880;
	s30 =	simm.s32 $0x2900;
	s17 =	smul.u32 $0x50000, s19  }
0x5: {  	s31 =	simm.s32 $0x2980;
	s0 =	sand.u32 $0x1, s0;
	s13 =	smul.u32 $0x14000, s19  }
0x6: {  	[smem:$0x7FF] =	sst s3;
	s12 =	sadd.s32 $0x3000, s1;
	s26 =	smul.u32 $0x2800, s19  }
0x7: {  	s4 =	sshll.u32 s0, $0x4;
	_ =	strace $0x8000004D;
	s6 =	ssub.s32 $0x2, s0  }
0x8: {  	s4 =	sor.u32 s19, s4;
	s7 =	sshrl.u32 s6, $0x1;
	s15 =	sadd.s32 $0x4000, s13  }
0x9: {  	s16 =	sadd.s32 $0x8000, s13;
	s5 =	smul.u32 $0x2800, s4;
	s4 =	sadd.s32 $0x17000, s1  }
0xa: {  	s14 =	ssub.s32 s6, s7;
	s18 =	sadd.s32 s15, s2;
	s7 =	sadd.s32 s16, s2  }
0xb: {  	[dreg:$0x3] =	wrdreg s18;
	s18 =	sadd.s32 $0x10000, s13;
	s9 =	sshrl.u32 s5, $0x3  }
0xc: {  	s5 =	sshrl.u32 s17, $0x2;
	s17 =	sadd.s32 $0xC000, s13;
	s10 =	sadd.s32 s18, s2  }
0xd: {  	s11 =	sadd.s32 s9, s1;
	s1 =	sadd.s32 $0x3F000, s1;
	s20 =	sadd.s32 s12, s9  }
0xe: {  	s5 =	sadd.s32 s5, s2;
	s11 =	sadd.s32 $0xD000, s11;
	[dreg:$0x4] =	wrdreg s20  }
0xf: {  	s8 =	sadd.s32 s17, s2;
	s21 =	sadd.s32 $0x10, s20;
	[dreg:$0x5] =	wrdreg s11  }
0x10: {  	s9 =	smul.u32 $0x140000, s0;
	s22 =	sadd.s32 $0x20, s20;
	[dreg:$0x6] =	wrdreg s21  }
0x11: {  	s0 =	smul.u32 $0x28000, s0;
	s6 =	sadd.s32 $0x30, s20;
	[dreg:$0x7] =	wrdreg s22  }
0x12: {  	[dreg:$0x8] =	wrdreg s6;
	s23 =	sadd.s32 s13, s9;
	s24 =	sadd.s32 s9, s15  }
0x13: {  	s25 =	sadd.s32 s9, s16;
	s20 =	sadd.s32 s9, s17;
	s0 =	sadd.s32 s26, s0  }
0x14: {  	s9 =	sadd.s32 s9, s18;
	s16 =	simm.s32 $0x4;
	s17 =	simm.s32 $0x0  }
0x15: {  	s11 =	sshrl.u32 s23, $0x3;
	s13 =	sshrl.u32 s24, $0x3;
	s15 =	sshrl.u32 s25, $0x3  }
0x16: {  	s21 =	sor.u32 $0x380, s0;
	s9 =	sshrl.u32 s9, $0x3;
	s24 =	smax.u32 s14, $0x1  }
0x17: {  	s25 =	sor.u32 $0x300, s0;
	s26 =	sor.u32 $0x200, s0;
	s0 =	sor.u32 $0x280, s0  }
0x18: {  	s14 =	simm.s32 $0x2;
	s11 =	sadd.s32 s1, s11;
	[dreg:$0xe] =	wrdreg s24  }
0x19: {  	s13 =	sadd.s32 s1, s13;
	s19 =	sadd.s32 s1, s15;
	[dreg:$0x9] =	wrdreg s11  }
0x1a: {  	s23 =	sshrl.u32 s21, $0x3;
	s0 =	sshrl.u32 s0, $0x3;
	[dreg:$0xa] =	wrdreg s13  }
0x1b: {  	s15 =	simm.s32 $0x3;
	[dreg:$0xb] =	wrdreg s19;
	s11 =	sshrl.u32 s20, $0x3  }
0x1c: {  	s21 =	sadd.s32 s23, s12;
	s24 =	sadd.s32 s0, s12;
	s0 =	simm.s32 $0x80  }
.Ltmp0:
0x1d: {  	s13 =	simm.s32 $0x6;
	s22 =	sadd.s32 s1, s11;
	(pc) =	sbr.rel .LBB2_1-.Ltmp0, $4  }
0x1e: {  	s1 =	sadd.s32 s1, s9;
	s9 =	sshrl.u32 s26, $0x3;
	[dreg:$0xc] =	wrdreg s22  }
0x1f: {  	s26 =	simm.s32 $0x7;
	s11 =	simm.s32 $0x5;
	[dreg:$0xd] =	wrdreg s1  }
0x20: {  	s1 =	sshrl.u32 s25, $0x3;
	s23 =	sadd.s32 s9, s12;
	s25 =	simm.s32 $0x2A00  }
0x21: {  	v0 =	vimm.f32 $0.0e+00;
	s22 =	sadd.s32 s1, s12;
	s1 =	simm.s32 $0x6A00;
	s12 =	simm.s32 $0x1  }
.LBB2_6:
0x22: {  	_ =	swait.ge [sflag:s13], $0x4000  }
0x23: {  	[sflag:s13] =	ssyncset.done $0x0  }
0x24: {  	[sflag:s13] =	ssyncadd.s32 $0xFFFFC000  }
0x25: {  	_ =	swait.ge [sflag:s16], $0x80  }
0x26: {  	[sflag:s16] =	ssyncset.done $0x0  }
0x27: {  	[sflag:s16] =	ssyncadd.s32 $0xFFFFFF80  }
0x28: {  	[spmem:s2] =	stream.indirect.scatter.add.f32 [tilespmem:s1], [sflag:$0x7], $0x80, s31, s0, $0xb8;
	[tilespmem:$0x1EA00] =	vst v63  }
0x29: {  	_ =	swait.ge [sflag:s26], $0x4000  }
0x2a: {  	[sflag:s26] =	ssyncset.done $0x0  }
0x2b: {  	[sflag:s26] =	ssyncadd.s32 $0xFFFFC000  }
0x2c: {  	[bflag:$0x0] =	sbarrier.arrive $0xFFFF  }
0x2d: {  	[tilespmem:s25], [sflag:$0x7] =	stream.linear.gather [spmem:s6], $0x4000, $0x38;
	[tilespmem:$0x1EA00] =	vst v63  }
0x2e: {  	_ =	swait.ge [sflag:s26], $0x4000  }
0x2f: {  	[sflag:s26] =	ssyncset.done $0x0  }
0x30: {  	s18 =	rddreg [dreg:$0x9];
	[sflag:s26] =	ssyncadd.s32 $0xFFFFC000  }
0x31: {  	[hbm4b:s18+s3] =	stream.linear.scatter [tilespmem:s25], [sflag:$0x7], $0x4000, $0x38;
	[tilespmem:$0x1EA00] =	vst v63  }
0x32: {  	_ =	swait.ge [sflag:s26], $0x4000  }
0x33: {  	[sflag:s26] =	ssyncset.done $0x0  }
0x34: {  	s19 =	rddreg [dreg:$0x3];
	[sflag:s26] =	ssyncadd.s32 $0xFFFFC000  }
0x35: {  	[tilespmem:s25], [sflag:$0x7] =	stream.linear.gather [spmem:s19], $0x4000, $0x38;
	[tilespmem:$0x1EA00] =	vst v63  }
0x36: {  	_ =	swait.ge [sflag:s26], $0x4000  }
0x37: {  	[sflag:s26] =	ssyncset.done $0x0  }
0x38: {  	s20 =	rddreg [dreg:$0xa];
	[sflag:s26] =	ssyncadd.s32 $0xFFFFC000  }
0x39: {  	[hbm4b:s20+s3] =	stream.linear.scatter [tilespmem:s25], [sflag:$0x7], $0x4000, $0x38;
	[tilespmem:$0x1EA00] =	vst v63  }
0x3a: {  	_ =	swait.ge [sflag:s26], $0x4000  }
0x3b: {  	[sflag:s26] =	ssyncset.done $0x0  }
0x3c: {  	[sflag:s26] =	ssyncadd.s32 $0xFFFFC000  }
0x3d: {  	[tilespmem:s25], [sflag:$0x7] =	stream.linear.gather [spmem:s7], $0x4000, $0x38;
	[tilespmem:$0x1EA00] =	vst v63  }
0x3e: {  	_ =	swait.ge [sflag:s26], $0x4000  }
0x3f: {  	[sflag:s26] =	ssyncset.done $0x0  }
0x40: {  	s9 =	rddreg [dreg:$0xb];
	[sflag:s26] =	ssyncadd.s32 $0xFFFFC000  }
0x41: {  	[hbm4b:s9+s3] =	stream.linear.scatter [tilespmem:s25], [sflag:$0x7], $0x4000, $0x38;
	[tilespmem:$0x1EA00] =	vst v63  }
0x42: {  	_ =	swait.ge [sflag:s26], $0x4000  }
0x43: {  	[sflag:s26] =	ssyncset.done $0x0  }
0x44: {  	[sflag:s26] =	ssyncadd.s32 $0xFFFFC000  }
0x45: {  	[tilespmem:s25], [sflag:$0x7] =	stream.linear.gather [spmem:s8], $0x4000, $0x38;
	[tilespmem:$0x1EA00] =	vst v63  }
0x46: {  	_ =	swait.ge [sflag:s26], $0x4000  }
0x47: {  	[sflag:s26] =	ssyncset.done $0x0  }
0x48: {  	s18 =	rddreg [dreg:$0xc];
	[sflag:s26] =	ssyncadd.s32 $0xFFFFC000  }
0x49: {  	[hbm4b:s18+s3] =	stream.linear.scatter [tilespmem:s25], [sflag:$0x7], $0x4000, $0x38;
	[tilespmem:$0x1EA00] =	vst v63  }
0x4a: {  	_ =	swait.ge [sflag:s26], $0x4000  }
0x4b: {  	[sflag:s26] =	ssyncset.done $0x0  }
0x4c: {  	[sflag:s26] =	ssyncadd.s32 $0xFFFFC000  }
0x4d: {  	[tilespmem:s25], [sflag:$0x7] =	stream.linear.gather [spmem:s10], $0x4000, $0x38;
	[tilespmem:$0x1EA00] =	vst v63  }
0x4e: {  	_ =	swait.ge [sflag:s26], $0x4000  }
0x4f: {  	[sflag:s26] =	ssyncset.done $0x0  }
0x50: {  	s19 =	rddreg [dreg:$0xd];
	[sflag:s26] =	ssyncadd.s32 $0xFFFFC000  }
0x51: {  	[hbm4b:s19+s3] =	stream.linear.scatter [tilespmem:s25], [sflag:$0x7], $0x4000, $0x38;
	[tilespmem:$0x1EA00] =	vst v63  }
0x52: {  	_ =	swait.ge [sflag:s26], $0x4000  }
0x53: {  	s17 =	sadd.s32 $0x1, s17;
	s20 =	rddreg [dreg:$0xe]  }
0x54: {  	p0 =	sne.s32 s17, s20  }
.Ltmp1:
0x55: {  	_ = 	snop;
	(pc) =	sbr.rel @!p0 .LBB2_7-.Ltmp1, $3  }
0x56: {  	_ =	sdelay $0x1  }
0x57: {  	[sflag:s26] =	ssyncset.done $0x0  }
0x58: {  	s5 =	smov.u32 s6;
	[sflag:s26] =	ssyncadd.s32 $0xFFFFC000  }
.LBB2_1:
0x59: {  	s9 =	sand.u32 $0xFE00, s3  }
0x5a: {  	s18 =	sand.u32 $0x70, s3;
	s19 =	sshrl.u32 s9, $0x2  }
0x5b: {  	s9 =	simm.s32 $0x40;
	s19 =	sor.u32 s18, s19;
	s18 =	simm.s32 $0x0  }
.LBB2_2:
0x5c: {  	p0 =	sne.s32 s9, $0xFFC0  }
0x5d: {  	[tilespmem:s19+$0x2A00] =	vst v0;
	s18 =	sadd.s32 $0x10, s18;
	s19 =	smov.u32 s9;
	s9 =	sadd.s32 $0x40, s9  }
.Ltmp2:
0x5e: {  	(pc) =	sbr.rel @p0 .LBB2_2-.Ltmp2, $4  }
0x5f: {  	_ = 	snop  }
0x60: {  	s19 =	sand.u32 $0xFE00, s19  }
0x61: {  	s20 =	sand.u32 $0x70, s18;
	s19 =	sshrl.u32 s19, $0x2  }
0x62: {  	s19 =	sor.u32 s20, s19  }
0x63: {  	[tilespmem:s19+$0x2A00] =	vst v0  }
0x64: {  	[spmem:s5] =	stream.linear.scatter [tilespmem:s25], [sflag:$0x7], $0x4000, $0x38;
	[tilespmem:$0x1EA00] =	vst v63  }
0x65: {  	_ =	swait.ge [sflag:s26], $0x4000  }
0x66: {  	[sflag:s26] =	ssyncset.done $0x0  }
0x67: {  	s18 =	rddreg [dreg:$0x3];
	[sflag:s26] =	ssyncadd.s32 $0xFFFFC000  }
0x68: {  	[spmem:s18] =	stream.linear.scatter [tilespmem:s25], [sflag:$0x7], $0x4000, $0x38;
	[tilespmem:$0x1EA00] =	vst v63  }
0x69: {  	_ =	swait.ge [sflag:s26], $0x4000  }
0x6a: {  	[sflag:s26] =	ssyncset.done $0x0  }
0x6b: {  	[sflag:s26] =	ssyncadd.s32 $0xFFFFC000  }
0x6c: {  	[spmem:s7] =	stream.linear.scatter [tilespmem:s25], [sflag:$0x7], $0x4000, $0x38;
	[tilespmem:$0x1EA00] =	vst v63  }
0x6d: {  	_ =	swait.ge [sflag:s26], $0x4000  }
0x6e: {  	[sflag:s26] =	ssyncset.done $0x0  }
0x6f: {  	[sflag:s26] =	ssyncadd.s32 $0xFFFFC000  }
0x70: {  	[spmem:s8] =	stream.linear.scatter [tilespmem:s25], [sflag:$0x7], $0x4000, $0x38;
	[tilespmem:$0x1EA00] =	vst v63  }
0x71: {  	_ =	swait.ge [sflag:s26], $0x4000  }
0x72: {  	[sflag:s26] =	ssyncset.done $0x0  }
0x73: {  	[sflag:s26] =	ssyncadd.s32 $0xFFFFC000  }
0x74: {  	[spmem:s10] =	stream.linear.scatter [tilespmem:s25], [sflag:$0x7], $0x4000, $0x38;
	[tilespmem:$0x1EA00] =	vst v63  }
0x75: {  	_ =	swait.ge [sflag:s26], $0x4000  }
0x76: {  	[sflag:s26] =	ssyncset.done $0x0  }
0x77: {  	[sflag:s26] =	ssyncadd.s32 $0xFFFFC000  }
0x78: {  	[bflag:$0x0] =	sbarrier.arrive $0xFFFF  }
0x79: {  	s9 =	simm.s32 $0x0;
	s19 =	rddreg [dreg:$0x5]  }
0x7a: {  	[tilespmem:s9], [sflag:$0x7] =	stream.linear.gather [hbm4b:s19+s9], $0x2800, $0x38;
	[tilespmem:$0x1EA00] =	vst v63  }
0x7b: {  	_ =	swait.ge [sflag:s26], $0x2800  }
0x7c: {  	[sflag:s26] =	ssyncset.done $0x0  }
0x7d: {  	s20 =	rddreg [dreg:$0x4];
	[sflag:s26] =	ssyncadd.s32 $0xFFFFD800  }
0x7e: {  	[tilespmem:s28], [sflag:$0x1] =	stream.linear.gather [hbm4b:s20+s9], $0x80, $0x38;
	[tilespmem:$0x1EA00] =	vst v63  }
0x7f: {  	s18 =	rddreg [dreg:$0x6]  }
0x80: {  	[tilespmem:s29], [sflag:$0x2] =	stream.linear.gather [hbm4b:s18+s9], $0x80, $0x38;
	[tilespmem:$0x1EA00] =	vst v63  }
0x81: {  	s19 =	rddreg [dreg:$0x7]  }
0x82: {  	[tilespmem:s30], [sflag:$0x3] =	stream.linear.gather [hbm4b:s19+s9], $0x80, $0x38;
	[tilespmem:$0x1EA00] =	vst v63  }
0x83: {  	s20 =	rddreg [dreg:$0x8]  }
0x84: {  	[tilespmem:s31], [sflag:$0x4] =	stream.linear.gather [hbm4b:s20+s9], $0x80, $0x38;
	[tilespmem:$0x1EA00] =	vst v63  }
0x85: {  	_ = 	snop  }
0x86: {  	[tilespmem:s25], [sflag:$0x5] =	stream.indirect.gather [hbm4b:s4+s0], $0x80, s9, s0, $0xb8;
	[tilespmem:$0x1EA00] =	vst v63  }
0x87: {  	s6 =	smov.u32 s5;
	s18 =	simm.s32 $0x280  }
0x88: {  	[tilespmem:s1], [sflag:$0x6] =	stream.indirect.gather [hbm4b:s4+s0], $0x80, s0, s0, $0xb8;
	[tilespmem:$0x1EA00] =	vst v63  }
.LBB2_4:
0x89: {  	_ =	swait.ge [sflag:s11], $0x4000  }
0x8a: {  	[sflag:s11] =	ssyncset.done $0x0  }
0x8b: {  	[sflag:s11] =	ssyncadd.s32 $0xFFFFC000  }
0x8c: {  	_ =	swait.ge [sflag:s12], $0x80  }
0x8d: {  	[sflag:s12] =	ssyncset.done $0x0  }
0x8e: {  	[sflag:s12] =	ssyncadd.s32 $0xFFFFFF80  }
0x8f: {  	[spmem:s2] =	stream.indirect.scatter.add.f32 [tilespmem:s25], [sflag:$0x7], $0x80, s28, s0, $0xb8;
	[tilespmem:$0x1EA00] =	vst v63  }
0x90: {  	p0 =	seq.s32 s9, $0x4C0;
	_ =	swait.ge [sflag:s26], $0x4000  }
0x91: {  	s19 =	sadd.s32 @!p0 s9, s23;
	[sflag:s26] =	ssyncset.done $0x0  }
0x92: {  	s20 =	simm.s32 @!p0 $0x0;
	s5 =	simm.s32 @!p0 $0x2800;
	[sflag:s26] =	ssyncadd.s32 $0xFFFFC000  }
0x93: {  	[tilespmem:s5], [sflag:$0x1] =	stream.linear.gather @!p0 [hbm4b:s19+s20], $0x80, $0x38;
	[tilespmem:$0x1EA00] =	vst v63  }
0x94: {  	s19 =	sadd.s32 $0xFFFFFE80, s18  }
0x95: {  	[tilespmem:s25], [sflag:$0x5] =	stream.indirect.gather [hbm4b:s4+s0], $0x80, s19, s0, $0xb8;
	[tilespmem:$0x1EA00] =	vst v63  }
0x96: {  	_ =	swait.ge [sflag:s13], $0x4000  }
0x97: {  	[sflag:s13] =	ssyncset.done $0x0  }
0x98: {  	[sflag:s13] =	ssyncadd.s32 $0xFFFFC000  }
0x99: {  	_ =	swait.ge [sflag:s14], $0x80  }
0x9a: {  	[sflag:s14] =	ssyncset.done $0x0  }
0x9b: {  	[sflag:s14] =	ssyncadd.s32 $0xFFFFFF80  }
0x9c: {  	[spmem:s2] =	stream.indirect.scatter.add.f32 [tilespmem:s1], [sflag:$0x7], $0x80, s29, s0, $0xb8;
	[tilespmem:$0x1EA00] =	vst v63  }
0x9d: {  	_ =	swait.ge [sflag:s26], $0x4000  }
0x9e: {  	[sflag:s26] =	ssyncset.done $0x0  }
0x9f: {  	s5 =	sadd.s32 @!p0 s9, s24;
	s19 =	simm.s32 @!p0 $0x2880;
	[sflag:s26] =	ssyncadd.s32 $0xFFFFC000  }
0xa0: {  	[tilespmem:s19], [sflag:$0x2] =	stream.linear.gather @!p0 [hbm4b:s5+s20], $0x80, $0x38;
	[tilespmem:$0x1EA00] =	vst v63  }
0xa1: {  	s20 =	sadd.s32 $0xFFFFFF00, s18  }
0xa2: {  	[tilespmem:s1], [sflag:$0x6] =	stream.indirect.gather [hbm4b:s4+s0], $0x80, s20, s0, $0xb8;
	[tilespmem:$0x1EA00] =	vst v63  }
0xa3: {  	_ =	swait.ge [sflag:s11], $0x4000  }
0xa4: {  	[sflag:s11] =	ssyncset.done $0x0  }
0xa5: {  	[sflag:s11] =	ssyncadd.s32 $0xFFFFC000  }
0xa6: {  	_ =	swait.ge [sflag:s15], $0x80  }
0xa7: {  	[sflag:s15] =	ssyncset.done $0x0  }
.Ltmp3:
0xa8: {  	[sflag:s15] =	ssyncadd.s32 $0xFFFFFF80;
	(pc) =	sbr.rel @p0 .LBB2_6-.Ltmp3, $4  }
0xa9: {  	[spmem:s2] =	stream.indirect.scatter.add.f32 [tilespmem:s25], [sflag:$0x7], $0x80, s30, s0, $0xb8;
	[tilespmem:$0x1EA00] =	vst v63  }
0xaa: {  	_ =	swait.ge [sflag:s26], $0x4000  }
0xab: {  	[sflag:s26] =	ssyncset.done $0x0  }
0xac: {  	[sflag:s26] =	ssyncadd.s32 $0xFFFFC000  }
0xad: {  	s5 =	sadd.s32 s9, s22  }
0xae: {  	[tilespmem:s30], [sflag:$0x3] =	stream.linear.gather [hbm4b:s5+s3], $0x80, $0x38;
	[tilespmem:$0x1EA00] =	vst v63  }
0xaf: {  	s19 =	sadd.s32 $0xFFFFFF80, s18  }
0xb0: {  	[tilespmem:s25], [sflag:$0x5] =	stream.indirect.gather [hbm4b:s4+s0], $0x80, s19, s0, $0xb8;
	[tilespmem:$0x1EA00] =	vst v63  }
0xb1: {  	_ =	swait.ge [sflag:s13], $0x4000  }
0xb2: {  	[sflag:s13] =	ssyncset.done $0x0  }
0xb3: {  	[sflag:s13] =	ssyncadd.s32 $0xFFFFC000  }
0xb4: {  	_ =	swait.ge [sflag:s16], $0x80  }
0xb5: {  	[sflag:s16] =	ssyncset.done $0x0  }
0xb6: {  	[sflag:s16] =	ssyncadd.s32 $0xFFFFFF80  }
0xb7: {  	[spmem:s2] =	stream.indirect.scatter.add.f32 [tilespmem:s1], [sflag:$0x7], $0x80, s31, s0, $0xb8;
	[tilespmem:$0x1EA00] =	vst v63  }
0xb8: {  	_ =	swait.ge [sflag:s26], $0x4000  }
0xb9: {  	[sflag:s26] =	ssyncset.done $0x0  }
.Ltmp4:
0xba: {  	s20 =	sadd.s32 s9, s21;
	[sflag:s26] =	ssyncadd.s32 $0xFFFFC000;
	(pc) =	sbr.rel .LBB2_4-.Ltmp4, $4  }
0xbb: {  	[tilespmem:s31], [sflag:$0x4] =	stream.linear.gather [hbm4b:s20+s3], $0x80, $0x38;
	[tilespmem:$0x1EA00] =	vst v63  }
0xbc: {  	_ = 	snop  }
0xbd: {  	[tilespmem:s1], [sflag:$0x6] =	stream.indirect.gather [hbm4b:s4+s0], $0x80, s18, s0, $0xb8;
	[tilespmem:$0x1EA00] =	vst v63  }
0xbe: {  	s9 =	sadd.s32 $0x40, s9;
	s18 =	sadd.s32 $0x200, s18  }
.LBB2_7:
0xbf: {  	_ =	sfence.sel $0x180000  }
0xc0: {  	[bflag:$0x0] =	sbarrier.arrive $0xFFFF  }
0xc1: {  	_ =	strace $0x9000004D  }
0xc2: {  	s0 =	stileid.u32;
	[bflag:$0x2] =	sbarrier.arrive $0xFFFF  }
0xc3: {  	p0 =	sne.s32 s0, $0x0;
	s0 =	rddreg [dreg:$0x2]  }
0xc4: {  	s0 =	sadd.s32 @!p0 $0x100000, s0  }
0xc5: {  	[sflag:s0] =	ssyncadd.tile.s32 @!p0 $0x1;
	_ =	shalt  }
.Lfunc_end2:
_tile_overlayer_lowered:
.L_overlay_start_2:
0xc6: {  	(tag) =	ssettag $0x2  }
0xc7: {  	s0 =	rddreg [dreg:$0x0];
	s2 =	stileid.u32  }
0xc8: {  	s1 =	rddreg [dreg:$0x1];
	p0 =	sne.s32 s2, $0x0  }
0xc9: {  	s3 =	rddreg [dreg:$0x2];
	[bflag:$0x3] =	sbarrier.arrive $0xFFFF;
	s2 =	simm.s32 @!p0 $0x1C07  }
0xca: {  	[timem:s3], [sflag:s2] =	dma.local @!p0 [hbm:s0], s1  }
0xcb: {  	s0 =	simm.s32 @!p0 $0x7  }
0xcc: {  	_ =	swait.ge @!p0 [sflag:s0], s1  }
0xcd: {  	s1 =	ssub.s32 @!p0 $0x0, s1;
	[sflag:s0] =	ssyncset.done @!p0 $0x0  }
0xce: {  	[sflag:s0] =	ssyncadd.s32 @!p0 s1  }
0xcf: {  	[bflag:$0x3] =	sbarrier.arrive $0xFFFF  }
0xd0: {  	_ =	shalt  }

// kernel: kernel.9.cloned.1.call-start
scs
__scs_entry_jumppad:
0x0: {  	(pc) =	sbr.rel $0x88, $3  }
0x1: {  	(tag) =	ssettag $0x0;
	lr =	simm.s32 $0x1  }
0x2: {  	[smem:$0x3F99] =	sst lr;
	_ =	strace $0xD0000000  }
0x3: {  	_ = 	snop  }
0x4: {  	_ = 	snop  }
0x5: {  	_ = 	snop  }
0x6: {  	_ = 	snop  }
0x7: {  	_ = 	snop  }
__scs_overlays_trampoline_lowered:
0x8: {  	[smem:$0x3FA8] =	sst s0  }
0x9: {  	[smem:$0x3FA9] =	sst s1  }
0xa: {  	[smem:$0x3FAA] =	sst s2  }
0xb: {  	[smem:$0x3FAB] =	sst s3  }
0xc: {  	[smem:$0x3FAC] =	sst s4  }
0xd: {  	[smem:$0x3FAD] =	sst s5  }
0xe: {  	[smem:$0x3FAE] =	sst s6  }
0xf: {  	[smem:$0x3FAF] =	sst s7  }
0x10: {  	[smem:$0x3FB0] =	sst s8  }
0x11: {  	[smem:$0x3FB1] =	sst s9;
	s0 =	simm.s32 @!p0 $0x0  }
0x12: {  	s1 =	sld [smem:$0x3F97];
	s0 =	simm.s32 @p0 $0x1  }
0x13: {  	[smem:$0x3FB2] =	sst s0;
	s0 =	simm.s32 @!p1 $0x0  }
0x14: {  	s2 =	sld [smem:$0x3F96];
	s0 =	simm.s32 @p1 $0x1  }
0x15: {  	[smem:$0x3FB3] =	sst s0;
	s0 =	simm.s32 @!p2 $0x0  }
0x16: {  	s3 =	sld [smem:$0x3FDB];
	s0 =	simm.s32 @p2 $0x1  }
0x17: {  	s4 =	simm.s32 $0x1BF5;
	[smem:$0x3FB5] =	sst s0  }
0x18: {  	s0 =	sld [smem:$0x3F98];
	_ =	swait.ge [sflag:s4], $0x0  }
0x19: {  	s7 =	sld [smem:$0x3F99]  }
0x1a: {  	s8 =	sadd.s32 $0xFFFFE003, lr  }
0x1b: {  	s9 =	sadd.s32 $0xFFFFFEF7, lr;
	s5 =	simm.s32 $0xFFFFFFFF;
	p2 =	slt.u32 s8, $0xFFFFF086  }
0x1c: {  	p1 =	slt.u32 s9, $0xF7A;
	s5 =	simm.s32 @!p2 $0x0  }
0x1d: {  	s5 =	simm.s32 @p1 $0x1;
	p0 =	seq.s32 s7, s2  }
0x1e: {  	s7 =	smul.u32 @!p0 $0xF7A, s2;
	p2 =	seq.s32 @!p0 s5, $0x0  }
0x1f: {  	s9 =	smul.u32 $0xF7A, s1;
	s8 =	simm.s32 @!p0 $0x1BF5;
	p2 =	por !p2, p0  }
0x20: {  	[sflag:s8] =	ssyncset.s32 @!p0 $0xFFFFF086;
	s6 =	sadd.s32 @!p0 s3, s7;
	s7 =	simm.s32 @!p0 $0x108  }
0x21: {  	s3 =	sadd.s32 s3, s9;
	s6 =	sadd.s32 @!p0 $0x88, s6;
	s7 =	simm.s32 @p2 $0x1082  }
0x22: {  	[simem:s7], [sflag:s8] =	dma.local @!p0 [hbm:s6], $0xF7A  }
0x23: {  	s9 =	sor.u32 $0xD0000000, s2;
	s6 =	simm.s32 $0x108;
	_ =	swait.ge @!p0 [sflag:s8], $0x0  }
0x24: {  	s3 =	sadd.s32 $0x88, s3;
	s6 =	simm.s32 @!p1 $0x1082;
	[sflag:s4] =	ssyncset.s32 $0xFFFFF086  }
0x25: {  	[simem:s6], [sflag:s4] =	dma.local [hbm:s3], $0xF7A  }
0x26: {  	[smem:$0x3F99] =	sst s1;
	(tag) =	ssettag s2;
	_ =	strace s9  }
0x27: {  	s1 =	sld [smem:$0x3FA9]  }
0x28: {  	s2 =	sld [smem:$0x3FAA]  }
0x29: {  	s4 =	sld [smem:$0x3FAC]  }
0x2a: {  	p0 =	seq.s32 s5, $0x0;
	s5 =	sld [smem:$0x3FAD]  }
0x2b: {  	s6 =	sld [smem:$0x3FAE]  }
0x2c: {  	s7 =	sld [smem:$0x3FAF]  }
0x2d: {  	s3 =	simm.s32 $0x108;
	s8 =	sld [smem:$0x3FB0]  }
0x2e: {  	s3 =	simm.s32 @!p0 $0x1082;
	s9 =	sld [smem:$0x3FB1]  }
0x2f: {  	lr =	sadd.s32 s0, s3;
	s0 =	sld [smem:$0x3FA8]  }
0x30: {  	s3 =	sld [smem:$0x3FAB]  }
0x31: {  	[smem:$0x3FB4] =	sst s10  }
0x32: {  	s10 =	sld [smem:$0x3FB2];
	_ =	sdelay $0x3  }
0x33: {  	p0 =	seq.s32 s10, $0x1;
	s10 =	sld [smem:$0x3FB4];
	_ =	sdelay $0x3  }
0x34: {  	[smem:$0x3FB4] =	sst s10  }
0x35: {  	s10 =	sld [smem:$0x3FB3];
	_ =	sdelay $0x3  }
0x36: {  	p1 =	seq.s32 s10, $0x1;
	s10 =	sld [smem:$0x3FB4];
	_ =	sdelay $0x3  }
0x37: {  	[smem:$0x3FB4] =	sst s10  }
0x38: {  	s10 =	sld [smem:$0x3FB5]  }
0x39: {  	_ = 	snop;
	(pc) =	sbr.ind lr, $3  }
0x3a: {  	_ = 	snop  }
0x3b: {  	_ = 	snop  }
0x3c: {  	p2 =	seq.s32 s10, $0x1;
	s10 =	sld [smem:$0x3FB4]  }
0x3d: {  	_ =	shalt  }
0x3e: {  	_ =	shalt  }
0x3f: {  	_ =	shalt  }
0x40: {  	_ =	shalt  }
0x41: {  	_ =	shalt  }
0x42: {  	_ =	shalt  }
0x43: {  	_ =	shalt  }
0x44: {  	_ =	shalt  }
0x45: {  	_ =	shalt  }
0x46: {  	_ =	shalt  }
0x47: {  	_ =	shalt  }
0x48: {  	_ =	shalt  }
0x49: {  	_ =	shalt  }
0x4a: {  	_ =	shalt  }
0x4b: {  	_ =	shalt  }
0x4c: {  	_ =	shalt  }
0x4d: {  	_ =	shalt  }
0x4e: {  	_ =	shalt  }
0x4f: {  	_ =	shalt  }
0x50: {  	_ =	shalt  }
0x51: {  	_ =	shalt  }
0x52: {  	_ =	shalt  }
0x53: {  	_ =	shalt  }
0x54: {  	_ =	shalt  }
0x55: {  	_ =	shalt  }
0x56: {  	_ =	shalt  }
0x57: {  	_ =	shalt  }
0x58: {  	_ =	shalt  }
0x59: {  	_ =	shalt  }
0x5a: {  	_ =	shalt  }
0x5b: {  	_ =	shalt  }
0x5c: {  	_ =	shalt  }
0x5d: {  	_ =	shalt  }
0x5e: {  	_ =	shalt  }
0x5f: {  	_ =	shalt  }
0x60: {  	_ =	shalt  }
0x61: {  	_ =	shalt  }
0x62: {  	_ =	shalt  }
0x63: {  	_ =	shalt  }
0x64: {  	_ =	shalt  }
0x65: {  	_ =	shalt  }
0x66: {  	_ =	shalt  }
0x67: {  	_ =	shalt  }
0x68: {  	_ =	shalt  }
0x69: {  	_ =	shalt  }
0x6a: {  	_ =	shalt  }
0x6b: {  	_ =	shalt  }
0x6c: {  	_ =	shalt  }
0x6d: {  	_ =	shalt  }
0x6e: {  	_ =	shalt  }
0x6f: {  	_ =	shalt  }
0x70: {  	_ =	shalt  }
0x71: {  	_ =	shalt  }
0x72: {  	_ =	shalt  }
0x73: {  	_ =	shalt  }
0x74: {  	_ =	shalt  }
0x75: {  	_ =	shalt  }
0x76: {  	_ =	shalt  }
0x77: {  	_ =	shalt  }
0x78: {  	_ =	shalt  }
0x79: {  	_ =	shalt  }
0x7a: {  	_ =	shalt  }
0x7b: {  	_ =	shalt  }
0x7c: {  	_ =	shalt  }
0x7d: {  	_ =	shalt  }
0x7e: {  	_ =	shalt  }
0x7f: {  	_ =	shalt  }
0x80: {  	_ =	shalt  }
0x81: {  	_ =	shalt  }
0x82: {  	_ =	shalt  }
0x83: {  	_ =	shalt  }
0x84: {  	_ =	shalt  }
0x85: {  	_ =	shalt  }
0x86: {  	_ =	shalt  }
0x87: {  	_ =	shalt  }
.Lfunc_end0:
.L_simem_size_0:
called_computation_lowered:
.L_overlay_start_0:
0x88: {  	s2 =	sld [smem:$0x3FD9]  }
0x89: {  	s3 =	sld [smem:$0x3FFE];
	_ =	sdelay $0x1  }
0x8a: {  	s1 =	srdreg.scid  }
0x8b: {  	s0 =	sand.u32 $0x1, s1  }
0x8c: {  	s16 =	sshll.u32 s0, $0xA;
	s2 =	sadd.s32 s3, s2  }
0x8d: {  	s2 =	sadd.s32 s2, s16  }
0x8e: {  	[smem:$0x3FC0] =	sst s2  }
0x8f: {  	_ = 	snop  }
0x90: {  	(tm) =	ssettm $0x1  }
0x91: {  	s17 =	sld [smem:$0x3FFB];
	_ =	sdelay $0x3  }
0x92: {  	_ =	strace s17  }
0x93: {  	s2 =	sld [smem:$0x3FFC];
	_ =	sdelay $0x3  }
0x94: {  	_ =	strace s2  }
0x95: {  	s2 =	sld [smem:$0x3FFD];
	_ =	sdelay $0x3  }
0x96: {  	_ =	strace s2  }
0x97: {  	_ =	strace $0x8FFFFFFF  }
0x98: {  	s18 =	sld [smem:$0x3FDB];
	_ =	sdelay $0x1  }
0x99: {  	s19 =	simm.s32 $_scs_section_size  }
0x9a: {  	s4 =	simm.s32 $_size__tile_overlayer_lowered;
	s5 =	simm.s32 $_tile_overlayer_lowered  }
0x9b: {  	s22 =	simm.s32 $0x1BFF;
	s21 =	sshll.u32 s5, $0x1;
	s2 =	sadd.s32 s19, s18  }
0x9c: {  	s6 =	simm.s32 $0x0;
	s20 =	sshll.u32 s4, $0x1;
	s4 =	sadd.s32 s21, s2  }
0x9d: {  	[timem:s6], [sflag:s22] =	dma.local [hbm:s4], s20  }
0x9e: {  	_ =	swait.ge [sflag:s22], s20  }
0x9f: {  	s3 =	ssub.s32 $0x0, s20;
	[sflag:s22] =	ssyncset.done $0x0  }
0xa0: {  	[sflag:s22] =	ssyncadd.s32 s3;
	_ =	sdelay $0x1  }
0xa1: {  	s23 =	simm.s32 $0x1B8B  }
0xa2: {  	_ =	swait.ge [sflag:s23], $0x1  }
0xa3: {  	[sflag:s23] =	ssyncset.done $0x0  }
0xa4: {  	s25 =	simm.s32 $0x1B8E;
	s24 =	sld [smem:$0x3FFE];
	[sflag:s23] =	ssyncadd.s32 $0xFFFFFFFF  }
0xa5: {  	s26 =	simm.s32 $execute0_lowered;
	[smem:$0x3FD2] =	sst s25  }
0xa6: {  	s4 =	sshll.u32 s26, $0x1;
	_ =	strace $0x80000046;
	[dreg:$0x1] =	wrdreg $0xFFFFFFFF  }
0xa7: {  	s28 =	simm.s32 $_size_execute0_lowered;
	s2 =	sadd.s32 s2, s4;
	[dreg:$0x0] =	wrdreg $0x0  }
0xa8: {  	s4 =	sshll.u32 s28, $0x1;
	[dreg:$0x2] =	wrdreg s2  }
0xa9: {  	[dreg:$0x3] =	wrdreg s4  }
0xaa: {  	[dreg:$0x4] =	wrdreg $0xC0  }
0xab: {  	_ =	task [dreg:s6], $0x5FFFF  }
0xac: {  	[dreg:$0x1] =	wrdreg $0xFFFFFFFF  }
0xad: {  	[dreg:$0x0] =	wrdreg $0x60  }
0xae: {  	[dreg:$0x2] =	wrdreg s24  }
0xaf: {  	[dreg:$0x3] =	wrdreg $0x9  }
0xb0: {  	_ =	task.clear_ibuf [dreg:s6], $0x4FFFF;
	_ =	strace $0x90000046  }
0xb1: {  	s29 =	simm.s32 $0x9;
	_ =	strace $0x80000048  }
0xb2: {  	_ =	swait.ge [sflag:s29], $0x1  }
0xb3: {  	[sflag:s29] =	ssyncadd.s32 $0xFFFFFFFF  }
0xb4: {  	_ =	strace $0x90000048  }
0xb5: {  	_ =	sfence  }
0xb6: {  	s30 =	sld [smem:$0x0];
	_ =	sdelay $0x2  }
0xb7: {  	s31 =	sshll.u32 s1, $0xD;
	s1 =	sshrl.u32 s1, $0x2  }
0xb8: {  	s3 =	sand.u32 $0x4000, s31;
	s1 =	sadd.s32 s1, s30  }
0xb9: {  	s0 =	sor.u32 s3, s0;
	s1 =	sshll.u32 s1, $0x11  }
0xba: {  	s0 =	sor.u32 s1, s0  }
0xbb: {  	s0 =	sadd.s32 $0x8F2B, s0  }
0xbc: {  	[sflag:s0] =	ssyncadd.remote.s32 $0x1  }
0xbd: {  	_ =	sfence.sel $0xFFFF  }
0xbe: {  	[dreg:$0x0] =	wrdreg $0xFFFFFFFF;
	(pc) =	sbr.abs _section_cstart, $3  }
0xbf: {  	[dreg:$0x1] =	wrdreg $0xFFFFFFFF  }
0xc0: {  	_ =	task.clear_ibuf [dreg:s6], $0x2FFFF;
	_ =	strace $0x9FFFFFFF  }
0xc1: {  	(tm) =	ssettm $0x7FFFFFFF  }
tec
execute0_lowered:
.L_overlay_start_1:
0x0: {  	(tag) =	ssettag $0x1  }
0x1: {  	s0 =	srdreg.scid  }
0x2: {  	s4 =	rddreg [dreg:$0x0];
	s2 =	simm.s32 $0x0;
	s3 =	sand.u32 $0x1, s0  }
0x3: {  	s8 =	simm.s32 $0x1;
	s0 =	stileid.u32;
	s1 =	sshll.u32 s3, $0x4  }
0x4: {  	s9 =	simm.s32 $0x2800;
	s10 =	simm.s32 $0x5000;
	s1 =	sor.u32 s0, s1  }
0x5: {  	s11 =	simm.s32 $0x7800;
	s3 =	ssub.s32 $0x2, s3;
	s5 =	smul.u32 $0x500, s1  }
0x6: {  	s12 =	simm.s32 $0x0;
	[smem:$0x7FF] =	sst s2;
	s31 =	sshrl.u32 s3, $0x1  }
0x7: {  	s1 =	rddreg [dreg:$0x1];
	s7 =	ssub.s32 s3, s31;
	s6 =	sadd.s32 s5, s4  }
0x8: {  	_ =	strace $0x80000047;
	s7 =	smax.u32 s7, $0x1;
	s3 =	sadd.s32 $0xD000, s6  }
0x9: {  	v0 =	vimm.f32 $0.0e+00;
	v1 =	vimm.f32 $1.000000000e+00;
	s4 =	sadd.s32 $0x3000, s6;
	s5 =	sadd.s32 $0x17000, s6;
	s6 =	sadd.s32 $0x21000, s6  }
.LBB2_1:
0xa: {  	[tilespmem:s2], [sflag:$0x1] =	stream.linear.gather [hbm4b:s3+s2], $0x2800, $0x38;
	[tilespmem:$0xA000] =	vst v63  }
0xb: {  	_ =	swait.ge [sflag:s8], $0x2800  }
0xc: {  	[sflag:s8] =	ssyncset.done $0x0  }
0xd: {  	[sflag:s8] =	ssyncadd.s32 $0xFFFFD800  }
0xe: {  	[tilespmem:s9], [sflag:$0x1] =	stream.linear.gather [hbm4b:s4+s2], $0x2800, $0x38;
	[tilespmem:$0xA000] =	vst v63  }
0xf: {  	_ =	swait.ge [sflag:s8], $0x2800  }
0x10: {  	[sflag:s8] =	ssyncset.done $0x0  }
0x11: {  	s13 =	simm.s32 $0x0;
	[sflag:s8] =	ssyncadd.s32 $0xFFFFD800  }
.LBB2_2:
0x12: {  	p0 =	sne.s32 s13, $0x9FC0  }
.Ltmp0:
0x13: {  	_ = 	snop;
	(pc) =	sbr.rel @p0 .LBB2_2-.Ltmp0, $4  }
0x14: {  	_ = 	snop  }
0x15: {  	s14 =	sshra.s32 s13, $0x2  }
0x16: {  	[tilespmem:s14+$0x5000] =	vst v0  }
0x17: {  	s13 =	sadd.s32 $0x40, s13;
	[tilespmem:s14+$0x7800] =	vst v0  }
0x18: {  	s14 =	simm.s32 $0x0;
	s13 =	simm.s32 $0x40  }
.LBB2_4:
0x19: {  	p0 =	sne.s32 s13, $0x9FC0;
	v2 =	vld [tilespmem:s14+$0x0];
	_ =	sdelay $0x7  }
0x1a: {  	[tilespmem:v2+s10+$0x0] =	vst.idx.add.f32.msk $0xffff, v1  }
0x1b: {  	v2 =	vld [tilespmem:s14+$0x2800];
	_ =	sdelay $0x3  }
.Ltmp1:
0x1c: {  	(pc) =	sbr.rel @p0 .LBB2_4-.Ltmp1, $2  }
0x1d: {  	_ =	sdelay $0x2  }
0x1e: {  	s14 =	sshra.s32 s13, $0x2;
	s13 =	sadd.s32 $0x40, s13;
	[tilespmem:v2+s11+$0x0] =	vst.idx.add.f32.msk $0xffff, v1  }
0x1f: {  	v2 =	vld [tilespmem:s14+$0x0];
	_ =	sdelay $0x7  }
0x20: {  	[tilespmem:v2+s10+$0x0] =	vst.idx.add.f32.msk $0xffff, v1  }
0x21: {  	v2 =	vld [tilespmem:s14+$0x2800];
	_ =	sdelay $0x7  }
0x22: {  	[tilespmem:v2+s11+$0x0] =	vst.idx.add.f32.msk $0xffff, v1  }
0x23: {  	[hbm4b:s5+s2] =	stream.linear.scatter [tilespmem:s10], [sflag:$0x1], $0x2800, $0x38;
	[tilespmem:$0xA000] =	vst v63  }
0x24: {  	s12 =	sadd.s32 $0x1, s12;
	_ =	swait.ge [sflag:s8], $0x2800  }
0x25: {  	p0 =	sne.s32 s12, s7;
	[sflag:s8] =	ssyncset.done $0x0  }
.Ltmp2:
0x26: {  	[sflag:s8] =	ssyncadd.s32 $0xFFFFD800;
	(pc) =	sbr.rel @p0 .LBB2_1-.Ltmp2, $4  }
0x27: {  	[hbm4b:s6+s2] =	stream.linear.scatter [tilespmem:s11], [sflag:$0x1], $0x2800, $0x38;
	[tilespmem:$0xA000] =	vst v63  }
0x28: {  	_ =	swait.ge [sflag:s8], $0x2800  }
0x29: {  	[sflag:s8] =	ssyncset.done $0x0  }
0x2a: {  	[sflag:s8] =	ssyncadd.s32 $0xFFFFD800  }
0x2b: {  	_ =	sfence.sel $0x180000  }
0x2c: {  	[bflag:$0x0] =	sbarrier.arrive $0xFFFF  }
0x2d: {  	p0 =	sne.s32 s0, $0x0;
	_ =	strace $0x90000047  }
0x2e: {  	s0 =	sadd.s32 @!p0 $0x100000, s1;
	[bflag:$0x2] =	sbarrier.arrive $0xFFFF  }
0x2f: {  	[sflag:s0] =	ssyncadd.tile.s32 @!p0 $0x1;
	_ =	shalt  }
.Lfunc_end2:
_tile_overlayer_lowered:
.L_overlay_start_2:
0x30: {  	(tag) =	ssettag $0x2  }
0x31: {  	s0 =	rddreg [dreg:$0x0];
	s2 =	stileid.u32  }
0x32: {  	s1 =	rddreg [dreg:$0x1];
	p0 =	sne.s32 s2, $0x0  }
0x33: {  	s3 =	rddreg [dreg:$0x2];
	[bflag:$0x3] =	sbarrier.arrive $0xFFFF;
	s2 =	simm.s32 @!p0 $0x1C01  }
0x34: {  	[timem:s3], [sflag:s2] =	dma.local @!p0 [hbm:s0], s1  }
0x35: {  	s0 =	simm.s32 @!p0 $0x1  }
0x36: {  	_ =	swait.ge @!p0 [sflag:s0], s1  }
0x37: {  	s1 =	ssub.s32 @!p0 $0x0, s1;
	[sflag:s0] =	ssyncset.done @!p0 $0x0  }
0x38: {  	[sflag:s0] =	ssyncadd.s32 @!p0 s1  }
0x39: {  	[bflag:$0x3] =	sbarrier.arrive $0xFFFF  }
0x3a: {  	_ =	shalt  }

</sc_bundles>
